<compile_context>
chip_gen: v7x
topology: tpu7x:2x2x1
jax: 0.10.2.dev20260603
libtpu: 0.0.44.dev20260713+nightly
codegen_flags: <defaults>
</compile_context>

<pallas_src>
import functools

import jax
import jax.numpy as jnp
from jax import lax
from jax.experimental import pallas as pl
from jax.experimental.pallas import tpu as pltpu
from jax.experimental.pallas import tpu_sc as plsc

VOCAB = 100000
EMBED_DIM = 128
FLAT = 4096 * 200
NUM_WORKERS = 32
PER_W = FLAT // NUM_WORKERS
CHUNK = 64
NCHUNK = PER_W // CHUNK


NBUF = 10
LOOKAHEAD = 6


def _gather_kernel(idx_hbm, table_hbm, out_hbm, idx_v, rows_v, *sems):
    sem_in = sems[:NBUF]
    sem_out = sems[NBUF:]
    wid = lax.axis_index("s") * 2 + lax.axis_index("c")
    base = wid * PER_W

    pltpu.sync_copy(idx_hbm.at[pl.ds(base, PER_W)], idx_v)

    def issue_gather(g, b):
        pltpu.async_copy(
            table_hbm.at[idx_v.at[pl.ds(g * CHUNK, CHUNK)]],
            rows_v.at[b],
            sem_in[b],
        )

    def wait_gather(g, b):
        pltpu.make_async_copy(
            table_hbm.at[idx_v.at[pl.ds(g * CHUNK, CHUNK)]],
            rows_v.at[b],
            sem_in[b],
        ).wait()

    def issue_write(g, b):
        pltpu.async_copy(
            rows_v.at[b],
            out_hbm.at[pl.ds(base + g * CHUNK, CHUNK)],
            sem_out[b],
        )

    def wait_write(g, b):
        pltpu.make_async_copy(
            rows_v.at[b],
            out_hbm.at[pl.ds(base + g * CHUNK, CHUNK)],
            sem_out[b],
        ).wait()

    def step(g, b, write_wait, issue):
        wait_gather(g, b)
        issue_write(g, b)
        bb = (b + LOOKAHEAD) % NBUF
        if issue:
            if write_wait:
                wait_write(g + LOOKAHEAD - NBUF, bb)
            issue_gather(g + LOOKAHEAD, bb)

    for b in range(LOOKAHEAD):
        issue_gather(b, b)

    for b in range(NBUF):
        step(b, b, write_wait=(b + LOOKAHEAD - NBUF) >= 0, issue=True)

    @pl.loop(NBUF, NCHUNK - NBUF, step=NBUF)
    def _block(g0):
        for b in range(NBUF):
            step(g0 + b, b, write_wait=True, issue=True)

    for b in range(NBUF):
        g = NCHUNK - NBUF + b
        step(g, b, write_wait=True, issue=(g + LOOKAHEAD) < NCHUNK)

    for g in range(NCHUNK - NBUF, NCHUNK):
        wait_write(g, g % NBUF)


@jax.jit
def _embed(idx_flat, table):
    mesh = plsc.VectorSubcoreMesh(core_axis_name="c", subcore_axis_name="s")
    f = pl.kernel(
        _gather_kernel,
        out_type=jax.ShapeDtypeStruct((FLAT, EMBED_DIM), jnp.float32),
        mesh=mesh,
        scratch_types=(
            [
                pltpu.VMEM((PER_W,), jnp.int32),
                pltpu.VMEM((NBUF, CHUNK, EMBED_DIM), jnp.float32),
            ]
            + [pltpu.SemaphoreType.DMA] * (2 * NBUF)
        ),
    )
    return f(idx_flat, table)


def kernel(lang_x, table):
    idx_flat = lang_x.reshape(FLAT).astype(jnp.int32)
    out = _embed(idx_flat, table)
    return out.reshape(lang_x.shape[0], lang_x.shape[1], EMBED_DIM)

# --- scband reference (transcript-rebuilt; emitter-appended) ---
"""Pipeline reference for scband-msa-lmembedding-77936476553353 (READ-ONLY COPY).

The authoritative reference and input builder live on the scoring server;
editing this copy changes nothing except your own understanding.
"""

import jax, jax.numpy as jnp
import numpy as np

VOCAB = 100000
EMBED_DIM = 128
BATCH = 4096
SEQ = 200

def setup_inputs(seed: int = 0) -> dict:
    key = jax.random.key(seed)
    k_idx, k_tab = jax.random.split(key)
    lang_x = jax.random.randint(k_idx, (BATCH, SEQ), 0, VOCAB, dtype=jnp.int64 if jax.config.jax_enable_x64 else jnp.int32)
    table = jax.random.normal(k_tab, (VOCAB, EMBED_DIM), dtype=jnp.float32)
    return {"lang_x": lang_x, "table": table}

def reference(lang_x, table):
    # msaLMEmbedding.forward: lang_x = self.embedding(lang_x); seqaug is None -> identity
    out = jnp.take(table, lang_x, axis=0)
    return out

if __name__ == "__main__":
    import jax
    _d = setup_inputs()
    print(jax.jit(kernel)(*tuple(_d.values())))

</pallas_src>

<mosaic_0001>
#map = affine_map<(d0, d1) -> (0)>
#map1 = affine_map<(d0, d1) -> (0, 0)>
module attributes {stable_mosaic.version = 14 : i64} {
  func.func @_gather_kernel(%arg0: i32, %arg1: i32, %arg2: memref<819200xi32, #tpu.memory_space<hbm>>, %arg3: memref<100000x128xf32, #tpu.memory_space<hbm>>, %arg4: memref<819200x128xf32, #tpu.memory_space<hbm>>, %arg5: memref<25600xi32, #tpu.memory_space<vmem>>, %arg6: memref<10x64x128xf32, #tpu.memory_space<vmem>>, %arg7: memref<!tpu.dma_semaphore, #tpu.memory_space<semaphore_mem>>, %arg8: memref<!tpu.dma_semaphore, #tpu.memory_space<semaphore_mem>>, %arg9: memref<!tpu.dma_semaphore, #tpu.memory_space<semaphore_mem>>, %arg10: memref<!tpu.dma_semaphore, #tpu.memory_space<semaphore_mem>>, %arg11: memref<!tpu.dma_semaphore, #tpu.memory_space<semaphore_mem>>, %arg12: memref<!tpu.dma_semaphore, #tpu.memory_space<semaphore_mem>>, %arg13: memref<!tpu.dma_semaphore, #tpu.memory_space<semaphore_mem>>, %arg14: memref<!tpu.dma_semaphore, #tpu.memory_space<semaphore_mem>>, %arg15: memref<!tpu.dma_semaphore, #tpu.memory_space<semaphore_mem>>, %arg16: memref<!tpu.dma_semaphore, #tpu.memory_space<semaphore_mem>>, %arg17: memref<!tpu.dma_semaphore, #tpu.memory_space<semaphore_mem>>, %arg18: memref<!tpu.dma_semaphore, #tpu.memory_space<semaphore_mem>>, %arg19: memref<!tpu.dma_semaphore, #tpu.memory_space<semaphore_mem>>, %arg20: memref<!tpu.dma_semaphore, #tpu.memory_space<semaphore_mem>>, %arg21: memref<!tpu.dma_semaphore, #tpu.memory_space<semaphore_mem>>, %arg22: memref<!tpu.dma_semaphore, #tpu.memory_space<semaphore_mem>>, %arg23: memref<!tpu.dma_semaphore, #tpu.memory_space<semaphore_mem>>, %arg24: memref<!tpu.dma_semaphore, #tpu.memory_space<semaphore_mem>>, %arg25: memref<!tpu.dma_semaphore, #tpu.memory_space<semaphore_mem>>, %arg26: memref<!tpu.dma_semaphore, #tpu.memory_space<semaphore_mem>>) attributes {dimension_semantics = [#tpu.dimension_semantics<core_parallel>, #tpu.dimension_semantics<subcore_parallel>], iteration_bounds = array<i64: 2, 16>, scalar_prefetch = 0 : i64, scratch_operands = 22 : i64, tpu.core_type = #tpu.core_type<sc_vector_subcore>, window_params = [{transform_indices = #map}, {transform_indices = #map1}, {transform_indices = #map1}]} {
    %mul3A = arith.constant 2 : i32
    %mul3A_0 = arith.muli %arg1, %mul3A : i32
    %add3A = arith.addi %mul3A_0, %arg0 : i32
    %mul3A_1 = arith.constant 25600 : i32
    %mul3A_2 = arith.muli %add3A, %mul3A_1 : i32
    "tpu.region"() ({
      %run_scoped3A = tpu.sem_alloc : memref<!tpu.dma_semaphore, #tpu.memory_space<semaphore_mem>>
      %dma_start3A_1005 = tpu.memref_slice %arg2[%mul3A_2] : memref<819200xi32, #tpu.memory_space<hbm>> -> memref<25600xi32, #tpu.memory_space<hbm>>
      %dma_start3A_1006 = tpu.memref_slice %arg2[%mul3A_2] : memref<819200xi32, #tpu.memory_space<hbm>> -> memref<25600xi32, #tpu.memory_space<hbm>>
      tpu.enqueue_dma source(%dma_start3A_1006 : memref<25600xi32, #tpu.memory_space<hbm>>) target(%arg5 : memref<25600xi32, #tpu.memory_space<vmem>>) target_semaphore(%run_scoped3A : memref<!tpu.dma_semaphore, #tpu.memory_space<semaphore_mem>>)
      %dma_wait3A_1007 = tpu.memref_slice %arg2[%mul3A_2] : memref<819200xi32, #tpu.memory_space<hbm>> -> memref<25600xi32, #tpu.memory_space<hbm>>
      %dma_wait3A_1008 = tpu.memref_slice %arg2[%mul3A_2] : memref<819200xi32, #tpu.memory_space<hbm>> -> memref<25600xi32, #tpu.memory_space<hbm>>
      tpu.wait_dma2 semaphore(%run_scoped3A : memref<!tpu.dma_semaphore, #tpu.memory_space<semaphore_mem>>) src(%dma_wait3A_1008 : memref<25600xi32, #tpu.memory_space<hbm>>) dst(%arg5 : memref<25600xi32, #tpu.memory_space<vmem>>)
      tpu.yield
    }) : () -> ()
    %dma_start3A = arith.constant 0 : i32
    %dma_start3A_3 = arith.constant 0 : i32
    %dma_start3A_4 = arith.constant 0 : i32
    %dma_start3A_5 = tpu.memref_slice %arg6[%dma_start3A, %dma_start3A_3, %dma_start3A_4] : memref<10x64x128xf32, #tpu.memory_space<vmem>> -> memref<1x64x128xf32, #tpu.memory_space<vmem>>
    %dma_start3A_6 = tpu.memref_squeeze %dma_start3A_5 : memref<1x64x128xf32, #tpu.memory_space<vmem>> -> memref<64x128xf32, #tpu.memory_space<vmem>>
    %dma_start3A_7 = arith.constant 0 : i32
    %dma_start3A_8 = tpu.memref_slice %arg5[%dma_start3A_7] : memref<25600xi32, #tpu.memory_space<vmem>> -> memref<64xi32, #tpu.memory_space<vmem>>
    %dma_start3A_9 = arith.constant 0 : i32
    %dma_start3A_10 = arith.constant 0 : i32
    %dma_start3A_11 = tpu.memref_slice %arg3[%dma_start3A_9, %dma_start3A_10] : memref<100000x128xf32, #tpu.memory_space<hbm>> -> memref<100000x128xf32, #tpu.memory_space<hbm>>
    tpu.enqueue_indirect_dma source(%dma_start3A_11 : memref<100000x128xf32, #tpu.memory_space<hbm>>) target(%dma_start3A_6 : memref<64x128xf32, #tpu.memory_space<vmem>>) offsets(%dma_start3A_8 : memref<64xi32, #tpu.memory_space<vmem>>) semaphore(%arg7 : memref<!tpu.dma_semaphore, #tpu.memory_space<semaphore_mem>>)
    %dma_start3A_12 = arith.constant 1 : i32
    %dma_start3A_13 = arith.constant 0 : i32
    %dma_start3A_14 = arith.constant 0 : i32
    %dma_start3A_15 = tpu.memref_slice %arg6[%dma_start3A_12, %dma_start3A_13, %dma_start3A_14] : memref<10x64x128xf32, #tpu.memory_space<vmem>> -> memref<1x64x128xf32, #tpu.memory_space<vmem>>
    %dma_start3A_16 = tpu.memref_squeeze %dma_start3A_15 : memref<1x64x128xf32, #tpu.memory_space<vmem>> -> memref<64x128xf32, #tpu.memory_space<vmem>>
    %dma_start3A_17 = arith.constant 64 : i32
    %dma_start3A_18 = tpu.memref_slice %arg5[%dma_start3A_17] : memref<25600xi32, #tpu.memory_space<vmem>> -> memref<64xi32, #tpu.memory_space<vmem>>
    %dma_start3A_19 = arith.constant 0 : i32
    %dma_start3A_20 = arith.constant 0 : i32
    %dma_start3A_21 = tpu.memref_slice %arg3[%dma_start3A_19, %dma_start3A_20] : memref<100000x128xf32, #tpu.memory_space<hbm>> -> memref<100000x128xf32, #tpu.memory_space<hbm>>
    tpu.enqueue_indirect_dma source(%dma_start3A_21 : memref<100000x128xf32, #tpu.memory_space<hbm>>) target(%dma_start3A_16 : memref<64x128xf32, #tpu.memory_space<vmem>>) offsets(%dma_start3A_18 : memref<64xi32, #tpu.memory_space<vmem>>) semaphore(%arg8 : memref<!tpu.dma_semaphore, #tpu.memory_space<semaphore_mem>>)
    %dma_start3A_22 = arith.constant 2 : i32
    %dma_start3A_23 = arith.constant 0 : i32
    %dma_start3A_24 = arith.constant 0 : i32
    %dma_start3A_25 = tpu.memref_slice %arg6[%dma_start3A_22, %dma_start3A_23, %dma_start3A_24] : memref<10x64x128xf32, #tpu.memory_space<vmem>> -> memref<1x64x128xf32, #tpu.memory_space<vmem>>
    %dma_start3A_26 = tpu.memref_squeeze %dma_start3A_25 : memref<1x64x128xf32, #tpu.memory_space<vmem>> -> memref<64x128xf32, #tpu.memory_space<vmem>>
    %dma_start3A_27 = arith.constant 128 : i32
    %dma_start3A_28 = tpu.memref_slice %arg5[%dma_start3A_27] : memref<25600xi32, #tpu.memory_space<vmem>> -> memref<64xi32, #tpu.memory_space<vmem>>
    %dma_start3A_29 = arith.constant 0 : i32
    %dma_start3A_30 = arith.constant 0 : i32
    %dma_start3A_31 = tpu.memref_slice %arg3[%dma_start3A_29, %dma_start3A_30] : memref<100000x128xf32, #tpu.memory_space<hbm>> -> memref<100000x128xf32, #tpu.memory_space<hbm>>
    tpu.enqueue_indirect_dma source(%dma_start3A_31 : memref<100000x128xf32, #tpu.memory_space<hbm>>) target(%dma_start3A_26 : memref<64x128xf32, #tpu.memory_space<vmem>>) offsets(%dma_start3A_28 : memref<64xi32, #tpu.memory_space<vmem>>) semaphore(%arg9 : memref<!tpu.dma_semaphore, #tpu.memory_space<semaphore_mem>>)
    %dma_start3A_32 = arith.constant 3 : i32
    %dma_start3A_33 = arith.constant 0 : i32
    %dma_start3A_34 = arith.constant 0 : i32
    %dma_start3A_35 = tpu.memref_slice %arg6[%dma_start3A_32, %dma_start3A_33, %dma_start3A_34] : memref<10x64x128xf32, #tpu.memory_space<vmem>> -> memref<1x64x128xf32, #tpu.memory_space<vmem>>
    %dma_start3A_36 = tpu.memref_squeeze %dma_start3A_35 : memref<1x64x128xf32, #tpu.memory_space<vmem>> -> memref<64x128xf32, #tpu.memory_space<vmem>>
    %dma_start3A_37 = arith.constant 192 : i32
    %dma_start3A_38 = tpu.memref_slice %arg5[%dma_start3A_37] : memref<25600xi32, #tpu.memory_space<vmem>> -> memref<64xi32, #tpu.memory_space<vmem>>
    %dma_start3A_39 = arith.constant 0 : i32
    %dma_start3A_40 = arith.constant 0 : i32
    %dma_start3A_41 = tpu.memref_slice %arg3[%dma_start3A_39, %dma_start3A_40] : memref<100000x128xf32, #tpu.memory_space<hbm>> -> memref<100000x128xf32, #tpu.memory_space<hbm>>
    tpu.enqueue_indirect_dma source(%dma_start3A_41 : memref<100000x128xf32, #tpu.memory_space<hbm>>) target(%dma_start3A_36 : memref<64x128xf32, #tpu.memory_space<vmem>>) offsets(%dma_start3A_38 : memref<64xi32, #tpu.memory_space<vmem>>) semaphore(%arg10 : memref<!tpu.dma_semaphore, #tpu.memory_space<semaphore_mem>>)
    %dma_start3A_42 = arith.constant 4 : i32
    %dma_start3A_43 = arith.constant 0 : i32
    %dma_start3A_44 = arith.constant 0 : i32
    %dma_start3A_45 = tpu.memref_slice %arg6[%dma_start3A_42, %dma_start3A_43, %dma_start3A_44] : memref<10x64x128xf32, #tpu.memory_space<vmem>> -> memref<1x64x128xf32, #tpu.memory_space<vmem>>
    %dma_start3A_46 = tpu.memref_squeeze %dma_start3A_45 : memref<1x64x128xf32, #tpu.memory_space<vmem>> -> memref<64x128xf32, #tpu.memory_space<vmem>>
    %dma_start3A_47 = arith.constant 256 : i32
    %dma_start3A_48 = tpu.memref_slice %arg5[%dma_start3A_47] : memref<25600xi32, #tpu.memory_space<vmem>> -> memref<64xi32, #tpu.memory_space<vmem>>
    %dma_start3A_49 = arith.constant 0 : i32
    %dma_start3A_50 = arith.constant 0 : i32
    %dma_start3A_51 = tpu.memref_slice %arg3[%dma_start3A_49, %dma_start3A_50] : memref<100000x128xf32, #tpu.memory_space<hbm>> -> memref<100000x128xf32, #tpu.memory_space<hbm>>
    tpu.enqueue_indirect_dma source(%dma_start3A_51 : memref<100000x128xf32, #tpu.memory_space<hbm>>) target(%dma_start3A_46 : memref<64x128xf32, #tpu.memory_space<vmem>>) offsets(%dma_start3A_48 : memref<64xi32, #tpu.memory_space<vmem>>) semaphore(%arg11 : memref<!tpu.dma_semaphore, #tpu.memory_space<semaphore_mem>>)
    %dma_start3A_52 = arith.constant 5 : i32
    %dma_start3A_53 = arith.constant 0 : i32
    %dma_start3A_54 = arith.constant 0 : i32
    %dma_start3A_55 = tpu.memref_slice %arg6[%dma_start3A_52, %dma_start3A_53, %dma_start3A_54] : memref<10x64x128xf32, #tpu.memory_space<vmem>> -> memref<1x64x128xf32, #tpu.memory_space<vmem>>
    %dma_start3A_56 = tpu.memref_squeeze %dma_start3A_55 : memref<1x64x128xf32, #tpu.memory_space<vmem>> -> memref<64x128xf32, #tpu.memory_space<vmem>>
    %dma_start3A_57 = arith.constant 320 : i32
    %dma_start3A_58 = tpu.memref_slice %arg5[%dma_start3A_57] : memref<25600xi32, #tpu.memory_space<vmem>> -> memref<64xi32, #tpu.memory_space<vmem>>
    %dma_start3A_59 = arith.constant 0 : i32
    %dma_start3A_60 = arith.constant 0 : i32
    %dma_start3A_61 = tpu.memref_slice %arg3[%dma_start3A_59, %dma_start3A_60] : memref<100000x128xf32, #tpu.memory_space<hbm>> -> memref<100000x128xf32, #tpu.memory_space<hbm>>
    tpu.enqueue_indirect_dma source(%dma_start3A_61 : memref<100000x128xf32, #tpu.memory_space<hbm>>) target(%dma_start3A_56 : memref<64x128xf32, #tpu.memory_space<vmem>>) offsets(%dma_start3A_58 : memref<64xi32, #tpu.memory_space<vmem>>) semaphore(%arg12 : memref<!tpu.dma_semaphore, #tpu.memory_space<semaphore_mem>>)
    %dma_wait3A = arith.constant 0 : i32
    %dma_wait3A_62 = arith.constant 0 : i32
    %dma_wait3A_63 = arith.constant 0 : i32
    %dma_wait3A_64 = tpu.memref_slice %arg6[%dma_wait3A, %dma_wait3A_62, %dma_wait3A_63] : memref<10x64x128xf32, #tpu.memory_space<vmem>> -> memref<1x64x128xf32, #tpu.memory_space<vmem>>
    %dma_wait3A_65 = tpu.memref_squeeze %dma_wait3A_64 : memref<1x64x128xf32, #tpu.memory_space<vmem>> -> memref<64x128xf32, #tpu.memory_space<vmem>>
    %dma_wait3A_66 = arith.constant 0 : i32
    %dma_wait3A_67 = tpu.memref_slice %arg5[%dma_wait3A_66] : memref<25600xi32, #tpu.memory_space<vmem>> -> memref<64xi32, #tpu.memory_space<vmem>>
    %dma_wait3A_68 = arith.constant 0 : i32
    %dma_wait3A_69 = arith.constant 0 : i32
    %dma_wait3A_70 = tpu.memref_slice %arg3[%dma_wait3A_68, %dma_wait3A_69] : memref<100000x128xf32, #tpu.memory_space<hbm>> -> memref<100000x128xf32, #tpu.memory_space<hbm>>
    tpu.wait_indirect_dma semaphore(%arg7 : memref<!tpu.dma_semaphore, #tpu.memory_space<semaphore_mem>>) src(%dma_wait3A_70 : memref<100000x128xf32, #tpu.memory_space<hbm>>) dst(%dma_wait3A_65 : memref<64x128xf32, #tpu.memory_space<vmem>>)
    %add3A_71 = arith.constant 0 : i32
    %add3A_72 = arith.addi %mul3A_2, %add3A_71 : i32
    %dma_start3A_73 = arith.constant 0 : i32
    %dma_start3A_74 = arith.constant 0 : i32
    %dma_start3A_75 = arith.constant 0 : i32
    %dma_start3A_76 = tpu.memref_slice %arg6[%dma_start3A_73, %dma_start3A_74, %dma_start3A_75] : memref<10x64x128xf32, #tpu.memory_space<vmem>> -> memref<1x64x128xf32, #tpu.memory_space<vmem>>
    %dma_start3A_77 = tpu.memref_squeeze %dma_start3A_76 : memref<1x64x128xf32, #tpu.memory_space<vmem>> -> memref<64x128xf32, #tpu.memory_space<vmem>>
    %dma_start3A_78 = arith.constant 0 : i32
    %dma_start3A_79 = tpu.memref_slice %arg4[%add3A_72, %dma_start3A_78] : memref<819200x128xf32, #tpu.memory_space<hbm>> -> memref<64x128xf32, #tpu.memory_space<hbm>>
    %dma_start3A_80 = arith.constant 0 : i32
    %dma_start3A_81 = tpu.memref_slice %arg4[%add3A_72, %dma_start3A_80] : memref<819200x128xf32, #tpu.memory_space<hbm>> -> memref<64x128xf32, #tpu.memory_space<hbm>>
    %dma_start3A_82 = arith.constant 0 : i32
    %dma_start3A_83 = arith.constant 0 : i32
    %dma_start3A_84 = tpu.memref_slice %arg6[%dma_start3A_73, %dma_start3A_82, %dma_start3A_83] : memref<10x64x128xf32, #tpu.memory_space<vmem>> -> memref<1x64x128xf32, #tpu.memory_space<vmem>>
    %dma_start3A_85 = tpu.memref_squeeze %dma_start3A_84 : memref<1x64x128xf32, #tpu.memory_space<vmem>> -> memref<64x128xf32, #tpu.memory_space<vmem>>
    tpu.enqueue_dma source(%dma_start3A_85 : memref<64x128xf32, #tpu.memory_space<vmem>>) target(%dma_start3A_81 : memref<64x128xf32, #tpu.memory_space<hbm>>) target_semaphore(%arg17 : memref<!tpu.dma_semaphore, #tpu.memory_space<semaphore_mem>>)
    %dma_start3A_86 = arith.constant 6 : i32
    %dma_start3A_87 = arith.constant 0 : i32
    %dma_start3A_88 = arith.constant 0 : i32
    %dma_start3A_89 = tpu.memref_slice %arg6[%dma_start3A_86, %dma_start3A_87, %dma_start3A_88] : memref<10x64x128xf32, #tpu.memory_space<vmem>> -> memref<1x64x128xf32, #tpu.memory_space<vmem>>
    %dma_start3A_90 = tpu.memref_squeeze %dma_start3A_89 : memref<1x64x128xf32, #tpu.memory_space<vmem>> -> memref<64x128xf32, #tpu.memory_space<vmem>>
    %dma_start3A_91 = arith.constant 384 : i32
    %dma_start3A_92 = tpu.memref_slice %arg5[%dma_start3A_91] : memref<25600xi32, #tpu.memory_space<vmem>> -> memref<64xi32, #tpu.memory_space<vmem>>
    %dma_start3A_93 = arith.constant 0 : i32
    %dma_start3A_94 = arith.constant 0 : i32
    %dma_start3A_95 = tpu.memref_slice %arg3[%dma_start3A_93, %dma_start3A_94] : memref<100000x128xf32, #tpu.memory_space<hbm>> -> memref<100000x128xf32, #tpu.memory_space<hbm>>
    tpu.enqueue_indirect_dma source(%dma_start3A_95 : memref<100000x128xf32, #tpu.memory_space<hbm>>) target(%dma_start3A_90 : memref<64x128xf32, #tpu.memory_space<vmem>>) offsets(%dma_start3A_92 : memref<64xi32, #tpu.memory_space<vmem>>) semaphore(%arg13 : memref<!tpu.dma_semaphore, #tpu.memory_space<semaphore_mem>>)
    %dma_wait3A_96 = arith.constant 1 : i32
    %dma_wait3A_97 = arith.constant 0 : i32
    %dma_wait3A_98 = arith.constant 0 : i32
    %dma_wait3A_99 = tpu.memref_slice %arg6[%dma_wait3A_96, %dma_wait3A_97, %dma_wait3A_98] : memref<10x64x128xf32, #tpu.memory_space<vmem>> -> memref<1x64x128xf32, #tpu.memory_space<vmem>>
    %dma_wait3A_100 = tpu.memref_squeeze %dma_wait3A_99 : memref<1x64x128xf32, #tpu.memory_space<vmem>> -> memref<64x128xf32, #tpu.memory_space<vmem>>
    %dma_wait3A_101 = arith.constant 64 : i32
    %dma_wait3A_102 = tpu.memref_slice %arg5[%dma_wait3A_101] : memref<25600xi32, #tpu.memory_space<vmem>> -> memref<64xi32, #tpu.memory_space<vmem>>
    %dma_wait3A_103 = arith.constant 0 : i32
    %dma_wait3A_104 = arith.constant 0 : i32
    %dma_wait3A_105 = tpu.memref_slice %arg3[%dma_wait3A_103, %dma_wait3A_104] : memref<100000x128xf32, #tpu.memory_space<hbm>> -> memref<100000x128xf32, #tpu.memory_space<hbm>>
    tpu.wait_indirect_dma semaphore(%arg8 : memref<!tpu.dma_semaphore, #tpu.memory_space<semaphore_mem>>) src(%dma_wait3A_105 : memref<100000x128xf32, #tpu.memory_space<hbm>>) dst(%dma_wait3A_100 : memref<64x128xf32, #tpu.memory_space<vmem>>)
    %add3A_106 = arith.constant 64 : i32
    %add3A_107 = arith.addi %mul3A_2, %add3A_106 : i32
    %dma_start3A_108 = arith.constant 1 : i32
    %dma_start3A_109 = arith.constant 0 : i32
    %dma_start3A_110 = arith.constant 0 : i32
    %dma_start3A_111 = tpu.memref_slice %arg6[%dma_start3A_108, %dma_start3A_109, %dma_start3A_110] : memref<10x64x128xf32, #tpu.memory_space<vmem>> -> memref<1x64x128xf32, #tpu.memory_space<vmem>>
    %dma_start3A_112 = tpu.memref_squeeze %dma_start3A_111 : memref<1x64x128xf32, #tpu.memory_space<vmem>> -> memref<64x128xf32, #tpu.memory_space<vmem>>
    %dma_start3A_113 = arith.constant 0 : i32
    %dma_start3A_114 = tpu.memref_slice %arg4[%add3A_107, %dma_start3A_113] : memref<819200x128xf32, #tpu.memory_space<hbm>> -> memref<64x128xf32, #tpu.memory_space<hbm>>
    %dma_start3A_115 = arith.constant 0 : i32
    %dma_start3A_116 = tpu.memref_slice %arg4[%add3A_107, %dma_start3A_115] : memref<819200x128xf32, #tpu.memory_space<hbm>> -> memref<64x128xf32, #tpu.memory_space<hbm>>
    %dma_start3A_117 = arith.constant 0 : i32
    %dma_start3A_118 = arith.constant 0 : i32
    %dma_start3A_119 = tpu.memref_slice %arg6[%dma_start3A_108, %dma_start3A_117, %dma_start3A_118] : memref<10x64x128xf32, #tpu.memory_space<vmem>> -> memref<1x64x128xf32, #tpu.memory_space<vmem>>
    %dma_start3A_120 = tpu.memref_squeeze %dma_start3A_119 : memref<1x64x128xf32, #tpu.memory_space<vmem>> -> memref<64x128xf32, #tpu.memory_space<vmem>>
    tpu.enqueue_dma source(%dma_start3A_120 : memref<64x128xf32, #tpu.memory_space<vmem>>) target(%dma_start3A_116 : memref<64x128xf32, #tpu.memory_space<hbm>>) target_semaphore(%arg18 : memref<!tpu.dma_semaphore, #tpu.memory_space<semaphore_mem>>)
    %dma_start3A_121 = arith.constant 7 : i32
    %dma_start3A_122 = arith.constant 0 : i32
    %dma_start3A_123 = arith.constant 0 : i32
    %dma_start3A_124 = tpu.memref_slice %arg6[%dma_start3A_121, %dma_start3A_122, %dma_start3A_123] : memref<10x64x128xf32, #tpu.memory_space<vmem>> -> memref<1x64x128xf32, #tpu.memory_space<vmem>>
    %dma_start3A_125 = tpu.memref_squeeze %dma_start3A_124 : memref<1x64x128xf32, #tpu.memory_space<vmem>> -> memref<64x128xf32, #tpu.memory_space<vmem>>
    %dma_start3A_126 = arith.constant 448 : i32
    %dma_start3A_127 = tpu.memref_slice %arg5[%dma_start3A_126] : memref<25600xi32, #tpu.memory_space<vmem>> -> memref<64xi32, #tpu.memory_space<vmem>>
    %dma_start3A_128 = arith.constant 0 : i32
    %dma_start3A_129 = arith.constant 0 : i32
    %dma_start3A_130 = tpu.memref_slice %arg3[%dma_start3A_128, %dma_start3A_129] : memref<100000x128xf32, #tpu.memory_space<hbm>> -> memref<100000x128xf32, #tpu.memory_space<hbm>>
    tpu.enqueue_indirect_dma source(%dma_start3A_130 : memref<100000x128xf32, #tpu.memory_space<hbm>>) target(%dma_start3A_125 : memref<64x128xf32, #tpu.memory_space<vmem>>) offsets(%dma_start3A_127 : memref<64xi32, #tpu.memory_space<vmem>>) semaphore(%arg14 : memref<!tpu.dma_semaphore, #tpu.memory_space<semaphore_mem>>)
    %dma_wait3A_131 = arith.constant 2 : i32
    %dma_wait3A_132 = arith.constant 0 : i32
    %dma_wait3A_133 = arith.constant 0 : i32
    %dma_wait3A_134 = tpu.memref_slice %arg6[%dma_wait3A_131, %dma_wait3A_132, %dma_wait3A_133] : memref<10x64x128xf32, #tpu.memory_space<vmem>> -> memref<1x64x128xf32, #tpu.memory_space<vmem>>
    %dma_wait3A_135 = tpu.memref_squeeze %dma_wait3A_134 : memref<1x64x128xf32, #tpu.memory_space<vmem>> -> memref<64x128xf32, #tpu.memory_space<vmem>>
    %dma_wait3A_136 = arith.constant 128 : i32
    %dma_wait3A_137 = tpu.memref_slice %arg5[%dma_wait3A_136] : memref<25600xi32, #tpu.memory_space<vmem>> -> memref<64xi32, #tpu.memory_space<vmem>>
    %dma_wait3A_138 = arith.constant 0 : i32
    %dma_wait3A_139 = arith.constant 0 : i32
    %dma_wait3A_140 = tpu.memref_slice %arg3[%dma_wait3A_138, %dma_wait3A_139] : memref<100000x128xf32, #tpu.memory_space<hbm>> -> memref<100000x128xf32, #tpu.memory_space<hbm>>
    tpu.wait_indirect_dma semaphore(%arg9 : memref<!tpu.dma_semaphore, #tpu.memory_space<semaphore_mem>>) src(%dma_wait3A_140 : memref<100000x128xf32, #tpu.memory_space<hbm>>) dst(%dma_wait3A_135 : memref<64x128xf32, #tpu.memory_space<vmem>>)
    %add3A_141 = arith.constant 128 : i32
    %add3A_142 = arith.addi %mul3A_2, %add3A_141 : i32
    %dma_start3A_143 = arith.constant 2 : i32
    %dma_start3A_144 = arith.constant 0 : i32
    %dma_start3A_145 = arith.constant 0 : i32
    %dma_start3A_146 = tpu.memref_slice %arg6[%dma_start3A_143, %dma_start3A_144, %dma_start3A_145] : memref<10x64x128xf32, #tpu.memory_space<vmem>> -> memref<1x64x128xf32, #tpu.memory_space<vmem>>
    %dma_start3A_147 = tpu.memref_squeeze %dma_start3A_146 : memref<1x64x128xf32, #tpu.memory_space<vmem>> -> memref<64x128xf32, #tpu.memory_space<vmem>>
    %dma_start3A_148 = arith.constant 0 : i32
    %dma_start3A_149 = tpu.memref_slice %arg4[%add3A_142, %dma_start3A_148] : memref<819200x128xf32, #tpu.memory_space<hbm>> -> memref<64x128xf32, #tpu.memory_space<hbm>>
    %dma_start3A_150 = arith.constant 0 : i32
    %dma_start3A_151 = tpu.memref_slice %arg4[%add3A_142, %dma_start3A_150] : memref<819200x128xf32, #tpu.memory_space<hbm>> -> memref<64x128xf32, #tpu.memory_space<hbm>>
    %dma_start3A_152 = arith.constant 0 : i32
    %dma_start3A_153 = arith.constant 0 : i32
    %dma_start3A_154 = tpu.memref_slice %arg6[%dma_start3A_143, %dma_start3A_152, %dma_start3A_153] : memref<10x64x128xf32, #tpu.memory_space<vmem>> -> memref<1x64x128xf32, #tpu.memory_space<vmem>>
    %dma_start3A_155 = tpu.memref_squeeze %dma_start3A_154 : memref<1x64x128xf32, #tpu.memory_space<vmem>> -> memref<64x128xf32, #tpu.memory_space<vmem>>
    tpu.enqueue_dma source(%dma_start3A_155 : memref<64x128xf32, #tpu.memory_space<vmem>>) target(%dma_start3A_151 : memref<64x128xf32, #tpu.memory_space<hbm>>) target_semaphore(%arg19 : memref<!tpu.dma_semaphore, #tpu.memory_space<semaphore_mem>>)
    %dma_start3A_156 = arith.constant 8 : i32
    %dma_start3A_157 = arith.constant 0 : i32
    %dma_start3A_158 = arith.constant 0 : i32
    %dma_start3A_159 = tpu.memref_slice %arg6[%dma_start3A_156, %dma_start3A_157, %dma_start3A_158] : memref<10x64x128xf32, #tpu.memory_space<vmem>> -> memref<1x64x128xf32, #tpu.memory_space<vmem>>
    %dma_start3A_160 = tpu.memref_squeeze %dma_start3A_159 : memref<1x64x128xf32, #tpu.memory_space<vmem>> -> memref<64x128xf32, #tpu.memory_space<vmem>>
    %dma_start3A_161 = arith.constant 512 : i32
    %dma_start3A_162 = tpu.memref_slice %arg5[%dma_start3A_161] : memref<25600xi32, #tpu.memory_space<vmem>> -> memref<64xi32, #tpu.memory_space<vmem>>
    %dma_start3A_163 = arith.constant 0 : i32
    %dma_start3A_164 = arith.constant 0 : i32
    %dma_start3A_165 = tpu.memref_slice %arg3[%dma_start3A_163, %dma_start3A_164] : memref<100000x128xf32, #tpu.memory_space<hbm>> -> memref<100000x128xf32, #tpu.memory_space<hbm>>
    tpu.enqueue_indirect_dma source(%dma_start3A_165 : memref<100000x128xf32, #tpu.memory_space<hbm>>) target(%dma_start3A_160 : memref<64x128xf32, #tpu.memory_space<vmem>>) offsets(%dma_start3A_162 : memref<64xi32, #tpu.memory_space<vmem>>) semaphore(%arg15 : memref<!tpu.dma_semaphore, #tpu.memory_space<semaphore_mem>>)
    %dma_wait3A_166 = arith.constant 3 : i32
    %dma_wait3A_167 = arith.constant 0 : i32
    %dma_wait3A_168 = arith.constant 0 : i32
    %dma_wait3A_169 = tpu.memref_slice %arg6[%dma_wait3A_166, %dma_wait3A_167, %dma_wait3A_168] : memref<10x64x128xf32, #tpu.memory_space<vmem>> -> memref<1x64x128xf32, #tpu.memory_space<vmem>>
    %dma_wait3A_170 = tpu.memref_squeeze %dma_wait3A_169 : memref<1x64x128xf32, #tpu.memory_space<vmem>> -> memref<64x128xf32, #tpu.memory_space<vmem>>
    %dma_wait3A_171 = arith.constant 192 : i32
    %dma_wait3A_172 = tpu.memref_slice %arg5[%dma_wait3A_171] : memref<25600xi32, #tpu.memory_space<vmem>> -> memref<64xi32, #tpu.memory_space<vmem>>
    %dma_wait3A_173 = arith.constant 0 : i32
    %dma_wait3A_174 = arith.constant 0 : i32
    %dma_wait3A_175 = tpu.memref_slice %arg3[%dma_wait3A_173, %dma_wait3A_174] : memref<100000x128xf32, #tpu.memory_space<hbm>> -> memref<100000x128xf32, #tpu.memory_space<hbm>>
    tpu.wait_indirect_dma semaphore(%arg10 : memref<!tpu.dma_semaphore, #tpu.memory_space<semaphore_mem>>) src(%dma_wait3A_175 : memref<100000x128xf32, #tpu.memory_space<hbm>>) dst(%dma_wait3A_170 : memref<64x128xf32, #tpu.memory_space<vmem>>)
    %add3A_176 = arith.constant 192 : i32
    %add3A_177 = arith.addi %mul3A_2, %add3A_176 : i32
    %dma_start3A_178 = arith.constant 3 : i32
    %dma_start3A_179 = arith.constant 0 : i32
    %dma_start3A_180 = arith.constant 0 : i32
    %dma_start3A_181 = tpu.memref_slice %arg6[%dma_start3A_178, %dma_start3A_179, %dma_start3A_180] : memref<10x64x128xf32, #tpu.memory_space<vmem>> -> memref<1x64x128xf32, #tpu.memory_space<vmem>>
    %dma_start3A_182 = tpu.memref_squeeze %dma_start3A_181 : memref<1x64x128xf32, #tpu.memory_space<vmem>> -> memref<64x128xf32, #tpu.memory_space<vmem>>
    %dma_start3A_183 = arith.constant 0 : i32
    %dma_start3A_184 = tpu.memref_slice %arg4[%add3A_177, %dma_start3A_183] : memref<819200x128xf32, #tpu.memory_space<hbm>> -> memref<64x128xf32, #tpu.memory_space<hbm>>
    %dma_start3A_185 = arith.constant 0 : i32
    %dma_start3A_186 = tpu.memref_slice %arg4[%add3A_177, %dma_start3A_185] : memref<819200x128xf32, #tpu.memory_space<hbm>> -> memref<64x128xf32, #tpu.memory_space<hbm>>
    %dma_start3A_187 = arith.constant 0 : i32
    %dma_start3A_188 = arith.constant 0 : i32
    %dma_start3A_189 = tpu.memref_slice %arg6[%dma_start3A_178, %dma_start3A_187, %dma_start3A_188] : memref<10x64x128xf32, #tpu.memory_space<vmem>> -> memref<1x64x128xf32, #tpu.memory_space<vmem>>
    %dma_start3A_190 = tpu.memref_squeeze %dma_start3A_189 : memref<1x64x128xf32, #tpu.memory_space<vmem>> -> memref<64x128xf32, #tpu.memory_space<vmem>>
    tpu.enqueue_dma source(%dma_start3A_190 : memref<64x128xf32, #tpu.memory_space<vmem>>) target(%dma_start3A_186 : memref<64x128xf32, #tpu.memory_space<hbm>>) target_semaphore(%arg20 : memref<!tpu.dma_semaphore, #tpu.memory_space<semaphore_mem>>)
    %dma_start3A_191 = arith.constant 9 : i32
    %dma_start3A_192 = arith.constant 0 : i32
    %dma_start3A_193 = arith.constant 0 : i32
    %dma_start3A_194 = tpu.memref_slice %arg6[%dma_start3A_191, %dma_start3A_192, %dma_start3A_193] : memref<10x64x128xf32, #tpu.memory_space<vmem>> -> memref<1x64x128xf32, #tpu.memory_space<vmem>>
    %dma_start3A_195 = tpu.memref_squeeze %dma_start3A_194 : memref<1x64x128xf32, #tpu.memory_space<vmem>> -> memref<64x128xf32, #tpu.memory_space<vmem>>
    %dma_start3A_196 = arith.constant 576 : i32
    %dma_start3A_197 = tpu.memref_slice %arg5[%dma_start3A_196] : memref<25600xi32, #tpu.memory_space<vmem>> -> memref<64xi32, #tpu.memory_space<vmem>>
    %dma_start3A_198 = arith.constant 0 : i32
    %dma_start3A_199 = arith.constant 0 : i32
    %dma_start3A_200 = tpu.memref_slice %arg3[%dma_start3A_198, %dma_start3A_199] : memref<100000x128xf32, #tpu.memory_space<hbm>> -> memref<100000x128xf32, #tpu.memory_space<hbm>>
    tpu.enqueue_indirect_dma source(%dma_start3A_200 : memref<100000x128xf32, #tpu.memory_space<hbm>>) target(%dma_start3A_195 : memref<64x128xf32, #tpu.memory_space<vmem>>) offsets(%dma_start3A_197 : memref<64xi32, #tpu.memory_space<vmem>>) semaphore(%arg16 : memref<!tpu.dma_semaphore, #tpu.memory_space<semaphore_mem>>)
    %dma_wait3A_201 = arith.constant 4 : i32
    %dma_wait3A_202 = arith.constant 0 : i32
    %dma_wait3A_203 = arith.constant 0 : i32
    %dma_wait3A_204 = tpu.memref_slice %arg6[%dma_wait3A_201, %dma_wait3A_202, %dma_wait3A_203] : memref<10x64x128xf32, #tpu.memory_space<vmem>> -> memref<1x64x128xf32, #tpu.memory_space<vmem>>
    %dma_wait3A_205 = tpu.memref_squeeze %dma_wait3A_204 : memref<1x64x128xf32, #tpu.memory_space<vmem>> -> memref<64x128xf32, #tpu.memory_space<vmem>>
    %dma_wait3A_206 = arith.constant 256 : i32
    %dma_wait3A_207 = tpu.memref_slice %arg5[%dma_wait3A_206] : memref<25600xi32, #tpu.memory_space<vmem>> -> memref<64xi32, #tpu.memory_space<vmem>>
    %dma_wait3A_208 = arith.constant 0 : i32
    %dma_wait3A_209 = arith.constant 0 : i32
    %dma_wait3A_210 = tpu.memref_slice %arg3[%dma_wait3A_208, %dma_wait3A_209] : memref<100000x128xf32, #tpu.memory_space<hbm>> -> memref<100000x128xf32, #tpu.memory_space<hbm>>
    tpu.wait_indirect_dma semaphore(%arg11 : memref<!tpu.dma_semaphore, #tpu.memory_space<semaphore_mem>>) src(%dma_wait3A_210 : memref<100000x128xf32, #tpu.memory_space<hbm>>) dst(%dma_wait3A_205 : memref<64x128xf32, #tpu.memory_space<vmem>>)
    %add3A_211 = arith.constant 256 : i32
    %add3A_212 = arith.addi %mul3A_2, %add3A_211 : i32
    %dma_start3A_213 = arith.constant 4 : i32
    %dma_start3A_214 = arith.constant 0 : i32
    %dma_start3A_215 = arith.constant 0 : i32
    %dma_start3A_216 = tpu.memref_slice %arg6[%dma_start3A_213, %dma_start3A_214, %dma_start3A_215] : memref<10x64x128xf32, #tpu.memory_space<vmem>> -> memref<1x64x128xf32, #tpu.memory_space<vmem>>
    %dma_start3A_217 = tpu.memref_squeeze %dma_start3A_216 : memref<1x64x128xf32, #tpu.memory_space<vmem>> -> memref<64x128xf32, #tpu.memory_space<vmem>>
    %dma_start3A_218 = arith.constant 0 : i32
    %dma_start3A_219 = tpu.memref_slice %arg4[%add3A_212, %dma_start3A_218] : memref<819200x128xf32, #tpu.memory_space<hbm>> -> memref<64x128xf32, #tpu.memory_space<hbm>>
    %dma_start3A_220 = arith.constant 0 : i32
    %dma_start3A_221 = tpu.memref_slice %arg4[%add3A_212, %dma_start3A_220] : memref<819200x128xf32, #tpu.memory_space<hbm>> -> memref<64x128xf32, #tpu.memory_space<hbm>>
    %dma_start3A_222 = arith.constant 0 : i32
    %dma_start3A_223 = arith.constant 0 : i32
    %dma_start3A_224 = tpu.memref_slice %arg6[%dma_start3A_213, %dma_start3A_222, %dma_start3A_223] : memref<10x64x128xf32, #tpu.memory_space<vmem>> -> memref<1x64x128xf32, #tpu.memory_space<vmem>>
    %dma_start3A_225 = tpu.memref_squeeze %dma_start3A_224 : memref<1x64x128xf32, #tpu.memory_space<vmem>> -> memref<64x128xf32, #tpu.memory_space<vmem>>
    tpu.enqueue_dma source(%dma_start3A_225 : memref<64x128xf32, #tpu.memory_space<vmem>>) target(%dma_start3A_221 : memref<64x128xf32, #tpu.memory_space<hbm>>) target_semaphore(%arg21 : memref<!tpu.dma_semaphore, #tpu.memory_space<semaphore_mem>>)
    %add3A_226 = arith.constant 0 : i32
    %add3A_227 = arith.addi %mul3A_2, %add3A_226 : i32
    %dma_wait3A_228 = arith.constant 0 : i32
    %dma_wait3A_229 = arith.constant 0 : i32
    %dma_wait3A_230 = arith.constant 0 : i32
    %dma_wait3A_231 = tpu.memref_slice %arg6[%dma_wait3A_228, %dma_wait3A_229, %dma_wait3A_230] : memref<10x64x128xf32, #tpu.memory_space<vmem>> -> memref<1x64x128xf32, #tpu.memory_space<vmem>>
    %dma_wait3A_232 = tpu.memref_squeeze %dma_wait3A_231 : memref<1x64x128xf32, #tpu.memory_space<vmem>> -> memref<64x128xf32, #tpu.memory_space<vmem>>
    %dma_wait3A_233 = arith.constant 0 : i32
    %dma_wait3A_234 = tpu.memref_slice %arg4[%add3A_227, %dma_wait3A_233] : memref<819200x128xf32, #tpu.memory_space<hbm>> -> memref<64x128xf32, #tpu.memory_space<hbm>>
    %dma_wait3A_235 = arith.constant 0 : i32
    %dma_wait3A_236 = tpu.memref_slice %arg4[%add3A_227, %dma_wait3A_235] : memref<819200x128xf32, #tpu.memory_space<hbm>> -> memref<64x128xf32, #tpu.memory_space<hbm>>
    %dma_wait3A_237 = arith.constant 0 : i32
    %dma_wait3A_238 = arith.constant 0 : i32
    %dma_wait3A_239 = tpu.memref_slice %arg6[%dma_wait3A_228, %dma_wait3A_237, %dma_wait3A_238] : memref<10x64x128xf32, #tpu.memory_space<vmem>> -> memref<1x64x128xf32, #tpu.memory_space<vmem>>
    %dma_wait3A_240 = tpu.memref_squeeze %dma_wait3A_239 : memref<1x64x128xf32, #tpu.memory_space<vmem>> -> memref<64x128xf32, #tpu.memory_space<vmem>>
    tpu.wait_dma2 semaphore(%arg17 : memref<!tpu.dma_semaphore, #tpu.memory_space<semaphore_mem>>) src(%dma_wait3A_240 : memref<64x128xf32, #tpu.memory_space<vmem>>) dst(%dma_wait3A_236 : memref<64x128xf32, #tpu.memory_space<hbm>>)
    %dma_start3A_241 = arith.constant 0 : i32
    %dma_start3A_242 = arith.constant 0 : i32
    %dma_start3A_243 = arith.constant 0 : i32
    %dma_start3A_244 = tpu.memref_slice %arg6[%dma_start3A_241, %dma_start3A_242, %dma_start3A_243] : memref<10x64x128xf32, #tpu.memory_space<vmem>> -> memref<1x64x128xf32, #tpu.memory_space<vmem>>
    %dma_start3A_245 = tpu.memref_squeeze %dma_start3A_244 : memref<1x64x128xf32, #tpu.memory_space<vmem>> -> memref<64x128xf32, #tpu.memory_space<vmem>>
    %dma_start3A_246 = arith.constant 640 : i32
    %dma_start3A_247 = tpu.memref_slice %arg5[%dma_start3A_246] : memref<25600xi32, #tpu.memory_space<vmem>> -> memref<64xi32, #tpu.memory_space<vmem>>
    %dma_start3A_248 = arith.constant 0 : i32
    %dma_start3A_249 = arith.constant 0 : i32
    %dma_start3A_250 = tpu.memref_slice %arg3[%dma_start3A_248, %dma_start3A_249] : memref<100000x128xf32, #tpu.memory_space<hbm>> -> memref<100000x128xf32, #tpu.memory_space<hbm>>
    tpu.enqueue_indirect_dma source(%dma_start3A_250 : memref<100000x128xf32, #tpu.memory_space<hbm>>) target(%dma_start3A_245 : memref<64x128xf32, #tpu.memory_space<vmem>>) offsets(%dma_start3A_247 : memref<64xi32, #tpu.memory_space<vmem>>) semaphore(%arg7 : memref<!tpu.dma_semaphore, #tpu.memory_space<semaphore_mem>>)
    %dma_wait3A_251 = arith.constant 5 : i32
    %dma_wait3A_252 = arith.constant 0 : i32
    %dma_wait3A_253 = arith.constant 0 : i32
    %dma_wait3A_254 = tpu.memref_slice %arg6[%dma_wait3A_251, %dma_wait3A_252, %dma_wait3A_253] : memref<10x64x128xf32, #tpu.memory_space<vmem>> -> memref<1x64x128xf32, #tpu.memory_space<vmem>>
    %dma_wait3A_255 = tpu.memref_squeeze %dma_wait3A_254 : memref<1x64x128xf32, #tpu.memory_space<vmem>> -> memref<64x128xf32, #tpu.memory_space<vmem>>
    %dma_wait3A_256 = arith.constant 320 : i32
    %dma_wait3A_257 = tpu.memref_slice %arg5[%dma_wait3A_256] : memref<25600xi32, #tpu.memory_space<vmem>> -> memref<64xi32, #tpu.memory_space<vmem>>
    %dma_wait3A_258 = arith.constant 0 : i32
    %dma_wait3A_259 = arith.constant 0 : i32
    %dma_wait3A_260 = tpu.memref_slice %arg3[%dma_wait3A_258, %dma_wait3A_259] : memref<100000x128xf32, #tpu.memory_space<hbm>> -> memref<100000x128xf32, #tpu.memory_space<hbm>>
    tpu.wait_indirect_dma semaphore(%arg12 : memref<!tpu.dma_semaphore, #tpu.memory_space<semaphore_mem>>) src(%dma_wait3A_260 : memref<100000x128xf32, #tpu.memory_space<hbm>>) dst(%dma_wait3A_255 : memref<64x128xf32, #tpu.memory_space<vmem>>)
    %add3A_261 = arith.constant 320 : i32
    %add3A_262 = arith.addi %mul3A_2, %add3A_261 : i32
    %dma_start3A_263 = arith.constant 5 : i32
    %dma_start3A_264 = arith.constant 0 : i32
    %dma_start3A_265 = arith.constant 0 : i32
    %dma_start3A_266 = tpu.memref_slice %arg6[%dma_start3A_263, %dma_start3A_264, %dma_start3A_265] : memref<10x64x128xf32, #tpu.memory_space<vmem>> -> memref<1x64x128xf32, #tpu.memory_space<vmem>>
    %dma_start3A_267 = tpu.memref_squeeze %dma_start3A_266 : memref<1x64x128xf32, #tpu.memory_space<vmem>> -> memref<64x128xf32, #tpu.memory_space<vmem>>
    %dma_start3A_268 = arith.constant 0 : i32
    %dma_start3A_269 = tpu.memref_slice %arg4[%add3A_262, %dma_start3A_268] : memref<819200x128xf32, #tpu.memory_space<hbm>> -> memref<64x128xf32, #tpu.memory_space<hbm>>
    %dma_start3A_270 = arith.constant 0 : i32
    %dma_start3A_271 = tpu.memref_slice %arg4[%add3A_262, %dma_start3A_270] : memref<819200x128xf32, #tpu.memory_space<hbm>> -> memref<64x128xf32, #tpu.memory_space<hbm>>
    %dma_start3A_272 = arith.constant 0 : i32
    %dma_start3A_273 = arith.constant 0 : i32
    %dma_start3A_274 = tpu.memref_slice %arg6[%dma_start3A_263, %dma_start3A_272, %dma_start3A_273] : memref<10x64x128xf32, #tpu.memory_space<vmem>> -> memref<1x64x128xf32, #tpu.memory_space<vmem>>
    %dma_start3A_275 = tpu.memref_squeeze %dma_start3A_274 : memref<1x64x128xf32, #tpu.memory_space<vmem>> -> memref<64x128xf32, #tpu.memory_space<vmem>>
    tpu.enqueue_dma source(%dma_start3A_275 : memref<64x128xf32, #tpu.memory_space<vmem>>) target(%dma_start3A_271 : memref<64x128xf32, #tpu.memory_space<hbm>>) target_semaphore(%arg22 : memref<!tpu.dma_semaphore, #tpu.memory_space<semaphore_mem>>)
    %add3A_276 = arith.constant 64 : i32
    %add3A_277 = arith.addi %mul3A_2, %add3A_276 : i32
    %dma_wait3A_278 = arith.constant 1 : i32
    %dma_wait3A_279 = arith.constant 0 : i32
    %dma_wait3A_280 = arith.constant 0 : i32
    %dma_wait3A_281 = tpu.memref_slice %arg6[%dma_wait3A_278, %dma_wait3A_279, %dma_wait3A_280] : memref<10x64x128xf32, #tpu.memory_space<vmem>> -> memref<1x64x128xf32, #tpu.memory_space<vmem>>
    %dma_wait3A_282 = tpu.memref_squeeze %dma_wait3A_281 : memref<1x64x128xf32, #tpu.memory_space<vmem>> -> memref<64x128xf32, #tpu.memory_space<vmem>>
    %dma_wait3A_283 = arith.constant 0 : i32
    %dma_wait3A_284 = tpu.memref_slice %arg4[%add3A_277, %dma_wait3A_283] : memref<819200x128xf32, #tpu.memory_space<hbm>> -> memref<64x128xf32, #tpu.memory_space<hbm>>
    %dma_wait3A_285 = arith.constant 0 : i32
    %dma_wait3A_286 = tpu.memref_slice %arg4[%add3A_277, %dma_wait3A_285] : memref<819200x128xf32, #tpu.memory_space<hbm>> -> memref<64x128xf32, #tpu.memory_space<hbm>>
    %dma_wait3A_287 = arith.constant 0 : i32
    %dma_wait3A_288 = arith.constant 0 : i32
    %dma_wait3A_289 = tpu.memref_slice %arg6[%dma_wait3A_278, %dma_wait3A_287, %dma_wait3A_288] : memref<10x64x128xf32, #tpu.memory_space<vmem>> -> memref<1x64x128xf32, #tpu.memory_space<vmem>>
    %dma_wait3A_290 = tpu.memref_squeeze %dma_wait3A_289 : memref<1x64x128xf32, #tpu.memory_space<vmem>> -> memref<64x128xf32, #tpu.memory_space<vmem>>
    tpu.wait_dma2 semaphore(%arg18 : memref<!tpu.dma_semaphore, #tpu.memory_space<semaphore_mem>>) src(%dma_wait3A_290 : memref<64x128xf32, #tpu.memory_space<vmem>>) dst(%dma_wait3A_286 : memref<64x128xf32, #tpu.memory_space<hbm>>)
    %dma_start3A_291 = arith.constant 1 : i32
    %dma_start3A_292 = arith.constant 0 : i32
    %dma_start3A_293 = arith.constant 0 : i32
    %dma_start3A_294 = tpu.memref_slice %arg6[%dma_start3A_291, %dma_start3A_292, %dma_start3A_293] : memref<10x64x128xf32, #tpu.memory_space<vmem>> -> memref<1x64x128xf32, #tpu.memory_space<vmem>>
    %dma_start3A_295 = tpu.memref_squeeze %dma_start3A_294 : memref<1x64x128xf32, #tpu.memory_space<vmem>> -> memref<64x128xf32, #tpu.memory_space<vmem>>
    %dma_start3A_296 = arith.constant 704 : i32
    %dma_start3A_297 = tpu.memref_slice %arg5[%dma_start3A_296] : memref<25600xi32, #tpu.memory_space<vmem>> -> memref<64xi32, #tpu.memory_space<vmem>>
    %dma_start3A_298 = arith.constant 0 : i32
    %dma_start3A_299 = arith.constant 0 : i32
    %dma_start3A_300 = tpu.memref_slice %arg3[%dma_start3A_298, %dma_start3A_299] : memref<100000x128xf32, #tpu.memory_space<hbm>> -> memref<100000x128xf32, #tpu.memory_space<hbm>>
    tpu.enqueue_indirect_dma source(%dma_start3A_300 : memref<100000x128xf32, #tpu.memory_space<hbm>>) target(%dma_start3A_295 : memref<64x128xf32, #tpu.memory_space<vmem>>) offsets(%dma_start3A_297 : memref<64xi32, #tpu.memory_space<vmem>>) semaphore(%arg8 : memref<!tpu.dma_semaphore, #tpu.memory_space<semaphore_mem>>)
    %dma_wait3A_301 = arith.constant 6 : i32
    %dma_wait3A_302 = arith.constant 0 : i32
    %dma_wait3A_303 = arith.constant 0 : i32
    %dma_wait3A_304 = tpu.memref_slice %arg6[%dma_wait3A_301, %dma_wait3A_302, %dma_wait3A_303] : memref<10x64x128xf32, #tpu.memory_space<vmem>> -> memref<1x64x128xf32, #tpu.memory_space<vmem>>
    %dma_wait3A_305 = tpu.memref_squeeze %dma_wait3A_304 : memref<1x64x128xf32, #tpu.memory_space<vmem>> -> memref<64x128xf32, #tpu.memory_space<vmem>>
    %dma_wait3A_306 = arith.constant 384 : i32
    %dma_wait3A_307 = tpu.memref_slice %arg5[%dma_wait3A_306] : memref<25600xi32, #tpu.memory_space<vmem>> -> memref<64xi32, #tpu.memory_space<vmem>>
    %dma_wait3A_308 = arith.constant 0 : i32
    %dma_wait3A_309 = arith.constant 0 : i32
    %dma_wait3A_310 = tpu.memref_slice %arg3[%dma_wait3A_308, %dma_wait3A_309] : memref<100000x128xf32, #tpu.memory_space<hbm>> -> memref<100000x128xf32, #tpu.memory_space<hbm>>
    tpu.wait_indirect_dma semaphore(%arg13 : memref<!tpu.dma_semaphore, #tpu.memory_space<semaphore_mem>>) src(%dma_wait3A_310 : memref<100000x128xf32, #tpu.memory_space<hbm>>) dst(%dma_wait3A_305 : memref<64x128xf32, #tpu.memory_space<vmem>>)
    %add3A_311 = arith.constant 384 : i32
    %add3A_312 = arith.addi %mul3A_2, %add3A_311 : i32
    %dma_start3A_313 = arith.constant 6 : i32
    %dma_start3A_314 = arith.constant 0 : i32
    %dma_start3A_315 = arith.constant 0 : i32
    %dma_start3A_316 = tpu.memref_slice %arg6[%dma_start3A_313, %dma_start3A_314, %dma_start3A_315] : memref<10x64x128xf32, #tpu.memory_space<vmem>> -> memref<1x64x128xf32, #tpu.memory_space<vmem>>
    %dma_start3A_317 = tpu.memref_squeeze %dma_start3A_316 : memref<1x64x128xf32, #tpu.memory_space<vmem>> -> memref<64x128xf32, #tpu.memory_space<vmem>>
    %dma_start3A_318 = arith.constant 0 : i32
    %dma_start3A_319 = tpu.memref_slice %arg4[%add3A_312, %dma_start3A_318] : memref<819200x128xf32, #tpu.memory_space<hbm>> -> memref<64x128xf32, #tpu.memory_space<hbm>>
    %dma_start3A_320 = arith.constant 0 : i32
    %dma_start3A_321 = tpu.memref_slice %arg4[%add3A_312, %dma_start3A_320] : memref<819200x128xf32, #tpu.memory_space<hbm>> -> memref<64x128xf32, #tpu.memory_space<hbm>>
    %dma_start3A_322 = arith.constant 0 : i32
    %dma_start3A_323 = arith.constant 0 : i32
    %dma_start3A_324 = tpu.memref_slice %arg6[%dma_start3A_313, %dma_start3A_322, %dma_start3A_323] : memref<10x64x128xf32, #tpu.memory_space<vmem>> -> memref<1x64x128xf32, #tpu.memory_space<vmem>>
    %dma_start3A_325 = tpu.memref_squeeze %dma_start3A_324 : memref<1x64x128xf32, #tpu.memory_space<vmem>> -> memref<64x128xf32, #tpu.memory_space<vmem>>
    tpu.enqueue_dma source(%dma_start3A_325 : memref<64x128xf32, #tpu.memory_space<vmem>>) target(%dma_start3A_321 : memref<64x128xf32, #tpu.memory_space<hbm>>) target_semaphore(%arg23 : memref<!tpu.dma_semaphore, #tpu.memory_space<semaphore_mem>>)
    %add3A_326 = arith.constant 128 : i32
    %add3A_327 = arith.addi %mul3A_2, %add3A_326 : i32
    %dma_wait3A_328 = arith.constant 2 : i32
    %dma_wait3A_329 = arith.constant 0 : i32
    %dma_wait3A_330 = arith.constant 0 : i32
    %dma_wait3A_331 = tpu.memref_slice %arg6[%dma_wait3A_328, %dma_wait3A_329, %dma_wait3A_330] : memref<10x64x128xf32, #tpu.memory_space<vmem>> -> memref<1x64x128xf32, #tpu.memory_space<vmem>>
    %dma_wait3A_332 = tpu.memref_squeeze %dma_wait3A_331 : memref<1x64x128xf32, #tpu.memory_space<vmem>> -> memref<64x128xf32, #tpu.memory_space<vmem>>
    %dma_wait3A_333 = arith.constant 0 : i32
    %dma_wait3A_334 = tpu.memref_slice %arg4[%add3A_327, %dma_wait3A_333] : memref<819200x128xf32, #tpu.memory_space<hbm>> -> memref<64x128xf32, #tpu.memory_space<hbm>>
    %dma_wait3A_335 = arith.constant 0 : i32
    %dma_wait3A_336 = tpu.memref_slice %arg4[%add3A_327, %dma_wait3A_335] : memref<819200x128xf32, #tpu.memory_space<hbm>> -> memref<64x128xf32, #tpu.memory_space<hbm>>
    %dma_wait3A_337 = arith.constant 0 : i32
    %dma_wait3A_338 = arith.constant 0 : i32
    %dma_wait3A_339 = tpu.memref_slice %arg6[%dma_wait3A_328, %dma_wait3A_337, %dma_wait3A_338] : memref<10x64x128xf32, #tpu.memory_space<vmem>> -> memref<1x64x128xf32, #tpu.memory_space<vmem>>
    %dma_wait3A_340 = tpu.memref_squeeze %dma_wait3A_339 : memref<1x64x128xf32, #tpu.memory_space<vmem>> -> memref<64x128xf32, #tpu.memory_space<vmem>>
    tpu.wait_dma2 semaphore(%arg19 : memref<!tpu.dma_semaphore, #tpu.memory_space<semaphore_mem>>) src(%dma_wait3A_340 : memref<64x128xf32, #tpu.memory_space<vmem>>) dst(%dma_wait3A_336 : memref<64x128xf32, #tpu.memory_space<hbm>>)
    %dma_start3A_341 = arith.constant 2 : i32
    %dma_start3A_342 = arith.constant 0 : i32
    %dma_start3A_343 = arith.constant 0 : i32
    %dma_start3A_344 = tpu.memref_slice %arg6[%dma_start3A_341, %dma_start3A_342, %dma_start3A_343] : memref<10x64x128xf32, #tpu.memory_space<vmem>> -> memref<1x64x128xf32, #tpu.memory_space<vmem>>
    %dma_start3A_345 = tpu.memref_squeeze %dma_start3A_344 : memref<1x64x128xf32, #tpu.memory_space<vmem>> -> memref<64x128xf32, #tpu.memory_space<vmem>>
    %dma_start3A_346 = arith.constant 768 : i32
    %dma_start3A_347 = tpu.memref_slice %arg5[%dma_start3A_346] : memref<25600xi32, #tpu.memory_space<vmem>> -> memref<64xi32, #tpu.memory_space<vmem>>
    %dma_start3A_348 = arith.constant 0 : i32
    %dma_start3A_349 = arith.constant 0 : i32
    %dma_start3A_350 = tpu.memref_slice %arg3[%dma_start3A_348, %dma_start3A_349] : memref<100000x128xf32, #tpu.memory_space<hbm>> -> memref<100000x128xf32, #tpu.memory_space<hbm>>
    tpu.enqueue_indirect_dma source(%dma_start3A_350 : memref<100000x128xf32, #tpu.memory_space<hbm>>) target(%dma_start3A_345 : memref<64x128xf32, #tpu.memory_space<vmem>>) offsets(%dma_start3A_347 : memref<64xi32, #tpu.memory_space<vmem>>) semaphore(%arg9 : memref<!tpu.dma_semaphore, #tpu.memory_space<semaphore_mem>>)
    %dma_wait3A_351 = arith.constant 7 : i32
    %dma_wait3A_352 = arith.constant 0 : i32
    %dma_wait3A_353 = arith.constant 0 : i32
    %dma_wait3A_354 = tpu.memref_slice %arg6[%dma_wait3A_351, %dma_wait3A_352, %dma_wait3A_353] : memref<10x64x128xf32, #tpu.memory_space<vmem>> -> memref<1x64x128xf32, #tpu.memory_space<vmem>>
    %dma_wait3A_355 = tpu.memref_squeeze %dma_wait3A_354 : memref<1x64x128xf32, #tpu.memory_space<vmem>> -> memref<64x128xf32, #tpu.memory_space<vmem>>
    %dma_wait3A_356 = arith.constant 448 : i32
    %dma_wait3A_357 = tpu.memref_slice %arg5[%dma_wait3A_356] : memref<25600xi32, #tpu.memory_space<vmem>> -> memref<64xi32, #tpu.memory_space<vmem>>
    %dma_wait3A_358 = arith.constant 0 : i32
    %dma_wait3A_359 = arith.constant 0 : i32
    %dma_wait3A_360 = tpu.memref_slice %arg3[%dma_wait3A_358, %dma_wait3A_359] : memref<100000x128xf32, #tpu.memory_space<hbm>> -> memref<100000x128xf32, #tpu.memory_space<hbm>>
    tpu.wait_indirect_dma semaphore(%arg14 : memref<!tpu.dma_semaphore, #tpu.memory_space<semaphore_mem>>) src(%dma_wait3A_360 : memref<100000x128xf32, #tpu.memory_space<hbm>>) dst(%dma_wait3A_355 : memref<64x128xf32, #tpu.memory_space<vmem>>)
    %add3A_361 = arith.constant 448 : i32
    %add3A_362 = arith.addi %mul3A_2, %add3A_361 : i32
    %dma_start3A_363 = arith.constant 7 : i32
    %dma_start3A_364 = arith.constant 0 : i32
    %dma_start3A_365 = arith.constant 0 : i32
    %dma_start3A_366 = tpu.memref_slice %arg6[%dma_start3A_363, %dma_start3A_364, %dma_start3A_365] : memref<10x64x128xf32, #tpu.memory_space<vmem>> -> memref<1x64x128xf32, #tpu.memory_space<vmem>>
    %dma_start3A_367 = tpu.memref_squeeze %dma_start3A_366 : memref<1x64x128xf32, #tpu.memory_space<vmem>> -> memref<64x128xf32, #tpu.memory_space<vmem>>
    %dma_start3A_368 = arith.constant 0 : i32
    %dma_start3A_369 = tpu.memref_slice %arg4[%add3A_362, %dma_start3A_368] : memref<819200x128xf32, #tpu.memory_space<hbm>> -> memref<64x128xf32, #tpu.memory_space<hbm>>
    %dma_start3A_370 = arith.constant 0 : i32
    %dma_start3A_371 = tpu.memref_slice %arg4[%add3A_362, %dma_start3A_370] : memref<819200x128xf32, #tpu.memory_space<hbm>> -> memref<64x128xf32, #tpu.memory_space<hbm>>
    %dma_start3A_372 = arith.constant 0 : i32
    %dma_start3A_373 = arith.constant 0 : i32
    %dma_start3A_374 = tpu.memref_slice %arg6[%dma_start3A_363, %dma_start3A_372, %dma_start3A_373] : memref<10x64x128xf32, #tpu.memory_space<vmem>> -> memref<1x64x128xf32, #tpu.memory_space<vmem>>
    %dma_start3A_375 = tpu.memref_squeeze %dma_start3A_374 : memref<1x64x128xf32, #tpu.memory_space<vmem>> -> memref<64x128xf32, #tpu.memory_space<vmem>>
    tpu.enqueue_dma source(%dma_start3A_375 : memref<64x128xf32, #tpu.memory_space<vmem>>) target(%dma_start3A_371 : memref<64x128xf32, #tpu.memory_space<hbm>>) target_semaphore(%arg24 : memref<!tpu.dma_semaphore, #tpu.memory_space<semaphore_mem>>)
    %add3A_376 = arith.constant 192 : i32
    %add3A_377 = arith.addi %mul3A_2, %add3A_376 : i32
    %dma_wait3A_378 = arith.constant 3 : i32
    %dma_wait3A_379 = arith.constant 0 : i32
    %dma_wait3A_380 = arith.constant 0 : i32
    %dma_wait3A_381 = tpu.memref_slice %arg6[%dma_wait3A_378, %dma_wait3A_379, %dma_wait3A_380] : memref<10x64x128xf32, #tpu.memory_space<vmem>> -> memref<1x64x128xf32, #tpu.memory_space<vmem>>
    %dma_wait3A_382 = tpu.memref_squeeze %dma_wait3A_381 : memref<1x64x128xf32, #tpu.memory_space<vmem>> -> memref<64x128xf32, #tpu.memory_space<vmem>>
    %dma_wait3A_383 = arith.constant 0 : i32
    %dma_wait3A_384 = tpu.memref_slice %arg4[%add3A_377, %dma_wait3A_383] : memref<819200x128xf32, #tpu.memory_space<hbm>> -> memref<64x128xf32, #tpu.memory_space<hbm>>
    %dma_wait3A_385 = arith.constant 0 : i32
    %dma_wait3A_386 = tpu.memref_slice %arg4[%add3A_377, %dma_wait3A_385] : memref<819200x128xf32, #tpu.memory_space<hbm>> -> memref<64x128xf32, #tpu.memory_space<hbm>>
    %dma_wait3A_387 = arith.constant 0 : i32
    %dma_wait3A_388 = arith.constant 0 : i32
    %dma_wait3A_389 = tpu.memref_slice %arg6[%dma_wait3A_378, %dma_wait3A_387, %dma_wait3A_388] : memref<10x64x128xf32, #tpu.memory_space<vmem>> -> memref<1x64x128xf32, #tpu.memory_space<vmem>>
    %dma_wait3A_390 = tpu.memref_squeeze %dma_wait3A_389 : memref<1x64x128xf32, #tpu.memory_space<vmem>> -> memref<64x128xf32, #tpu.memory_space<vmem>>
    tpu.wait_dma2 semaphore(%arg20 : memref<!tpu.dma_semaphore, #tpu.memory_space<semaphore_mem>>) src(%dma_wait3A_390 : memref<64x128xf32, #tpu.memory_space<vmem>>) dst(%dma_wait3A_386 : memref<64x128xf32, #tpu.memory_space<hbm>>)
    %dma_start3A_391 = arith.constant 3 : i32
    %dma_start3A_392 = arith.constant 0 : i32
    %dma_start3A_393 = arith.constant 0 : i32
    %dma_start3A_394 = tpu.memref_slice %arg6[%dma_start3A_391, %dma_start3A_392, %dma_start3A_393] : memref<10x64x128xf32, #tpu.memory_space<vmem>> -> memref<1x64x128xf32, #tpu.memory_space<vmem>>
    %dma_start3A_395 = tpu.memref_squeeze %dma_start3A_394 : memref<1x64x128xf32, #tpu.memory_space<vmem>> -> memref<64x128xf32, #tpu.memory_space<vmem>>
    %dma_start3A_396 = arith.constant 832 : i32
    %dma_start3A_397 = tpu.memref_slice %arg5[%dma_start3A_396] : memref<25600xi32, #tpu.memory_space<vmem>> -> memref<64xi32, #tpu.memory_space<vmem>>
    %dma_start3A_398 = arith.constant 0 : i32
    %dma_start3A_399 = arith.constant 0 : i32
    %dma_start3A_400 = tpu.memref_slice %arg3[%dma_start3A_398, %dma_start3A_399] : memref<100000x128xf32, #tpu.memory_space<hbm>> -> memref<100000x128xf32, #tpu.memory_space<hbm>>
    tpu.enqueue_indirect_dma source(%dma_start3A_400 : memref<100000x128xf32, #tpu.memory_space<hbm>>) target(%dma_start3A_395 : memref<64x128xf32, #tpu.memory_space<vmem>>) offsets(%dma_start3A_397 : memref<64xi32, #tpu.memory_space<vmem>>) semaphore(%arg10 : memref<!tpu.dma_semaphore, #tpu.memory_space<semaphore_mem>>)
    %dma_wait3A_401 = arith.constant 8 : i32
    %dma_wait3A_402 = arith.constant 0 : i32
    %dma_wait3A_403 = arith.constant 0 : i32
    %dma_wait3A_404 = tpu.memref_slice %arg6[%dma_wait3A_401, %dma_wait3A_402, %dma_wait3A_403] : memref<10x64x128xf32, #tpu.memory_space<vmem>> -> memref<1x64x128xf32, #tpu.memory_space<vmem>>
    %dma_wait3A_405 = tpu.memref_squeeze %dma_wait3A_404 : memref<1x64x128xf32, #tpu.memory_space<vmem>> -> memref<64x128xf32, #tpu.memory_space<vmem>>
    %dma_wait3A_406 = arith.constant 512 : i32
    %dma_wait3A_407 = tpu.memref_slice %arg5[%dma_wait3A_406] : memref<25600xi32, #tpu.memory_space<vmem>> -> memref<64xi32, #tpu.memory_space<vmem>>
    %dma_wait3A_408 = arith.constant 0 : i32
    %dma_wait3A_409 = arith.constant 0 : i32
    %dma_wait3A_410 = tpu.memref_slice %arg3[%dma_wait3A_408, %dma_wait3A_409] : memref<100000x128xf32, #tpu.memory_space<hbm>> -> memref<100000x128xf32, #tpu.memory_space<hbm>>
    tpu.wait_indirect_dma semaphore(%arg15 : memref<!tpu.dma_semaphore, #tpu.memory_space<semaphore_mem>>) src(%dma_wait3A_410 : memref<100000x128xf32, #tpu.memory_space<hbm>>) dst(%dma_wait3A_405 : memref<64x128xf32, #tpu.memory_space<vmem>>)
    %add3A_411 = arith.constant 512 : i32
    %add3A_412 = arith.addi %mul3A_2, %add3A_411 : i32
    %dma_start3A_413 = arith.constant 8 : i32
    %dma_start3A_414 = arith.constant 0 : i32
    %dma_start3A_415 = arith.constant 0 : i32
    %dma_start3A_416 = tpu.memref_slice %arg6[%dma_start3A_413, %dma_start3A_414, %dma_start3A_415] : memref<10x64x128xf32, #tpu.memory_space<vmem>> -> memref<1x64x128xf32, #tpu.memory_space<vmem>>
    %dma_start3A_417 = tpu.memref_squeeze %dma_start3A_416 : memref<1x64x128xf32, #tpu.memory_space<vmem>> -> memref<64x128xf32, #tpu.memory_space<vmem>>
    %dma_start3A_418 = arith.constant 0 : i32
    %dma_start3A_419 = tpu.memref_slice %arg4[%add3A_412, %dma_start3A_418] : memref<819200x128xf32, #tpu.memory_space<hbm>> -> memref<64x128xf32, #tpu.memory_space<hbm>>
    %dma_start3A_420 = arith.constant 0 : i32
    %dma_start3A_421 = tpu.memref_slice %arg4[%add3A_412, %dma_start3A_420] : memref<819200x128xf32, #tpu.memory_space<hbm>> -> memref<64x128xf32, #tpu.memory_space<hbm>>
    %dma_start3A_422 = arith.constant 0 : i32
    %dma_start3A_423 = arith.constant 0 : i32
    %dma_start3A_424 = tpu.memref_slice %arg6[%dma_start3A_413, %dma_start3A_422, %dma_start3A_423] : memref<10x64x128xf32, #tpu.memory_space<vmem>> -> memref<1x64x128xf32, #tpu.memory_space<vmem>>
    %dma_start3A_425 = tpu.memref_squeeze %dma_start3A_424 : memref<1x64x128xf32, #tpu.memory_space<vmem>> -> memref<64x128xf32, #tpu.memory_space<vmem>>
    tpu.enqueue_dma source(%dma_start3A_425 : memref<64x128xf32, #tpu.memory_space<vmem>>) target(%dma_start3A_421 : memref<64x128xf32, #tpu.memory_space<hbm>>) target_semaphore(%arg25 : memref<!tpu.dma_semaphore, #tpu.memory_space<semaphore_mem>>)
    %add3A_426 = arith.constant 256 : i32
    %add3A_427 = arith.addi %mul3A_2, %add3A_426 : i32
    %dma_wait3A_428 = arith.constant 4 : i32
    %dma_wait3A_429 = arith.constant 0 : i32
    %dma_wait3A_430 = arith.constant 0 : i32
    %dma_wait3A_431 = tpu.memref_slice %arg6[%dma_wait3A_428, %dma_wait3A_429, %dma_wait3A_430] : memref<10x64x128xf32, #tpu.memory_space<vmem>> -> memref<1x64x128xf32, #tpu.memory_space<vmem>>
    %dma_wait3A_432 = tpu.memref_squeeze %dma_wait3A_431 : memref<1x64x128xf32, #tpu.memory_space<vmem>> -> memref<64x128xf32, #tpu.memory_space<vmem>>
    %dma_wait3A_433 = arith.constant 0 : i32
    %dma_wait3A_434 = tpu.memref_slice %arg4[%add3A_427, %dma_wait3A_433] : memref<819200x128xf32, #tpu.memory_space<hbm>> -> memref<64x128xf32, #tpu.memory_space<hbm>>
    %dma_wait3A_435 = arith.constant 0 : i32
    %dma_wait3A_436 = tpu.memref_slice %arg4[%add3A_427, %dma_wait3A_435] : memref<819200x128xf32, #tpu.memory_space<hbm>> -> memref<64x128xf32, #tpu.memory_space<hbm>>
    %dma_wait3A_437 = arith.constant 0 : i32
    %dma_wait3A_438 = arith.constant 0 : i32
    %dma_wait3A_439 = tpu.memref_slice %arg6[%dma_wait3A_428, %dma_wait3A_437, %dma_wait3A_438] : memref<10x64x128xf32, #tpu.memory_space<vmem>> -> memref<1x64x128xf32, #tpu.memory_space<vmem>>
    %dma_wait3A_440 = tpu.memref_squeeze %dma_wait3A_439 : memref<1x64x128xf32, #tpu.memory_space<vmem>> -> memref<64x128xf32, #tpu.memory_space<vmem>>
    tpu.wait_dma2 semaphore(%arg21 : memref<!tpu.dma_semaphore, #tpu.memory_space<semaphore_mem>>) src(%dma_wait3A_440 : memref<64x128xf32, #tpu.memory_space<vmem>>) dst(%dma_wait3A_436 : memref<64x128xf32, #tpu.memory_space<hbm>>)
    %dma_start3A_441 = arith.constant 4 : i32
    %dma_start3A_442 = arith.constant 0 : i32
    %dma_start3A_443 = arith.constant 0 : i32
    %dma_start3A_444 = tpu.memref_slice %arg6[%dma_start3A_441, %dma_start3A_442, %dma_start3A_443] : memref<10x64x128xf32, #tpu.memory_space<vmem>> -> memref<1x64x128xf32, #tpu.memory_space<vmem>>
    %dma_start3A_445 = tpu.memref_squeeze %dma_start3A_444 : memref<1x64x128xf32, #tpu.memory_space<vmem>> -> memref<64x128xf32, #tpu.memory_space<vmem>>
    %dma_start3A_446 = arith.constant 896 : i32
    %dma_start3A_447 = tpu.memref_slice %arg5[%dma_start3A_446] : memref<25600xi32, #tpu.memory_space<vmem>> -> memref<64xi32, #tpu.memory_space<vmem>>
    %dma_start3A_448 = arith.constant 0 : i32
    %dma_start3A_449 = arith.constant 0 : i32
    %dma_start3A_450 = tpu.memref_slice %arg3[%dma_start3A_448, %dma_start3A_449] : memref<100000x128xf32, #tpu.memory_space<hbm>> -> memref<100000x128xf32, #tpu.memory_space<hbm>>
    tpu.enqueue_indirect_dma source(%dma_start3A_450 : memref<100000x128xf32, #tpu.memory_space<hbm>>) target(%dma_start3A_445 : memref<64x128xf32, #tpu.memory_space<vmem>>) offsets(%dma_start3A_447 : memref<64xi32, #tpu.memory_space<vmem>>) semaphore(%arg11 : memref<!tpu.dma_semaphore, #tpu.memory_space<semaphore_mem>>)
    %dma_wait3A_451 = arith.constant 9 : i32
    %dma_wait3A_452 = arith.constant 0 : i32
    %dma_wait3A_453 = arith.constant 0 : i32
    %dma_wait3A_454 = tpu.memref_slice %arg6[%dma_wait3A_451, %dma_wait3A_452, %dma_wait3A_453] : memref<10x64x128xf32, #tpu.memory_space<vmem>> -> memref<1x64x128xf32, #tpu.memory_space<vmem>>
    %dma_wait3A_455 = tpu.memref_squeeze %dma_wait3A_454 : memref<1x64x128xf32, #tpu.memory_space<vmem>> -> memref<64x128xf32, #tpu.memory_space<vmem>>
    %dma_wait3A_456 = arith.constant 576 : i32
    %dma_wait3A_457 = tpu.memref_slice %arg5[%dma_wait3A_456] : memref<25600xi32, #tpu.memory_space<vmem>> -> memref<64xi32, #tpu.memory_space<vmem>>
    %dma_wait3A_458 = arith.constant 0 : i32
    %dma_wait3A_459 = arith.constant 0 : i32
    %dma_wait3A_460 = tpu.memref_slice %arg3[%dma_wait3A_458, %dma_wait3A_459] : memref<100000x128xf32, #tpu.memory_space<hbm>> -> memref<100000x128xf32, #tpu.memory_space<hbm>>
    tpu.wait_indirect_dma semaphore(%arg16 : memref<!tpu.dma_semaphore, #tpu.memory_space<semaphore_mem>>) src(%dma_wait3A_460 : memref<100000x128xf32, #tpu.memory_space<hbm>>) dst(%dma_wait3A_455 : memref<64x128xf32, #tpu.memory_space<vmem>>)
    %add3A_461 = arith.constant 576 : i32
    %add3A_462 = arith.addi %mul3A_2, %add3A_461 : i32
    %dma_start3A_463 = arith.constant 9 : i32
    %dma_start3A_464 = arith.constant 0 : i32
    %dma_start3A_465 = arith.constant 0 : i32
    %dma_start3A_466 = tpu.memref_slice %arg6[%dma_start3A_463, %dma_start3A_464, %dma_start3A_465] : memref<10x64x128xf32, #tpu.memory_space<vmem>> -> memref<1x64x128xf32, #tpu.memory_space<vmem>>
    %dma_start3A_467 = tpu.memref_squeeze %dma_start3A_466 : memref<1x64x128xf32, #tpu.memory_space<vmem>> -> memref<64x128xf32, #tpu.memory_space<vmem>>
    %dma_start3A_468 = arith.constant 0 : i32
    %dma_start3A_469 = tpu.memref_slice %arg4[%add3A_462, %dma_start3A_468] : memref<819200x128xf32, #tpu.memory_space<hbm>> -> memref<64x128xf32, #tpu.memory_space<hbm>>
    %dma_start3A_470 = arith.constant 0 : i32
    %dma_start3A_471 = tpu.memref_slice %arg4[%add3A_462, %dma_start3A_470] : memref<819200x128xf32, #tpu.memory_space<hbm>> -> memref<64x128xf32, #tpu.memory_space<hbm>>
    %dma_start3A_472 = arith.constant 0 : i32
    %dma_start3A_473 = arith.constant 0 : i32
    %dma_start3A_474 = tpu.memref_slice %arg6[%dma_start3A_463, %dma_start3A_472, %dma_start3A_473] : memref<10x64x128xf32, #tpu.memory_space<vmem>> -> memref<1x64x128xf32, #tpu.memory_space<vmem>>
    %dma_start3A_475 = tpu.memref_squeeze %dma_start3A_474 : memref<1x64x128xf32, #tpu.memory_space<vmem>> -> memref<64x128xf32, #tpu.memory_space<vmem>>
    tpu.enqueue_dma source(%dma_start3A_475 : memref<64x128xf32, #tpu.memory_space<vmem>>) target(%dma_start3A_471 : memref<64x128xf32, #tpu.memory_space<hbm>>) target_semaphore(%arg26 : memref<!tpu.dma_semaphore, #tpu.memory_space<semaphore_mem>>)
    %add3A_476 = arith.constant 320 : i32
    %add3A_477 = arith.addi %mul3A_2, %add3A_476 : i32
    %dma_wait3A_478 = arith.constant 5 : i32
    %dma_wait3A_479 = arith.constant 0 : i32
    %dma_wait3A_480 = arith.constant 0 : i32
    %dma_wait3A_481 = tpu.memref_slice %arg6[%dma_wait3A_478, %dma_wait3A_479, %dma_wait3A_480] : memref<10x64x128xf32, #tpu.memory_space<vmem>> -> memref<1x64x128xf32, #tpu.memory_space<vmem>>
    %dma_wait3A_482 = tpu.memref_squeeze %dma_wait3A_481 : memref<1x64x128xf32, #tpu.memory_space<vmem>> -> memref<64x128xf32, #tpu.memory_space<vmem>>
    %dma_wait3A_483 = arith.constant 0 : i32
    %dma_wait3A_484 = tpu.memref_slice %arg4[%add3A_477, %dma_wait3A_483] : memref<819200x128xf32, #tpu.memory_space<hbm>> -> memref<64x128xf32, #tpu.memory_space<hbm>>
    %dma_wait3A_485 = arith.constant 0 : i32
    %dma_wait3A_486 = tpu.memref_slice %arg4[%add3A_477, %dma_wait3A_485] : memref<819200x128xf32, #tpu.memory_space<hbm>> -> memref<64x128xf32, #tpu.memory_space<hbm>>
    %dma_wait3A_487 = arith.constant 0 : i32
    %dma_wait3A_488 = arith.constant 0 : i32
    %dma_wait3A_489 = tpu.memref_slice %arg6[%dma_wait3A_478, %dma_wait3A_487, %dma_wait3A_488] : memref<10x64x128xf32, #tpu.memory_space<vmem>> -> memref<1x64x128xf32, #tpu.memory_space<vmem>>
    %dma_wait3A_490 = tpu.memref_squeeze %dma_wait3A_489 : memref<1x64x128xf32, #tpu.memory_space<vmem>> -> memref<64x128xf32, #tpu.memory_space<vmem>>
    tpu.wait_dma2 semaphore(%arg22 : memref<!tpu.dma_semaphore, #tpu.memory_space<semaphore_mem>>) src(%dma_wait3A_490 : memref<64x128xf32, #tpu.memory_space<vmem>>) dst(%dma_wait3A_486 : memref<64x128xf32, #tpu.memory_space<hbm>>)
    %dma_start3A_491 = arith.constant 5 : i32
    %dma_start3A_492 = arith.constant 0 : i32
    %dma_start3A_493 = arith.constant 0 : i32
    %dma_start3A_494 = tpu.memref_slice %arg6[%dma_start3A_491, %dma_start3A_492, %dma_start3A_493] : memref<10x64x128xf32, #tpu.memory_space<vmem>> -> memref<1x64x128xf32, #tpu.memory_space<vmem>>
    %dma_start3A_495 = tpu.memref_squeeze %dma_start3A_494 : memref<1x64x128xf32, #tpu.memory_space<vmem>> -> memref<64x128xf32, #tpu.memory_space<vmem>>
    %dma_start3A_496 = arith.constant 960 : i32
    %dma_start3A_497 = tpu.memref_slice %arg5[%dma_start3A_496] : memref<25600xi32, #tpu.memory_space<vmem>> -> memref<64xi32, #tpu.memory_space<vmem>>
    %dma_start3A_498 = arith.constant 0 : i32
    %dma_start3A_499 = arith.constant 0 : i32
    %dma_start3A_500 = tpu.memref_slice %arg3[%dma_start3A_498, %dma_start3A_499] : memref<100000x128xf32, #tpu.memory_space<hbm>> -> memref<100000x128xf32, #tpu.memory_space<hbm>>
    tpu.enqueue_indirect_dma source(%dma_start3A_500 : memref<100000x128xf32, #tpu.memory_space<hbm>>) target(%dma_start3A_495 : memref<64x128xf32, #tpu.memory_space<vmem>>) offsets(%dma_start3A_497 : memref<64xi32, #tpu.memory_space<vmem>>) semaphore(%arg12 : memref<!tpu.dma_semaphore, #tpu.memory_space<semaphore_mem>>)
    %scan3A = arith.constant 0 : i32
    %scan3A_501 = arith.constant 38 : i32
    %scan3A_502 = arith.addi %scan3A, %scan3A_501 : i32
    %scan3A_503 = arith.constant 1 : i32
    scf.for %scan3A_1005 = %scan3A to %scan3A_502 step %scan3A_503  : i32 {
      %mul3A_1006 = arith.constant 10 : i32
      %mul3A_1007 = arith.muli %scan3A_1005, %mul3A_1006 : i32
      %add3A_1008 = arith.constant 10 : i32
      %add3A_1009 = arith.addi %add3A_1008, %mul3A_1007 : i32
      %add3A_1010 = arith.constant 0 : i32
      %add3A_1011 = arith.addi %add3A_1009, %add3A_1010 : i32
      %mul3A_1012 = arith.constant 64 : i32
      %mul3A_1013 = arith.muli %add3A_1011, %mul3A_1012 : i32
      %dma_wait3A_1014 = arith.constant 0 : i32
      %dma_wait3A_1015 = arith.constant 0 : i32
      %dma_wait3A_1016 = arith.constant 0 : i32
      %dma_wait3A_1017 = tpu.memref_slice %arg6[%dma_wait3A_1014, %dma_wait3A_1015, %dma_wait3A_1016] : memref<10x64x128xf32, #tpu.memory_space<vmem>> -> memref<1x64x128xf32, #tpu.memory_space<vmem>>
      %dma_wait3A_1018 = tpu.memref_squeeze %dma_wait3A_1017 : memref<1x64x128xf32, #tpu.memory_space<vmem>> -> memref<64x128xf32, #tpu.memory_space<vmem>>
      %dma_wait3A_1019 = tpu.memref_slice %arg5[%mul3A_1013] : memref<25600xi32, #tpu.memory_space<vmem>> -> memref<64xi32, #tpu.memory_space<vmem>>
      %dma_wait3A_1020 = arith.constant 0 : i32
      %dma_wait3A_1021 = arith.constant 0 : i32
      %dma_wait3A_1022 = tpu.memref_slice %arg3[%dma_wait3A_1020, %dma_wait3A_1021] : memref<100000x128xf32, #tpu.memory_space<hbm>> -> memref<100000x128xf32, #tpu.memory_space<hbm>>
      tpu.wait_indirect_dma semaphore(%arg7 : memref<!tpu.dma_semaphore, #tpu.memory_space<semaphore_mem>>) src(%dma_wait3A_1022 : memref<100000x128xf32, #tpu.memory_space<hbm>>) dst(%dma_wait3A_1018 : memref<64x128xf32, #tpu.memory_space<vmem>>)
      %mul3A_1023 = arith.constant 64 : i32
      %mul3A_1024 = arith.muli %add3A_1011, %mul3A_1023 : i32
      %add3A_1025 = arith.addi %mul3A_2, %mul3A_1024 : i32
      %dma_start3A_1026 = arith.constant 0 : i32
      %dma_start3A_1027 = arith.constant 0 : i32
      %dma_start3A_1028 = arith.constant 0 : i32
      %dma_start3A_1029 = tpu.memref_slice %arg6[%dma_start3A_1026, %dma_start3A_1027, %dma_start3A_1028] : memref<10x64x128xf32, #tpu.memory_space<vmem>> -> memref<1x64x128xf32, #tpu.memory_space<vmem>>
      %dma_start3A_1030 = tpu.memref_squeeze %dma_start3A_1029 : memref<1x64x128xf32, #tpu.memory_space<vmem>> -> memref<64x128xf32, #tpu.memory_space<vmem>>
      %dma_start3A_1031 = arith.constant 0 : i32
      %dma_start3A_1032 = tpu.memref_slice %arg4[%add3A_1025, %dma_start3A_1031] : memref<819200x128xf32, #tpu.memory_space<hbm>> -> memref<64x128xf32, #tpu.memory_space<hbm>>
      %dma_start3A_1033 = arith.constant 0 : i32
      %dma_start3A_1034 = tpu.memref_slice %arg4[%add3A_1025, %dma_start3A_1033] : memref<819200x128xf32, #tpu.memory_space<hbm>> -> memref<64x128xf32, #tpu.memory_space<hbm>>
      %dma_start3A_1035 = arith.constant 0 : i32
      %dma_start3A_1036 = arith.constant 0 : i32
      %dma_start3A_1037 = tpu.memref_slice %arg6[%dma_start3A_1026, %dma_start3A_1035, %dma_start3A_1036] : memref<10x64x128xf32, #tpu.memory_space<vmem>> -> memref<1x64x128xf32, #tpu.memory_space<vmem>>
      %dma_start3A_1038 = tpu.memref_squeeze %dma_start3A_1037 : memref<1x64x128xf32, #tpu.memory_space<vmem>> -> memref<64x128xf32, #tpu.memory_space<vmem>>
      tpu.enqueue_dma source(%dma_start3A_1038 : memref<64x128xf32, #tpu.memory_space<vmem>>) target(%dma_start3A_1034 : memref<64x128xf32, #tpu.memory_space<hbm>>) target_semaphore(%arg17 : memref<!tpu.dma_semaphore, #tpu.memory_space<semaphore_mem>>)
      %add3A_1039 = arith.constant 6 : i32
      %add3A_1040 = arith.addi %add3A_1011, %add3A_1039 : i32
      %sub3A = arith.constant 10 : i32
      %sub3A_1041 = arith.subi %add3A_1040, %sub3A : i32
      %mul3A_1042 = arith.constant 64 : i32
      %mul3A_1043 = arith.muli %sub3A_1041, %mul3A_1042 : i32
      %add3A_1044 = arith.addi %mul3A_2, %mul3A_1043 : i32
      %dma_wait3A_1045 = arith.constant 6 : i32
      %dma_wait3A_1046 = arith.constant 0 : i32
      %dma_wait3A_1047 = arith.constant 0 : i32
      %dma_wait3A_1048 = tpu.memref_slice %arg6[%dma_wait3A_1045, %dma_wait3A_1046, %dma_wait3A_1047] : memref<10x64x128xf32, #tpu.memory_space<vmem>> -> memref<1x64x128xf32, #tpu.memory_space<vmem>>
      %dma_wait3A_1049 = tpu.memref_squeeze %dma_wait3A_1048 : memref<1x64x128xf32, #tpu.memory_space<vmem>> -> memref<64x128xf32, #tpu.memory_space<vmem>>
      %dma_wait3A_1050 = arith.constant 0 : i32
      %dma_wait3A_1051 = tpu.memref_slice %arg4[%add3A_1044, %dma_wait3A_1050] : memref<819200x128xf32, #tpu.memory_space<hbm>> -> memref<64x128xf32, #tpu.memory_space<hbm>>
      %dma_wait3A_1052 = arith.constant 0 : i32
      %dma_wait3A_1053 = tpu.memref_slice %arg4[%add3A_1044, %dma_wait3A_1052] : memref<819200x128xf32, #tpu.memory_space<hbm>> -> memref<64x128xf32, #tpu.memory_space<hbm>>
      %dma_wait3A_1054 = arith.constant 0 : i32
      %dma_wait3A_1055 = arith.constant 0 : i32
      %dma_wait3A_1056 = tpu.memref_slice %arg6[%dma_wait3A_1045, %dma_wait3A_1054, %dma_wait3A_1055] : memref<10x64x128xf32, #tpu.memory_space<vmem>> -> memref<1x64x128xf32, #tpu.memory_space<vmem>>
      %dma_wait3A_1057 = tpu.memref_squeeze %dma_wait3A_1056 : memref<1x64x128xf32, #tpu.memory_space<vmem>> -> memref<64x128xf32, #tpu.memory_space<vmem>>
      tpu.wait_dma2 semaphore(%arg23 : memref<!tpu.dma_semaphore, #tpu.memory_space<semaphore_mem>>) src(%dma_wait3A_1057 : memref<64x128xf32, #tpu.memory_space<vmem>>) dst(%dma_wait3A_1053 : memref<64x128xf32, #tpu.memory_space<hbm>>)
      %add3A_1058 = arith.constant 6 : i32
      %add3A_1059 = arith.addi %add3A_1011, %add3A_1058 : i32
      %mul3A_1060 = arith.constant 64 : i32
      %mul3A_1061 = arith.muli %add3A_1059, %mul3A_1060 : i32
      %dma_start3A_1062 = arith.constant 6 : i32
      %dma_start3A_1063 = arith.constant 0 : i32
      %dma_start3A_1064 = arith.constant 0 : i32
      %dma_start3A_1065 = tpu.memref_slice %arg6[%dma_start3A_1062, %dma_start3A_1063, %dma_start3A_1064] : memref<10x64x128xf32, #tpu.memory_space<vmem>> -> memref<1x64x128xf32, #tpu.memory_space<vmem>>
      %dma_start3A_1066 = tpu.memref_squeeze %dma_start3A_1065 : memref<1x64x128xf32, #tpu.memory_space<vmem>> -> memref<64x128xf32, #tpu.memory_space<vmem>>
      %dma_start3A_1067 = tpu.memref_slice %arg5[%mul3A_1061] : memref<25600xi32, #tpu.memory_space<vmem>> -> memref<64xi32, #tpu.memory_space<vmem>>
      %dma_start3A_1068 = arith.constant 0 : i32
      %dma_start3A_1069 = arith.constant 0 : i32
      %dma_start3A_1070 = tpu.memref_slice %arg3[%dma_start3A_1068, %dma_start3A_1069] : memref<100000x128xf32, #tpu.memory_space<hbm>> -> memref<100000x128xf32, #tpu.memory_space<hbm>>
      tpu.enqueue_indirect_dma source(%dma_start3A_1070 : memref<100000x128xf32, #tpu.memory_space<hbm>>) target(%dma_start3A_1066 : memref<64x128xf32, #tpu.memory_space<vmem>>) offsets(%dma_start3A_1067 : memref<64xi32, #tpu.memory_space<vmem>>) semaphore(%arg13 : memref<!tpu.dma_semaphore, #tpu.memory_space<semaphore_mem>>)
      %add3A_1071 = arith.constant 1 : i32
      %add3A_1072 = arith.addi %add3A_1009, %add3A_1071 : i32
      %mul3A_1073 = arith.constant 64 : i32
      %mul3A_1074 = arith.muli %add3A_1072, %mul3A_1073 : i32
      %dma_wait3A_1075 = arith.constant 1 : i32
      %dma_wait3A_1076 = arith.constant 0 : i32
      %dma_wait3A_1077 = arith.constant 0 : i32
      %dma_wait3A_1078 = tpu.memref_slice %arg6[%dma_wait3A_1075, %dma_wait3A_1076, %dma_wait3A_1077] : memref<10x64x128xf32, #tpu.memory_space<vmem>> -> memref<1x64x128xf32, #tpu.memory_space<vmem>>
      %dma_wait3A_1079 = tpu.memref_squeeze %dma_wait3A_1078 : memref<1x64x128xf32, #tpu.memory_space<vmem>> -> memref<64x128xf32, #tpu.memory_space<vmem>>
      %dma_wait3A_1080 = tpu.memref_slice %arg5[%mul3A_1074] : memref<25600xi32, #tpu.memory_space<vmem>> -> memref<64xi32, #tpu.memory_space<vmem>>
      %dma_wait3A_1081 = arith.constant 0 : i32
      %dma_wait3A_1082 = arith.constant 0 : i32
      %dma_wait3A_1083 = tpu.memref_slice %arg3[%dma_wait3A_1081, %dma_wait3A_1082] : memref<100000x128xf32, #tpu.memory_space<hbm>> -> memref<100000x128xf32, #tpu.memory_space<hbm>>
      tpu.wait_indirect_dma semaphore(%arg8 : memref<!tpu.dma_semaphore, #tpu.memory_space<semaphore_mem>>) src(%dma_wait3A_1083 : memref<100000x128xf32, #tpu.memory_space<hbm>>) dst(%dma_wait3A_1079 : memref<64x128xf32, #tpu.memory_space<vmem>>)
      %mul3A_1084 = arith.constant 64 : i32
      %mul3A_1085 = arith.muli %add3A_1072, %mul3A_1084 : i32
      %add3A_1086 = arith.addi %mul3A_2, %mul3A_1085 : i32
      %dma_start3A_1087 = arith.constant 1 : i32
      %dma_start3A_1088 = arith.constant 0 : i32
      %dma_start3A_1089 = arith.constant 0 : i32
      %dma_start3A_1090 = tpu.memref_slice %arg6[%dma_start3A_1087, %dma_start3A_1088, %dma_start3A_1089] : memref<10x64x128xf32, #tpu.memory_space<vmem>> -> memref<1x64x128xf32, #tpu.memory_space<vmem>>
      %dma_start3A_1091 = tpu.memref_squeeze %dma_start3A_1090 : memref<1x64x128xf32, #tpu.memory_space<vmem>> -> memref<64x128xf32, #tpu.memory_space<vmem>>
      %dma_start3A_1092 = arith.constant 0 : i32
      %dma_start3A_1093 = tpu.memref_slice %arg4[%add3A_1086, %dma_start3A_1092] : memref<819200x128xf32, #tpu.memory_space<hbm>> -> memref<64x128xf32, #tpu.memory_space<hbm>>
      %dma_start3A_1094 = arith.constant 0 : i32
      %dma_start3A_1095 = tpu.memref_slice %arg4[%add3A_1086, %dma_start3A_1094] : memref<819200x128xf32, #tpu.memory_space<hbm>> -> memref<64x128xf32, #tpu.memory_space<hbm>>
      %dma_start3A_1096 = arith.constant 0 : i32
      %dma_start3A_1097 = arith.constant 0 : i32
      %dma_start3A_1098 = tpu.memref_slice %arg6[%dma_start3A_1087, %dma_start3A_1096, %dma_start3A_1097] : memref<10x64x128xf32, #tpu.memory_space<vmem>> -> memref<1x64x128xf32, #tpu.memory_space<vmem>>
      %dma_start3A_1099 = tpu.memref_squeeze %dma_start3A_1098 : memref<1x64x128xf32, #tpu.memory_space<vmem>> -> memref<64x128xf32, #tpu.memory_space<vmem>>
      tpu.enqueue_dma source(%dma_start3A_1099 : memref<64x128xf32, #tpu.memory_space<vmem>>) target(%dma_start3A_1095 : memref<64x128xf32, #tpu.memory_space<hbm>>) target_semaphore(%arg18 : memref<!tpu.dma_semaphore, #tpu.memory_space<semaphore_mem>>)
      %add3A_1100 = arith.constant 6 : i32
      %add3A_1101 = arith.addi %add3A_1072, %add3A_1100 : i32
      %sub3A_1102 = arith.constant 10 : i32
      %sub3A_1103 = arith.subi %add3A_1101, %sub3A_1102 : i32
      %mul3A_1104 = arith.constant 64 : i32
      %mul3A_1105 = arith.muli %sub3A_1103, %mul3A_1104 : i32
      %add3A_1106 = arith.addi %mul3A_2, %mul3A_1105 : i32
      %dma_wait3A_1107 = arith.constant 7 : i32
      %dma_wait3A_1108 = arith.constant 0 : i32
      %dma_wait3A_1109 = arith.constant 0 : i32
      %dma_wait3A_1110 = tpu.memref_slice %arg6[%dma_wait3A_1107, %dma_wait3A_1108, %dma_wait3A_1109] : memref<10x64x128xf32, #tpu.memory_space<vmem>> -> memref<1x64x128xf32, #tpu.memory_space<vmem>>
      %dma_wait3A_1111 = tpu.memref_squeeze %dma_wait3A_1110 : memref<1x64x128xf32, #tpu.memory_space<vmem>> -> memref<64x128xf32, #tpu.memory_space<vmem>>
      %dma_wait3A_1112 = arith.constant 0 : i32
      %dma_wait3A_1113 = tpu.memref_slice %arg4[%add3A_1106, %dma_wait3A_1112] : memref<819200x128xf32, #tpu.memory_space<hbm>> -> memref<64x128xf32, #tpu.memory_space<hbm>>
      %dma_wait3A_1114 = arith.constant 0 : i32
      %dma_wait3A_1115 = tpu.memref_slice %arg4[%add3A_1106, %dma_wait3A_1114] : memref<819200x128xf32, #tpu.memory_space<hbm>> -> memref<64x128xf32, #tpu.memory_space<hbm>>
      %dma_wait3A_1116 = arith.constant 0 : i32
      %dma_wait3A_1117 = arith.constant 0 : i32
      %dma_wait3A_1118 = tpu.memref_slice %arg6[%dma_wait3A_1107, %dma_wait3A_1116, %dma_wait3A_1117] : memref<10x64x128xf32, #tpu.memory_space<vmem>> -> memref<1x64x128xf32, #tpu.memory_space<vmem>>
      %dma_wait3A_1119 = tpu.memref_squeeze %dma_wait3A_1118 : memref<1x64x128xf32, #tpu.memory_space<vmem>> -> memref<64x128xf32, #tpu.memory_space<vmem>>
      tpu.wait_dma2 semaphore(%arg24 : memref<!tpu.dma_semaphore, #tpu.memory_space<semaphore_mem>>) src(%dma_wait3A_1119 : memref<64x128xf32, #tpu.memory_space<vmem>>) dst(%dma_wait3A_1115 : memref<64x128xf32, #tpu.memory_space<hbm>>)
      %add3A_1120 = arith.constant 6 : i32
      %add3A_1121 = arith.addi %add3A_1072, %add3A_1120 : i32
      %mul3A_1122 = arith.constant 64 : i32
      %mul3A_1123 = arith.muli %add3A_1121, %mul3A_1122 : i32
      %dma_start3A_1124 = arith.constant 7 : i32
      %dma_start3A_1125 = arith.constant 0 : i32
      %dma_start3A_1126 = arith.constant 0 : i32
      %dma_start3A_1127 = tpu.memref_slice %arg6[%dma_start3A_1124, %dma_start3A_1125, %dma_start3A_1126] : memref<10x64x128xf32, #tpu.memory_space<vmem>> -> memref<1x64x128xf32, #tpu.memory_space<vmem>>
      %dma_start3A_1128 = tpu.memref_squeeze %dma_start3A_1127 : memref<1x64x128xf32, #tpu.memory_space<vmem>> -> memref<64x128xf32, #tpu.memory_space<vmem>>
      %dma_start3A_1129 = tpu.memref_slice %arg5[%mul3A_1123] : memref<25600xi32, #tpu.memory_space<vmem>> -> memref<64xi32, #tpu.memory_space<vmem>>
      %dma_start3A_1130 = arith.constant 0 : i32
      %dma_start3A_1131 = arith.constant 0 : i32
      %dma_start3A_1132 = tpu.memref_slice %arg3[%dma_start3A_1130, %dma_start3A_1131] : memref<100000x128xf32, #tpu.memory_space<hbm>> -> memref<100000x128xf32, #tpu.memory_space<hbm>>
      tpu.enqueue_indirect_dma source(%dma_start3A_1132 : memref<100000x128xf32, #tpu.memory_space<hbm>>) target(%dma_start3A_1128 : memref<64x128xf32, #tpu.memory_space<vmem>>) offsets(%dma_start3A_1129 : memref<64xi32, #tpu.memory_space<vmem>>) semaphore(%arg14 : memref<!tpu.dma_semaphore, #tpu.memory_space<semaphore_mem>>)
      %add3A_1133 = arith.constant 2 : i32
      %add3A_1134 = arith.addi %add3A_1009, %add3A_1133 : i32
      %mul3A_1135 = arith.constant 64 : i32
      %mul3A_1136 = arith.muli %add3A_1134, %mul3A_1135 : i32
      %dma_wait3A_1137 = arith.constant 2 : i32
      %dma_wait3A_1138 = arith.constant 0 : i32
      %dma_wait3A_1139 = arith.constant 0 : i32
      %dma_wait3A_1140 = tpu.memref_slice %arg6[%dma_wait3A_1137, %dma_wait3A_1138, %dma_wait3A_1139] : memref<10x64x128xf32, #tpu.memory_space<vmem>> -> memref<1x64x128xf32, #tpu.memory_space<vmem>>
      %dma_wait3A_1141 = tpu.memref_squeeze %dma_wait3A_1140 : memref<1x64x128xf32, #tpu.memory_space<vmem>> -> memref<64x128xf32, #tpu.memory_space<vmem>>
      %dma_wait3A_1142 = tpu.memref_slice %arg5[%mul3A_1136] : memref<25600xi32, #tpu.memory_space<vmem>> -> memref<64xi32, #tpu.memory_space<vmem>>
      %dma_wait3A_1143 = arith.constant 0 : i32
      %dma_wait3A_1144 = arith.constant 0 : i32
      %dma_wait3A_1145 = tpu.memref_slice %arg3[%dma_wait3A_1143, %dma_wait3A_1144] : memref<100000x128xf32, #tpu.memory_space<hbm>> -> memref<100000x128xf32, #tpu.memory_space<hbm>>
      tpu.wait_indirect_dma semaphore(%arg9 : memref<!tpu.dma_semaphore, #tpu.memory_space<semaphore_mem>>) src(%dma_wait3A_1145 : memref<100000x128xf32, #tpu.memory_space<hbm>>) dst(%dma_wait3A_1141 : memref<64x128xf32, #tpu.memory_space<vmem>>)
      %mul3A_1146 = arith.constant 64 : i32
      %mul3A_1147 = arith.muli %add3A_1134, %mul3A_1146 : i32
      %add3A_1148 = arith.addi %mul3A_2, %mul3A_1147 : i32
      %dma_start3A_1149 = arith.constant 2 : i32
      %dma_start3A_1150 = arith.constant 0 : i32
      %dma_start3A_1151 = arith.constant 0 : i32
      %dma_start3A_1152 = tpu.memref_slice %arg6[%dma_start3A_1149, %dma_start3A_1150, %dma_start3A_1151] : memref<10x64x128xf32, #tpu.memory_space<vmem>> -> memref<1x64x128xf32, #tpu.memory_space<vmem>>
      %dma_start3A_1153 = tpu.memref_squeeze %dma_start3A_1152 : memref<1x64x128xf32, #tpu.memory_space<vmem>> -> memref<64x128xf32, #tpu.memory_space<vmem>>
      %dma_start3A_1154 = arith.constant 0 : i32
      %dma_start3A_1155 = tpu.memref_slice %arg4[%add3A_1148, %dma_start3A_1154] : memref<819200x128xf32, #tpu.memory_space<hbm>> -> memref<64x128xf32, #tpu.memory_space<hbm>>
      %dma_start3A_1156 = arith.constant 0 : i32
      %dma_start3A_1157 = tpu.memref_slice %arg4[%add3A_1148, %dma_start3A_1156] : memref<819200x128xf32, #tpu.memory_space<hbm>> -> memref<64x128xf32, #tpu.memory_space<hbm>>
      %dma_start3A_1158 = arith.constant 0 : i32
      %dma_start3A_1159 = arith.constant 0 : i32
      %dma_start3A_1160 = tpu.memref_slice %arg6[%dma_start3A_1149, %dma_start3A_1158, %dma_start3A_1159] : memref<10x64x128xf32, #tpu.memory_space<vmem>> -> memref<1x64x128xf32, #tpu.memory_space<vmem>>
      %dma_start3A_1161 = tpu.memref_squeeze %dma_start3A_1160 : memref<1x64x128xf32, #tpu.memory_space<vmem>> -> memref<64x128xf32, #tpu.memory_space<vmem>>
      tpu.enqueue_dma source(%dma_start3A_1161 : memref<64x128xf32, #tpu.memory_space<vmem>>) target(%dma_start3A_1157 : memref<64x128xf32, #tpu.memory_space<hbm>>) target_semaphore(%arg19 : memref<!tpu.dma_semaphore, #tpu.memory_space<semaphore_mem>>)
      %add3A_1162 = arith.constant 6 : i32
      %add3A_1163 = arith.addi %add3A_1134, %add3A_1162 : i32
      %sub3A_1164 = arith.constant 10 : i32
      %sub3A_1165 = arith.subi %add3A_1163, %sub3A_1164 : i32
      %mul3A_1166 = arith.constant 64 : i32
      %mul3A_1167 = arith.muli %sub3A_1165, %mul3A_1166 : i32
      %add3A_1168 = arith.addi %mul3A_2, %mul3A_1167 : i32
      %dma_wait3A_1169 = arith.constant 8 : i32
      %dma_wait3A_1170 = arith.constant 0 : i32
      %dma_wait3A_1171 = arith.constant 0 : i32
      %dma_wait3A_1172 = tpu.memref_slice %arg6[%dma_wait3A_1169, %dma_wait3A_1170, %dma_wait3A_1171] : memref<10x64x128xf32, #tpu.memory_space<vmem>> -> memref<1x64x128xf32, #tpu.memory_space<vmem>>
      %dma_wait3A_1173 = tpu.memref_squeeze %dma_wait3A_1172 : memref<1x64x128xf32, #tpu.memory_space<vmem>> -> memref<64x128xf32, #tpu.memory_space<vmem>>
      %dma_wait3A_1174 = arith.constant 0 : i32
      %dma_wait3A_1175 = tpu.memref_slice %arg4[%add3A_1168, %dma_wait3A_1174] : memref<819200x128xf32, #tpu.memory_space<hbm>> -> memref<64x128xf32, #tpu.memory_space<hbm>>
      %dma_wait3A_1176 = arith.constant 0 : i32
      %dma_wait3A_1177 = tpu.memref_slice %arg4[%add3A_1168, %dma_wait3A_1176] : memref<819200x128xf32, #tpu.memory_space<hbm>> -> memref<64x128xf32, #tpu.memory_space<hbm>>
      %dma_wait3A_1178 = arith.constant 0 : i32
      %dma_wait3A_1179 = arith.constant 0 : i32
      %dma_wait3A_1180 = tpu.memref_slice %arg6[%dma_wait3A_1169, %dma_wait3A_1178, %dma_wait3A_1179] : memref<10x64x128xf32, #tpu.memory_space<vmem>> -> memref<1x64x128xf32, #tpu.memory_space<vmem>>
      %dma_wait3A_1181 = tpu.memref_squeeze %dma_wait3A_1180 : memref<1x64x128xf32, #tpu.memory_space<vmem>> -> memref<64x128xf32, #tpu.memory_space<vmem>>
      tpu.wait_dma2 semaphore(%arg25 : memref<!tpu.dma_semaphore, #tpu.memory_space<semaphore_mem>>) src(%dma_wait3A_1181 : memref<64x128xf32, #tpu.memory_space<vmem>>) dst(%dma_wait3A_1177 : memref<64x128xf32, #tpu.memory_space<hbm>>)
      %add3A_1182 = arith.constant 6 : i32
      %add3A_1183 = arith.addi %add3A_1134, %add3A_1182 : i32
      %mul3A_1184 = arith.constant 64 : i32
      %mul3A_1185 = arith.muli %add3A_1183, %mul3A_1184 : i32
      %dma_start3A_1186 = arith.constant 8 : i32
      %dma_start3A_1187 = arith.constant 0 : i32
      %dma_start3A_1188 = arith.constant 0 : i32
      %dma_start3A_1189 = tpu.memref_slice %arg6[%dma_start3A_1186, %dma_start3A_1187, %dma_start3A_1188] : memref<10x64x128xf32, #tpu.memory_space<vmem>> -> memref<1x64x128xf32, #tpu.memory_space<vmem>>
      %dma_start3A_1190 = tpu.memref_squeeze %dma_start3A_1189 : memref<1x64x128xf32, #tpu.memory_space<vmem>> -> memref<64x128xf32, #tpu.memory_space<vmem>>
      %dma_start3A_1191 = tpu.memref_slice %arg5[%mul3A_1185] : memref<25600xi32, #tpu.memory_space<vmem>> -> memref<64xi32, #tpu.memory_space<vmem>>
      %dma_start3A_1192 = arith.constant 0 : i32
      %dma_start3A_1193 = arith.constant 0 : i32
      %dma_start3A_1194 = tpu.memref_slice %arg3[%dma_start3A_1192, %dma_start3A_1193] : memref<100000x128xf32, #tpu.memory_space<hbm>> -> memref<100000x128xf32, #tpu.memory_space<hbm>>
      tpu.enqueue_indirect_dma source(%dma_start3A_1194 : memref<100000x128xf32, #tpu.memory_space<hbm>>) target(%dma_start3A_1190 : memref<64x128xf32, #tpu.memory_space<vmem>>) offsets(%dma_start3A_1191 : memref<64xi32, #tpu.memory_space<vmem>>) semaphore(%arg15 : memref<!tpu.dma_semaphore, #tpu.memory_space<semaphore_mem>>)
      %add3A_1195 = arith.constant 3 : i32
      %add3A_1196 = arith.addi %add3A_1009, %add3A_1195 : i32
      %mul3A_1197 = arith.constant 64 : i32
      %mul3A_1198 = arith.muli %add3A_1196, %mul3A_1197 : i32
      %dma_wait3A_1199 = arith.constant 3 : i32
      %dma_wait3A_1200 = arith.constant 0 : i32
      %dma_wait3A_1201 = arith.constant 0 : i32
      %dma_wait3A_1202 = tpu.memref_slice %arg6[%dma_wait3A_1199, %dma_wait3A_1200, %dma_wait3A_1201] : memref<10x64x128xf32, #tpu.memory_space<vmem>> -> memref<1x64x128xf32, #tpu.memory_space<vmem>>
      %dma_wait3A_1203 = tpu.memref_squeeze %dma_wait3A_1202 : memref<1x64x128xf32, #tpu.memory_space<vmem>> -> memref<64x128xf32, #tpu.memory_space<vmem>>
      %dma_wait3A_1204 = tpu.memref_slice %arg5[%mul3A_1198] : memref<25600xi32, #tpu.memory_space<vmem>> -> memref<64xi32, #tpu.memory_space<vmem>>
      %dma_wait3A_1205 = arith.constant 0 : i32
      %dma_wait3A_1206 = arith.constant 0 : i32
      %dma_wait3A_1207 = tpu.memref_slice %arg3[%dma_wait3A_1205, %dma_wait3A_1206] : memref<100000x128xf32, #tpu.memory_space<hbm>> -> memref<100000x128xf32, #tpu.memory_space<hbm>>
      tpu.wait_indirect_dma semaphore(%arg10 : memref<!tpu.dma_semaphore, #tpu.memory_space<semaphore_mem>>) src(%dma_wait3A_1207 : memref<100000x128xf32, #tpu.memory_space<hbm>>) dst(%dma_wait3A_1203 : memref<64x128xf32, #tpu.memory_space<vmem>>)
      %mul3A_1208 = arith.constant 64 : i32
      %mul3A_1209 = arith.muli %add3A_1196, %mul3A_1208 : i32
      %add3A_1210 = arith.addi %mul3A_2, %mul3A_1209 : i32
      %dma_start3A_1211 = arith.constant 3 : i32
      %dma_start3A_1212 = arith.constant 0 : i32
      %dma_start3A_1213 = arith.constant 0 : i32
      %dma_start3A_1214 = tpu.memref_slice %arg6[%dma_start3A_1211, %dma_start3A_1212, %dma_start3A_1213] : memref<10x64x128xf32, #tpu.memory_space<vmem>> -> memref<1x64x128xf32, #tpu.memory_space<vmem>>
      %dma_start3A_1215 = tpu.memref_squeeze %dma_start3A_1214 : memref<1x64x128xf32, #tpu.memory_space<vmem>> -> memref<64x128xf32, #tpu.memory_space<vmem>>
      %dma_start3A_1216 = arith.constant 0 : i32
      %dma_start3A_1217 = tpu.memref_slice %arg4[%add3A_1210, %dma_start3A_1216] : memref<819200x128xf32, #tpu.memory_space<hbm>> -> memref<64x128xf32, #tpu.memory_space<hbm>>
      %dma_start3A_1218 = arith.constant 0 : i32
      %dma_start3A_1219 = tpu.memref_slice %arg4[%add3A_1210, %dma_start3A_1218] : memref<819200x128xf32, #tpu.memory_space<hbm>> -> memref<64x128xf32, #tpu.memory_space<hbm>>
      %dma_start3A_1220 = arith.constant 0 : i32
      %dma_start3A_1221 = arith.constant 0 : i32
      %dma_start3A_1222 = tpu.memref_slice %arg6[%dma_start3A_1211, %dma_start3A_1220, %dma_start3A_1221] : memref<10x64x128xf32, #tpu.memory_space<vmem>> -> memref<1x64x128xf32, #tpu.memory_space<vmem>>
      %dma_start3A_1223 = tpu.memref_squeeze %dma_start3A_1222 : memref<1x64x128xf32, #tpu.memory_space<vmem>> -> memref<64x128xf32, #tpu.memory_space<vmem>>
      tpu.enqueue_dma source(%dma_start3A_1223 : memref<64x128xf32, #tpu.memory_space<vmem>>) target(%dma_start3A_1219 : memref<64x128xf32, #tpu.memory_space<hbm>>) target_semaphore(%arg20 : memref<!tpu.dma_semaphore, #tpu.memory_space<semaphore_mem>>)
      %add3A_1224 = arith.constant 6 : i32
      %add3A_1225 = arith.addi %add3A_1196, %add3A_1224 : i32
      %sub3A_1226 = arith.constant 10 : i32
      %sub3A_1227 = arith.subi %add3A_1225, %sub3A_1226 : i32
      %mul3A_1228 = arith.constant 64 : i32
      %mul3A_1229 = arith.muli %sub3A_1227, %mul3A_1228 : i32
      %add3A_1230 = arith.addi %mul3A_2, %mul3A_1229 : i32
      %dma_wait3A_1231 = arith.constant 9 : i32
      %dma_wait3A_1232 = arith.constant 0 : i32
      %dma_wait3A_1233 = arith.constant 0 : i32
      %dma_wait3A_1234 = tpu.memref_slice %arg6[%dma_wait3A_1231, %dma_wait3A_1232, %dma_wait3A_1233] : memref<10x64x128xf32, #tpu.memory_space<vmem>> -> memref<1x64x128xf32, #tpu.memory_space<vmem>>
      %dma_wait3A_1235 = tpu.memref_squeeze %dma_wait3A_1234 : memref<1x64x128xf32, #tpu.memory_space<vmem>> -> memref<64x128xf32, #tpu.memory_space<vmem>>
      %dma_wait3A_1236 = arith.constant 0 : i32
      %dma_wait3A_1237 = tpu.memref_slice %arg4[%add3A_1230, %dma_wait3A_1236] : memref<819200x128xf32, #tpu.memory_space<hbm>> -> memref<64x128xf32, #tpu.memory_space<hbm>>
      %dma_wait3A_1238 = arith.constant 0 : i32
      %dma_wait3A_1239 = tpu.memref_slice %arg4[%add3A_1230, %dma_wait3A_1238] : memref<819200x128xf32, #tpu.memory_space<hbm>> -> memref<64x128xf32, #tpu.memory_space<hbm>>
      %dma_wait3A_1240 = arith.constant 0 : i32
      %dma_wait3A_1241 = arith.constant 0 : i32
      %dma_wait3A_1242 = tpu.memref_slice %arg6[%dma_wait3A_1231, %dma_wait3A_1240, %dma_wait3A_1241] : memref<10x64x128xf32, #tpu.memory_space<vmem>> -> memref<1x64x128xf32, #tpu.memory_space<vmem>>
      %dma_wait3A_1243 = tpu.memref_squeeze %dma_wait3A_1242 : memref<1x64x128xf32, #tpu.memory_space<vmem>> -> memref<64x128xf32, #tpu.memory_space<vmem>>
      tpu.wait_dma2 semaphore(%arg26 : memref<!tpu.dma_semaphore, #tpu.memory_space<semaphore_mem>>) src(%dma_wait3A_1243 : memref<64x128xf32, #tpu.memory_space<vmem>>) dst(%dma_wait3A_1239 : memref<64x128xf32, #tpu.memory_space<hbm>>)
      %add3A_1244 = arith.constant 6 : i32
      %add3A_1245 = arith.addi %add3A_1196, %add3A_1244 : i32
      %mul3A_1246 = arith.constant 64 : i32
      %mul3A_1247 = arith.muli %add3A_1245, %mul3A_1246 : i32
      %dma_start3A_1248 = arith.constant 9 : i32
      %dma_start3A_1249 = arith.constant 0 : i32
      %dma_start3A_1250 = arith.constant 0 : i32
      %dma_start3A_1251 = tpu.memref_slice %arg6[%dma_start3A_1248, %dma_start3A_1249, %dma_start3A_1250] : memref<10x64x128xf32, #tpu.memory_space<vmem>> -> memref<1x64x128xf32, #tpu.memory_space<vmem>>
      %dma_start3A_1252 = tpu.memref_squeeze %dma_start3A_1251 : memref<1x64x128xf32, #tpu.memory_space<vmem>> -> memref<64x128xf32, #tpu.memory_space<vmem>>
      %dma_start3A_1253 = tpu.memref_slice %arg5[%mul3A_1247] : memref<25600xi32, #tpu.memory_space<vmem>> -> memref<64xi32, #tpu.memory_space<vmem>>
      %dma_start3A_1254 = arith.constant 0 : i32
      %dma_start3A_1255 = arith.constant 0 : i32
      %dma_start3A_1256 = tpu.memref_slice %arg3[%dma_start3A_1254, %dma_start3A_1255] : memref<100000x128xf32, #tpu.memory_space<hbm>> -> memref<100000x128xf32, #tpu.memory_space<hbm>>
      tpu.enqueue_indirect_dma source(%dma_start3A_1256 : memref<100000x128xf32, #tpu.memory_space<hbm>>) target(%dma_start3A_1252 : memref<64x128xf32, #tpu.memory_space<vmem>>) offsets(%dma_start3A_1253 : memref<64xi32, #tpu.memory_space<vmem>>) semaphore(%arg16 : memref<!tpu.dma_semaphore, #tpu.memory_space<semaphore_mem>>)
      %add3A_1257 = arith.constant 4 : i32
      %add3A_1258 = arith.addi %add3A_1009, %add3A_1257 : i32
      %mul3A_1259 = arith.constant 64 : i32
      %mul3A_1260 = arith.muli %add3A_1258, %mul3A_1259 : i32
      %dma_wait3A_1261 = arith.constant 4 : i32
      %dma_wait3A_1262 = arith.constant 0 : i32
      %dma_wait3A_1263 = arith.constant 0 : i32
      %dma_wait3A_1264 = tpu.memref_slice %arg6[%dma_wait3A_1261, %dma_wait3A_1262, %dma_wait3A_1263] : memref<10x64x128xf32, #tpu.memory_space<vmem>> -> memref<1x64x128xf32, #tpu.memory_space<vmem>>
      %dma_wait3A_1265 = tpu.memref_squeeze %dma_wait3A_1264 : memref<1x64x128xf32, #tpu.memory_space<vmem>> -> memref<64x128xf32, #tpu.memory_space<vmem>>
      %dma_wait3A_1266 = tpu.memref_slice %arg5[%mul3A_1260] : memref<25600xi32, #tpu.memory_space<vmem>> -> memref<64xi32, #tpu.memory_space<vmem>>
      %dma_wait3A_1267 = arith.constant 0 : i32
      %dma_wait3A_1268 = arith.constant 0 : i32
      %dma_wait3A_1269 = tpu.memref_slice %arg3[%dma_wait3A_1267, %dma_wait3A_1268] : memref<100000x128xf32, #tpu.memory_space<hbm>> -> memref<100000x128xf32, #tpu.memory_space<hbm>>
      tpu.wait_indirect_dma semaphore(%arg11 : memref<!tpu.dma_semaphore, #tpu.memory_space<semaphore_mem>>) src(%dma_wait3A_1269 : memref<100000x128xf32, #tpu.memory_space<hbm>>) dst(%dma_wait3A_1265 : memref<64x128xf32, #tpu.memory_space<vmem>>)
      %mul3A_1270 = arith.constant 64 : i32
      %mul3A_1271 = arith.muli %add3A_1258, %mul3A_1270 : i32
      %add3A_1272 = arith.addi %mul3A_2, %mul3A_1271 : i32
      %dma_start3A_1273 = arith.constant 4 : i32
      %dma_start3A_1274 = arith.constant 0 : i32
      %dma_start3A_1275 = arith.constant 0 : i32
      %dma_start3A_1276 = tpu.memref_slice %arg6[%dma_start3A_1273, %dma_start3A_1274, %dma_start3A_1275] : memref<10x64x128xf32, #tpu.memory_space<vmem>> -> memref<1x64x128xf32, #tpu.memory_space<vmem>>
      %dma_start3A_1277 = tpu.memref_squeeze %dma_start3A_1276 : memref<1x64x128xf32, #tpu.memory_space<vmem>> -> memref<64x128xf32, #tpu.memory_space<vmem>>
      %dma_start3A_1278 = arith.constant 0 : i32
      %dma_start3A_1279 = tpu.memref_slice %arg4[%add3A_1272, %dma_start3A_1278] : memref<819200x128xf32, #tpu.memory_space<hbm>> -> memref<64x128xf32, #tpu.memory_space<hbm>>
      %dma_start3A_1280 = arith.constant 0 : i32
      %dma_start3A_1281 = tpu.memref_slice %arg4[%add3A_1272, %dma_start3A_1280] : memref<819200x128xf32, #tpu.memory_space<hbm>> -> memref<64x128xf32, #tpu.memory_space<hbm>>
      %dma_start3A_1282 = arith.constant 0 : i32
      %dma_start3A_1283 = arith.constant 0 : i32
      %dma_start3A_1284 = tpu.memref_slice %arg6[%dma_start3A_1273, %dma_start3A_1282, %dma_start3A_1283] : memref<10x64x128xf32, #tpu.memory_space<vmem>> -> memref<1x64x128xf32, #tpu.memory_space<vmem>>
      %dma_start3A_1285 = tpu.memref_squeeze %dma_start3A_1284 : memref<1x64x128xf32, #tpu.memory_space<vmem>> -> memref<64x128xf32, #tpu.memory_space<vmem>>
      tpu.enqueue_dma source(%dma_start3A_1285 : memref<64x128xf32, #tpu.memory_space<vmem>>) target(%dma_start3A_1281 : memref<64x128xf32, #tpu.memory_space<hbm>>) target_semaphore(%arg21 : memref<!tpu.dma_semaphore, #tpu.memory_space<semaphore_mem>>)
      %add3A_1286 = arith.constant 6 : i32
      %add3A_1287 = arith.addi %add3A_1258, %add3A_1286 : i32
      %sub3A_1288 = arith.constant 10 : i32
      %sub3A_1289 = arith.subi %add3A_1287, %sub3A_1288 : i32
      %mul3A_1290 = arith.constant 64 : i32
      %mul3A_1291 = arith.muli %sub3A_1289, %mul3A_1290 : i32
      %add3A_1292 = arith.addi %mul3A_2, %mul3A_1291 : i32
      %dma_wait3A_1293 = arith.constant 0 : i32
      %dma_wait3A_1294 = arith.constant 0 : i32
      %dma_wait3A_1295 = arith.constant 0 : i32
      %dma_wait3A_1296 = tpu.memref_slice %arg6[%dma_wait3A_1293, %dma_wait3A_1294, %dma_wait3A_1295] : memref<10x64x128xf32, #tpu.memory_space<vmem>> -> memref<1x64x128xf32, #tpu.memory_space<vmem>>
      %dma_wait3A_1297 = tpu.memref_squeeze %dma_wait3A_1296 : memref<1x64x128xf32, #tpu.memory_space<vmem>> -> memref<64x128xf32, #tpu.memory_space<vmem>>
      %dma_wait3A_1298 = arith.constant 0 : i32
      %dma_wait3A_1299 = tpu.memref_slice %arg4[%add3A_1292, %dma_wait3A_1298] : memref<819200x128xf32, #tpu.memory_space<hbm>> -> memref<64x128xf32, #tpu.memory_space<hbm>>
      %dma_wait3A_1300 = arith.constant 0 : i32
      %dma_wait3A_1301 = tpu.memref_slice %arg4[%add3A_1292, %dma_wait3A_1300] : memref<819200x128xf32, #tpu.memory_space<hbm>> -> memref<64x128xf32, #tpu.memory_space<hbm>>
      %dma_wait3A_1302 = arith.constant 0 : i32
      %dma_wait3A_1303 = arith.constant 0 : i32
      %dma_wait3A_1304 = tpu.memref_slice %arg6[%dma_wait3A_1293, %dma_wait3A_1302, %dma_wait3A_1303] : memref<10x64x128xf32, #tpu.memory_space<vmem>> -> memref<1x64x128xf32, #tpu.memory_space<vmem>>
      %dma_wait3A_1305 = tpu.memref_squeeze %dma_wait3A_1304 : memref<1x64x128xf32, #tpu.memory_space<vmem>> -> memref<64x128xf32, #tpu.memory_space<vmem>>
      tpu.wait_dma2 semaphore(%arg17 : memref<!tpu.dma_semaphore, #tpu.memory_space<semaphore_mem>>) src(%dma_wait3A_1305 : memref<64x128xf32, #tpu.memory_space<vmem>>) dst(%dma_wait3A_1301 : memref<64x128xf32, #tpu.memory_space<hbm>>)
      %add3A_1306 = arith.constant 6 : i32
      %add3A_1307 = arith.addi %add3A_1258, %add3A_1306 : i32
      %mul3A_1308 = arith.constant 64 : i32
      %mul3A_1309 = arith.muli %add3A_1307, %mul3A_1308 : i32
      %dma_start3A_1310 = arith.constant 0 : i32
      %dma_start3A_1311 = arith.constant 0 : i32
      %dma_start3A_1312 = arith.constant 0 : i32
      %dma_start3A_1313 = tpu.memref_slice %arg6[%dma_start3A_1310, %dma_start3A_1311, %dma_start3A_1312] : memref<10x64x128xf32, #tpu.memory_space<vmem>> -> memref<1x64x128xf32, #tpu.memory_space<vmem>>
      %dma_start3A_1314 = tpu.memref_squeeze %dma_start3A_1313 : memref<1x64x128xf32, #tpu.memory_space<vmem>> -> memref<64x128xf32, #tpu.memory_space<vmem>>
      %dma_start3A_1315 = tpu.memref_slice %arg5[%mul3A_1309] : memref<25600xi32, #tpu.memory_space<vmem>> -> memref<64xi32, #tpu.memory_space<vmem>>
      %dma_start3A_1316 = arith.constant 0 : i32
      %dma_start3A_1317 = arith.constant 0 : i32
      %dma_start3A_1318 = tpu.memref_slice %arg3[%dma_start3A_1316, %dma_start3A_1317] : memref<100000x128xf32, #tpu.memory_space<hbm>> -> memref<100000x128xf32, #tpu.memory_space<hbm>>
      tpu.enqueue_indirect_dma source(%dma_start3A_1318 : memref<100000x128xf32, #tpu.memory_space<hbm>>) target(%dma_start3A_1314 : memref<64x128xf32, #tpu.memory_space<vmem>>) offsets(%dma_start3A_1315 : memref<64xi32, #tpu.memory_space<vmem>>) semaphore(%arg7 : memref<!tpu.dma_semaphore, #tpu.memory_space<semaphore_mem>>)
      %add3A_1319 = arith.constant 5 : i32
      %add3A_1320 = arith.addi %add3A_1009, %add3A_1319 : i32
      %mul3A_1321 = arith.constant 64 : i32
      %mul3A_1322 = arith.muli %add3A_1320, %mul3A_1321 : i32
      %dma_wait3A_1323 = arith.constant 5 : i32
      %dma_wait3A_1324 = arith.constant 0 : i32
      %dma_wait3A_1325 = arith.constant 0 : i32
      %dma_wait3A_1326 = tpu.memref_slice %arg6[%dma_wait3A_1323, %dma_wait3A_1324, %dma_wait3A_1325] : memref<10x64x128xf32, #tpu.memory_space<vmem>> -> memref<1x64x128xf32, #tpu.memory_space<vmem>>
      %dma_wait3A_1327 = tpu.memref_squeeze %dma_wait3A_1326 : memref<1x64x128xf32, #tpu.memory_space<vmem>> -> memref<64x128xf32, #tpu.memory_space<vmem>>
      %dma_wait3A_1328 = tpu.memref_slice %arg5[%mul3A_1322] : memref<25600xi32, #tpu.memory_space<vmem>> -> memref<64xi32, #tpu.memory_space<vmem>>
      %dma_wait3A_1329 = arith.constant 0 : i32
      %dma_wait3A_1330 = arith.constant 0 : i32
      %dma_wait3A_1331 = tpu.memref_slice %arg3[%dma_wait3A_1329, %dma_wait3A_1330] : memref<100000x128xf32, #tpu.memory_space<hbm>> -> memref<100000x128xf32, #tpu.memory_space<hbm>>
      tpu.wait_indirect_dma semaphore(%arg12 : memref<!tpu.dma_semaphore, #tpu.memory_space<semaphore_mem>>) src(%dma_wait3A_1331 : memref<100000x128xf32, #tpu.memory_space<hbm>>) dst(%dma_wait3A_1327 : memref<64x128xf32, #tpu.memory_space<vmem>>)
      %mul3A_1332 = arith.constant 64 : i32
      %mul3A_1333 = arith.muli %add3A_1320, %mul3A_1332 : i32
      %add3A_1334 = arith.addi %mul3A_2, %mul3A_1333 : i32
      %dma_start3A_1335 = arith.constant 5 : i32
      %dma_start3A_1336 = arith.constant 0 : i32
      %dma_start3A_1337 = arith.constant 0 : i32
      %dma_start3A_1338 = tpu.memref_slice %arg6[%dma_start3A_1335, %dma_start3A_1336, %dma_start3A_1337] : memref<10x64x128xf32, #tpu.memory_space<vmem>> -> memref<1x64x128xf32, #tpu.memory_space<vmem>>
      %dma_start3A_1339 = tpu.memref_squeeze %dma_start3A_1338 : memref<1x64x128xf32, #tpu.memory_space<vmem>> -> memref<64x128xf32, #tpu.memory_space<vmem>>
      %dma_start3A_1340 = arith.constant 0 : i32
      %dma_start3A_1341 = tpu.memref_slice %arg4[%add3A_1334, %dma_start3A_1340] : memref<819200x128xf32, #tpu.memory_space<hbm>> -> memref<64x128xf32, #tpu.memory_space<hbm>>
      %dma_start3A_1342 = arith.constant 0 : i32
      %dma_start3A_1343 = tpu.memref_slice %arg4[%add3A_1334, %dma_start3A_1342] : memref<819200x128xf32, #tpu.memory_space<hbm>> -> memref<64x128xf32, #tpu.memory_space<hbm>>
      %dma_start3A_1344 = arith.constant 0 : i32
      %dma_start3A_1345 = arith.constant 0 : i32
      %dma_start3A_1346 = tpu.memref_slice %arg6[%dma_start3A_1335, %dma_start3A_1344, %dma_start3A_1345] : memref<10x64x128xf32, #tpu.memory_space<vmem>> -> memref<1x64x128xf32, #tpu.memory_space<vmem>>
      %dma_start3A_1347 = tpu.memref_squeeze %dma_start3A_1346 : memref<1x64x128xf32, #tpu.memory_space<vmem>> -> memref<64x128xf32, #tpu.memory_space<vmem>>
      tpu.enqueue_dma source(%dma_start3A_1347 : memref<64x128xf32, #tpu.memory_space<vmem>>) target(%dma_start3A_1343 : memref<64x128xf32, #tpu.memory_space<hbm>>) target_semaphore(%arg22 : memref<!tpu.dma_semaphore, #tpu.memory_space<semaphore_mem>>)
      %add3A_1348 = arith.constant 6 : i32
      %add3A_1349 = arith.addi %add3A_1320, %add3A_1348 : i32
      %sub3A_1350 = arith.constant 10 : i32
      %sub3A_1351 = arith.subi %add3A_1349, %sub3A_1350 : i32
      %mul3A_1352 = arith.constant 64 : i32
      %mul3A_1353 = arith.muli %sub3A_1351, %mul3A_1352 : i32
      %add3A_1354 = arith.addi %mul3A_2, %mul3A_1353 : i32
      %dma_wait3A_1355 = arith.constant 1 : i32
      %dma_wait3A_1356 = arith.constant 0 : i32
      %dma_wait3A_1357 = arith.constant 0 : i32
      %dma_wait3A_1358 = tpu.memref_slice %arg6[%dma_wait3A_1355, %dma_wait3A_1356, %dma_wait3A_1357] : memref<10x64x128xf32, #tpu.memory_space<vmem>> -> memref<1x64x128xf32, #tpu.memory_space<vmem>>
      %dma_wait3A_1359 = tpu.memref_squeeze %dma_wait3A_1358 : memref<1x64x128xf32, #tpu.memory_space<vmem>> -> memref<64x128xf32, #tpu.memory_space<vmem>>
      %dma_wait3A_1360 = arith.constant 0 : i32
      %dma_wait3A_1361 = tpu.memref_slice %arg4[%add3A_1354, %dma_wait3A_1360] : memref<819200x128xf32, #tpu.memory_space<hbm>> -> memref<64x128xf32, #tpu.memory_space<hbm>>
      %dma_wait3A_1362 = arith.constant 0 : i32
      %dma_wait3A_1363 = tpu.memref_slice %arg4[%add3A_1354, %dma_wait3A_1362] : memref<819200x128xf32, #tpu.memory_space<hbm>> -> memref<64x128xf32, #tpu.memory_space<hbm>>
      %dma_wait3A_1364 = arith.constant 0 : i32
      %dma_wait3A_1365 = arith.constant 0 : i32
      %dma_wait3A_1366 = tpu.memref_slice %arg6[%dma_wait3A_1355, %dma_wait3A_1364, %dma_wait3A_1365] : memref<10x64x128xf32, #tpu.memory_space<vmem>> -> memref<1x64x128xf32, #tpu.memory_space<vmem>>
      %dma_wait3A_1367 = tpu.memref_squeeze %dma_wait3A_1366 : memref<1x64x128xf32, #tpu.memory_space<vmem>> -> memref<64x128xf32, #tpu.memory_space<vmem>>
      tpu.wait_dma2 semaphore(%arg18 : memref<!tpu.dma_semaphore, #tpu.memory_space<semaphore_mem>>) src(%dma_wait3A_1367 : memref<64x128xf32, #tpu.memory_space<vmem>>) dst(%dma_wait3A_1363 : memref<64x128xf32, #tpu.memory_space<hbm>>)
      %add3A_1368 = arith.constant 6 : i32
      %add3A_1369 = arith.addi %add3A_1320, %add3A_1368 : i32
      %mul3A_1370 = arith.constant 64 : i32
      %mul3A_1371 = arith.muli %add3A_1369, %mul3A_1370 : i32
      %dma_start3A_1372 = arith.constant 1 : i32
      %dma_start3A_1373 = arith.constant 0 : i32
      %dma_start3A_1374 = arith.constant 0 : i32
      %dma_start3A_1375 = tpu.memref_slice %arg6[%dma_start3A_1372, %dma_start3A_1373, %dma_start3A_1374] : memref<10x64x128xf32, #tpu.memory_space<vmem>> -> memref<1x64x128xf32, #tpu.memory_space<vmem>>
      %dma_start3A_1376 = tpu.memref_squeeze %dma_start3A_1375 : memref<1x64x128xf32, #tpu.memory_space<vmem>> -> memref<64x128xf32, #tpu.memory_space<vmem>>
      %dma_start3A_1377 = tpu.memref_slice %arg5[%mul3A_1371] : memref<25600xi32, #tpu.memory_space<vmem>> -> memref<64xi32, #tpu.memory_space<vmem>>
      %dma_start3A_1378 = arith.constant 0 : i32
      %dma_start3A_1379 = arith.constant 0 : i32
      %dma_start3A_1380 = tpu.memref_slice %arg3[%dma_start3A_1378, %dma_start3A_1379] : memref<100000x128xf32, #tpu.memory_space<hbm>> -> memref<100000x128xf32, #tpu.memory_space<hbm>>
      tpu.enqueue_indirect_dma source(%dma_start3A_1380 : memref<100000x128xf32, #tpu.memory_space<hbm>>) target(%dma_start3A_1376 : memref<64x128xf32, #tpu.memory_space<vmem>>) offsets(%dma_start3A_1377 : memref<64xi32, #tpu.memory_space<vmem>>) semaphore(%arg8 : memref<!tpu.dma_semaphore, #tpu.memory_space<semaphore_mem>>)
      %add3A_1381 = arith.constant 6 : i32
      %add3A_1382 = arith.addi %add3A_1009, %add3A_1381 : i32
      %mul3A_1383 = arith.constant 64 : i32
      %mul3A_1384 = arith.muli %add3A_1382, %mul3A_1383 : i32
      %dma_wait3A_1385 = arith.constant 6 : i32
      %dma_wait3A_1386 = arith.constant 0 : i32
      %dma_wait3A_1387 = arith.constant 0 : i32
      %dma_wait3A_1388 = tpu.memref_slice %arg6[%dma_wait3A_1385, %dma_wait3A_1386, %dma_wait3A_1387] : memref<10x64x128xf32, #tpu.memory_space<vmem>> -> memref<1x64x128xf32, #tpu.memory_space<vmem>>
      %dma_wait3A_1389 = tpu.memref_squeeze %dma_wait3A_1388 : memref<1x64x128xf32, #tpu.memory_space<vmem>> -> memref<64x128xf32, #tpu.memory_space<vmem>>
      %dma_wait3A_1390 = tpu.memref_slice %arg5[%mul3A_1384] : memref<25600xi32, #tpu.memory_space<vmem>> -> memref<64xi32, #tpu.memory_space<vmem>>
      %dma_wait3A_1391 = arith.constant 0 : i32
      %dma_wait3A_1392 = arith.constant 0 : i32
      %dma_wait3A_1393 = tpu.memref_slice %arg3[%dma_wait3A_1391, %dma_wait3A_1392] : memref<100000x128xf32, #tpu.memory_space<hbm>> -> memref<100000x128xf32, #tpu.memory_space<hbm>>
      tpu.wait_indirect_dma semaphore(%arg13 : memref<!tpu.dma_semaphore, #tpu.memory_space<semaphore_mem>>) src(%dma_wait3A_1393 : memref<100000x128xf32, #tpu.memory_space<hbm>>) dst(%dma_wait3A_1389 : memref<64x128xf32, #tpu.memory_space<vmem>>)
      %mul3A_1394 = arith.constant 64 : i32
      %mul3A_1395 = arith.muli %add3A_1382, %mul3A_1394 : i32
      %add3A_1396 = arith.addi %mul3A_2, %mul3A_1395 : i32
      %dma_start3A_1397 = arith.constant 6 : i32
      %dma_start3A_1398 = arith.constant 0 : i32
      %dma_start3A_1399 = arith.constant 0 : i32
      %dma_start3A_1400 = tpu.memref_slice %arg6[%dma_start3A_1397, %dma_start3A_1398, %dma_start3A_1399] : memref<10x64x128xf32, #tpu.memory_space<vmem>> -> memref<1x64x128xf32, #tpu.memory_space<vmem>>
      %dma_start3A_1401 = tpu.memref_squeeze %dma_start3A_1400 : memref<1x64x128xf32, #tpu.memory_space<vmem>> -> memref<64x128xf32, #tpu.memory_space<vmem>>
      %dma_start3A_1402 = arith.constant 0 : i32
      %dma_start3A_1403 = tpu.memref_slice %arg4[%add3A_1396, %dma_start3A_1402] : memref<819200x128xf32, #tpu.memory_space<hbm>> -> memref<64x128xf32, #tpu.memory_space<hbm>>
      %dma_start3A_1404 = arith.constant 0 : i32
      %dma_start3A_1405 = tpu.memref_slice %arg4[%add3A_1396, %dma_start3A_1404] : memref<819200x128xf32, #tpu.memory_space<hbm>> -> memref<64x128xf32, #tpu.memory_space<hbm>>
      %dma_start3A_1406 = arith.constant 0 : i32
      %dma_start3A_1407 = arith.constant 0 : i32
      %dma_start3A_1408 = tpu.memref_slice %arg6[%dma_start3A_1397, %dma_start3A_1406, %dma_start3A_1407] : memref<10x64x128xf32, #tpu.memory_space<vmem>> -> memref<1x64x128xf32, #tpu.memory_space<vmem>>
      %dma_start3A_1409 = tpu.memref_squeeze %dma_start3A_1408 : memref<1x64x128xf32, #tpu.memory_space<vmem>> -> memref<64x128xf32, #tpu.memory_space<vmem>>
      tpu.enqueue_dma source(%dma_start3A_1409 : memref<64x128xf32, #tpu.memory_space<vmem>>) target(%dma_start3A_1405 : memref<64x128xf32, #tpu.memory_space<hbm>>) target_semaphore(%arg23 : memref<!tpu.dma_semaphore, #tpu.memory_space<semaphore_mem>>)
      %add3A_1410 = arith.constant 6 : i32
      %add3A_1411 = arith.addi %add3A_1382, %add3A_1410 : i32
      %sub3A_1412 = arith.constant 10 : i32
      %sub3A_1413 = arith.subi %add3A_1411, %sub3A_1412 : i32
      %mul3A_1414 = arith.constant 64 : i32
      %mul3A_1415 = arith.muli %sub3A_1413, %mul3A_1414 : i32
      %add3A_1416 = arith.addi %mul3A_2, %mul3A_1415 : i32
      %dma_wait3A_1417 = arith.constant 2 : i32
      %dma_wait3A_1418 = arith.constant 0 : i32
      %dma_wait3A_1419 = arith.constant 0 : i32
      %dma_wait3A_1420 = tpu.memref_slice %arg6[%dma_wait3A_1417, %dma_wait3A_1418, %dma_wait3A_1419] : memref<10x64x128xf32, #tpu.memory_space<vmem>> -> memref<1x64x128xf32, #tpu.memory_space<vmem>>
      %dma_wait3A_1421 = tpu.memref_squeeze %dma_wait3A_1420 : memref<1x64x128xf32, #tpu.memory_space<vmem>> -> memref<64x128xf32, #tpu.memory_space<vmem>>
      %dma_wait3A_1422 = arith.constant 0 : i32
      %dma_wait3A_1423 = tpu.memref_slice %arg4[%add3A_1416, %dma_wait3A_1422] : memref<819200x128xf32, #tpu.memory_space<hbm>> -> memref<64x128xf32, #tpu.memory_space<hbm>>
      %dma_wait3A_1424 = arith.constant 0 : i32
      %dma_wait3A_1425 = tpu.memref_slice %arg4[%add3A_1416, %dma_wait3A_1424] : memref<819200x128xf32, #tpu.memory_space<hbm>> -> memref<64x128xf32, #tpu.memory_space<hbm>>
      %dma_wait3A_1426 = arith.constant 0 : i32
      %dma_wait3A_1427 = arith.constant 0 : i32
      %dma_wait3A_1428 = tpu.memref_slice %arg6[%dma_wait3A_1417, %dma_wait3A_1426, %dma_wait3A_1427] : memref<10x64x128xf32, #tpu.memory_space<vmem>> -> memref<1x64x128xf32, #tpu.memory_space<vmem>>
      %dma_wait3A_1429 = tpu.memref_squeeze %dma_wait3A_1428 : memref<1x64x128xf32, #tpu.memory_space<vmem>> -> memref<64x128xf32, #tpu.memory_space<vmem>>
      tpu.wait_dma2 semaphore(%arg19 : memref<!tpu.dma_semaphore, #tpu.memory_space<semaphore_mem>>) src(%dma_wait3A_1429 : memref<64x128xf32, #tpu.memory_space<vmem>>) dst(%dma_wait3A_1425 : memref<64x128xf32, #tpu.memory_space<hbm>>)
      %add3A_1430 = arith.constant 6 : i32
      %add3A_1431 = arith.addi %add3A_1382, %add3A_1430 : i32
      %mul3A_1432 = arith.constant 64 : i32
      %mul3A_1433 = arith.muli %add3A_1431, %mul3A_1432 : i32
      %dma_start3A_1434 = arith.constant 2 : i32
      %dma_start3A_1435 = arith.constant 0 : i32
      %dma_start3A_1436 = arith.constant 0 : i32
      %dma_start3A_1437 = tpu.memref_slice %arg6[%dma_start3A_1434, %dma_start3A_1435, %dma_start3A_1436] : memref<10x64x128xf32, #tpu.memory_space<vmem>> -> memref<1x64x128xf32, #tpu.memory_space<vmem>>
      %dma_start3A_1438 = tpu.memref_squeeze %dma_start3A_1437 : memref<1x64x128xf32, #tpu.memory_space<vmem>> -> memref<64x128xf32, #tpu.memory_space<vmem>>
      %dma_start3A_1439 = tpu.memref_slice %arg5[%mul3A_1433] : memref<25600xi32, #tpu.memory_space<vmem>> -> memref<64xi32, #tpu.memory_space<vmem>>
      %dma_start3A_1440 = arith.constant 0 : i32
      %dma_start3A_1441 = arith.constant 0 : i32
      %dma_start3A_1442 = tpu.memref_slice %arg3[%dma_start3A_1440, %dma_start3A_1441] : memref<100000x128xf32, #tpu.memory_space<hbm>> -> memref<100000x128xf32, #tpu.memory_space<hbm>>
      tpu.enqueue_indirect_dma source(%dma_start3A_1442 : memref<100000x128xf32, #tpu.memory_space<hbm>>) target(%dma_start3A_1438 : memref<64x128xf32, #tpu.memory_space<vmem>>) offsets(%dma_start3A_1439 : memref<64xi32, #tpu.memory_space<vmem>>) semaphore(%arg9 : memref<!tpu.dma_semaphore, #tpu.memory_space<semaphore_mem>>)
      %add3A_1443 = arith.constant 7 : i32
      %add3A_1444 = arith.addi %add3A_1009, %add3A_1443 : i32
      %mul3A_1445 = arith.constant 64 : i32
      %mul3A_1446 = arith.muli %add3A_1444, %mul3A_1445 : i32
      %dma_wait3A_1447 = arith.constant 7 : i32
      %dma_wait3A_1448 = arith.constant 0 : i32
      %dma_wait3A_1449 = arith.constant 0 : i32
      %dma_wait3A_1450 = tpu.memref_slice %arg6[%dma_wait3A_1447, %dma_wait3A_1448, %dma_wait3A_1449] : memref<10x64x128xf32, #tpu.memory_space<vmem>> -> memref<1x64x128xf32, #tpu.memory_space<vmem>>
      %dma_wait3A_1451 = tpu.memref_squeeze %dma_wait3A_1450 : memref<1x64x128xf32, #tpu.memory_space<vmem>> -> memref<64x128xf32, #tpu.memory_space<vmem>>
      %dma_wait3A_1452 = tpu.memref_slice %arg5[%mul3A_1446] : memref<25600xi32, #tpu.memory_space<vmem>> -> memref<64xi32, #tpu.memory_space<vmem>>
      %dma_wait3A_1453 = arith.constant 0 : i32
      %dma_wait3A_1454 = arith.constant 0 : i32
      %dma_wait3A_1455 = tpu.memref_slice %arg3[%dma_wait3A_1453, %dma_wait3A_1454] : memref<100000x128xf32, #tpu.memory_space<hbm>> -> memref<100000x128xf32, #tpu.memory_space<hbm>>
      tpu.wait_indirect_dma semaphore(%arg14 : memref<!tpu.dma_semaphore, #tpu.memory_space<semaphore_mem>>) src(%dma_wait3A_1455 : memref<100000x128xf32, #tpu.memory_space<hbm>>) dst(%dma_wait3A_1451 : memref<64x128xf32, #tpu.memory_space<vmem>>)
      %mul3A_1456 = arith.constant 64 : i32
      %mul3A_1457 = arith.muli %add3A_1444, %mul3A_1456 : i32
      %add3A_1458 = arith.addi %mul3A_2, %mul3A_1457 : i32
      %dma_start3A_1459 = arith.constant 7 : i32
      %dma_start3A_1460 = arith.constant 0 : i32
      %dma_start3A_1461 = arith.constant 0 : i32
      %dma_start3A_1462 = tpu.memref_slice %arg6[%dma_start3A_1459, %dma_start3A_1460, %dma_start3A_1461] : memref<10x64x128xf32, #tpu.memory_space<vmem>> -> memref<1x64x128xf32, #tpu.memory_space<vmem>>
      %dma_start3A_1463 = tpu.memref_squeeze %dma_start3A_1462 : memref<1x64x128xf32, #tpu.memory_space<vmem>> -> memref<64x128xf32, #tpu.memory_space<vmem>>
      %dma_start3A_1464 = arith.constant 0 : i32
      %dma_start3A_1465 = tpu.memref_slice %arg4[%add3A_1458, %dma_start3A_1464] : memref<819200x128xf32, #tpu.memory_space<hbm>> -> memref<64x128xf32, #tpu.memory_space<hbm>>
      %dma_start3A_1466 = arith.constant 0 : i32
      %dma_start3A_1467 = tpu.memref_slice %arg4[%add3A_1458, %dma_start3A_1466] : memref<819200x128xf32, #tpu.memory_space<hbm>> -> memref<64x128xf32, #tpu.memory_space<hbm>>
      %dma_start3A_1468 = arith.constant 0 : i32
      %dma_start3A_1469 = arith.constant 0 : i32
      %dma_start3A_1470 = tpu.memref_slice %arg6[%dma_start3A_1459, %dma_start3A_1468, %dma_start3A_1469] : memref<10x64x128xf32, #tpu.memory_space<vmem>> -> memref<1x64x128xf32, #tpu.memory_space<vmem>>
      %dma_start3A_1471 = tpu.memref_squeeze %dma_start3A_1470 : memref<1x64x128xf32, #tpu.memory_space<vmem>> -> memref<64x128xf32, #tpu.memory_space<vmem>>
      tpu.enqueue_dma source(%dma_start3A_1471 : memref<64x128xf32, #tpu.memory_space<vmem>>) target(%dma_start3A_1467 : memref<64x128xf32, #tpu.memory_space<hbm>>) target_semaphore(%arg24 : memref<!tpu.dma_semaphore, #tpu.memory_space<semaphore_mem>>)
      %add3A_1472 = arith.constant 6 : i32
      %add3A_1473 = arith.addi %add3A_1444, %add3A_1472 : i32
      %sub3A_1474 = arith.constant 10 : i32
      %sub3A_1475 = arith.subi %add3A_1473, %sub3A_1474 : i32
      %mul3A_1476 = arith.constant 64 : i32
      %mul3A_1477 = arith.muli %sub3A_1475, %mul3A_1476 : i32
      %add3A_1478 = arith.addi %mul3A_2, %mul3A_1477 : i32
      %dma_wait3A_1479 = arith.constant 3 : i32
      %dma_wait3A_1480 = arith.constant 0 : i32
      %dma_wait3A_1481 = arith.constant 0 : i32
      %dma_wait3A_1482 = tpu.memref_slice %arg6[%dma_wait3A_1479, %dma_wait3A_1480, %dma_wait3A_1481] : memref<10x64x128xf32, #tpu.memory_space<vmem>> -> memref<1x64x128xf32, #tpu.memory_space<vmem>>
      %dma_wait3A_1483 = tpu.memref_squeeze %dma_wait3A_1482 : memref<1x64x128xf32, #tpu.memory_space<vmem>> -> memref<64x128xf32, #tpu.memory_space<vmem>>
      %dma_wait3A_1484 = arith.constant 0 : i32
      %dma_wait3A_1485 = tpu.memref_slice %arg4[%add3A_1478, %dma_wait3A_1484] : memref<819200x128xf32, #tpu.memory_space<hbm>> -> memref<64x128xf32, #tpu.memory_space<hbm>>
      %dma_wait3A_1486 = arith.constant 0 : i32
      %dma_wait3A_1487 = tpu.memref_slice %arg4[%add3A_1478, %dma_wait3A_1486] : memref<819200x128xf32, #tpu.memory_space<hbm>> -> memref<64x128xf32, #tpu.memory_space<hbm>>
      %dma_wait3A_1488 = arith.constant 0 : i32
      %dma_wait3A_1489 = arith.constant 0 : i32
      %dma_wait3A_1490 = tpu.memref_slice %arg6[%dma_wait3A_1479, %dma_wait3A_1488, %dma_wait3A_1489] : memref<10x64x128xf32, #tpu.memory_space<vmem>> -> memref<1x64x128xf32, #tpu.memory_space<vmem>>
      %dma_wait3A_1491 = tpu.memref_squeeze %dma_wait3A_1490 : memref<1x64x128xf32, #tpu.memory_space<vmem>> -> memref<64x128xf32, #tpu.memory_space<vmem>>
      tpu.wait_dma2 semaphore(%arg20 : memref<!tpu.dma_semaphore, #tpu.memory_space<semaphore_mem>>) src(%dma_wait3A_1491 : memref<64x128xf32, #tpu.memory_space<vmem>>) dst(%dma_wait3A_1487 : memref<64x128xf32, #tpu.memory_space<hbm>>)
      %add3A_1492 = arith.constant 6 : i32
      %add3A_1493 = arith.addi %add3A_1444, %add3A_1492 : i32
      %mul3A_1494 = arith.constant 64 : i32
      %mul3A_1495 = arith.muli %add3A_1493, %mul3A_1494 : i32
      %dma_start3A_1496 = arith.constant 3 : i32
      %dma_start3A_1497 = arith.constant 0 : i32
      %dma_start3A_1498 = arith.constant 0 : i32
      %dma_start3A_1499 = tpu.memref_slice %arg6[%dma_start3A_1496, %dma_start3A_1497, %dma_start3A_1498] : memref<10x64x128xf32, #tpu.memory_space<vmem>> -> memref<1x64x128xf32, #tpu.memory_space<vmem>>
      %dma_start3A_1500 = tpu.memref_squeeze %dma_start3A_1499 : memref<1x64x128xf32, #tpu.memory_space<vmem>> -> memref<64x128xf32, #tpu.memory_space<vmem>>
      %dma_start3A_1501 = tpu.memref_slice %arg5[%mul3A_1495] : memref<25600xi32, #tpu.memory_space<vmem>> -> memref<64xi32, #tpu.memory_space<vmem>>
      %dma_start3A_1502 = arith.constant 0 : i32
      %dma_start3A_1503 = arith.constant 0 : i32
      %dma_start3A_1504 = tpu.memref_slice %arg3[%dma_start3A_1502, %dma_start3A_1503] : memref<100000x128xf32, #tpu.memory_space<hbm>> -> memref<100000x128xf32, #tpu.memory_space<hbm>>
      tpu.enqueue_indirect_dma source(%dma_start3A_1504 : memref<100000x128xf32, #tpu.memory_space<hbm>>) target(%dma_start3A_1500 : memref<64x128xf32, #tpu.memory_space<vmem>>) offsets(%dma_start3A_1501 : memref<64xi32, #tpu.memory_space<vmem>>) semaphore(%arg10 : memref<!tpu.dma_semaphore, #tpu.memory_space<semaphore_mem>>)
      %add3A_1505 = arith.constant 8 : i32
      %add3A_1506 = arith.addi %add3A_1009, %add3A_1505 : i32
      %mul3A_1507 = arith.constant 64 : i32
      %mul3A_1508 = arith.muli %add3A_1506, %mul3A_1507 : i32
      %dma_wait3A_1509 = arith.constant 8 : i32
      %dma_wait3A_1510 = arith.constant 0 : i32
      %dma_wait3A_1511 = arith.constant 0 : i32
      %dma_wait3A_1512 = tpu.memref_slice %arg6[%dma_wait3A_1509, %dma_wait3A_1510, %dma_wait3A_1511] : memref<10x64x128xf32, #tpu.memory_space<vmem>> -> memref<1x64x128xf32, #tpu.memory_space<vmem>>
      %dma_wait3A_1513 = tpu.memref_squeeze %dma_wait3A_1512 : memref<1x64x128xf32, #tpu.memory_space<vmem>> -> memref<64x128xf32, #tpu.memory_space<vmem>>
      %dma_wait3A_1514 = tpu.memref_slice %arg5[%mul3A_1508] : memref<25600xi32, #tpu.memory_space<vmem>> -> memref<64xi32, #tpu.memory_space<vmem>>
      %dma_wait3A_1515 = arith.constant 0 : i32
      %dma_wait3A_1516 = arith.constant 0 : i32
      %dma_wait3A_1517 = tpu.memref_slice %arg3[%dma_wait3A_1515, %dma_wait3A_1516] : memref<100000x128xf32, #tpu.memory_space<hbm>> -> memref<100000x128xf32, #tpu.memory_space<hbm>>
      tpu.wait_indirect_dma semaphore(%arg15 : memref<!tpu.dma_semaphore, #tpu.memory_space<semaphore_mem>>) src(%dma_wait3A_1517 : memref<100000x128xf32, #tpu.memory_space<hbm>>) dst(%dma_wait3A_1513 : memref<64x128xf32, #tpu.memory_space<vmem>>)
      %mul3A_1518 = arith.constant 64 : i32
      %mul3A_1519 = arith.muli %add3A_1506, %mul3A_1518 : i32
      %add3A_1520 = arith.addi %mul3A_2, %mul3A_1519 : i32
      %dma_start3A_1521 = arith.constant 8 : i32
      %dma_start3A_1522 = arith.constant 0 : i32
      %dma_start3A_1523 = arith.constant 0 : i32
      %dma_start3A_1524 = tpu.memref_slice %arg6[%dma_start3A_1521, %dma_start3A_1522, %dma_start3A_1523] : memref<10x64x128xf32, #tpu.memory_space<vmem>> -> memref<1x64x128xf32, #tpu.memory_space<vmem>>
      %dma_start3A_1525 = tpu.memref_squeeze %dma_start3A_1524 : memref<1x64x128xf32, #tpu.memory_space<vmem>> -> memref<64x128xf32, #tpu.memory_space<vmem>>
      %dma_start3A_1526 = arith.constant 0 : i32
      %dma_start3A_1527 = tpu.memref_slice %arg4[%add3A_1520, %dma_start3A_1526] : memref<819200x128xf32, #tpu.memory_space<hbm>> -> memref<64x128xf32, #tpu.memory_space<hbm>>
      %dma_start3A_1528 = arith.constant 0 : i32
      %dma_start3A_1529 = tpu.memref_slice %arg4[%add3A_1520, %dma_start3A_1528] : memref<819200x128xf32, #tpu.memory_space<hbm>> -> memref<64x128xf32, #tpu.memory_space<hbm>>
      %dma_start3A_1530 = arith.constant 0 : i32
      %dma_start3A_1531 = arith.constant 0 : i32
      %dma_start3A_1532 = tpu.memref_slice %arg6[%dma_start3A_1521, %dma_start3A_1530, %dma_start3A_1531] : memref<10x64x128xf32, #tpu.memory_space<vmem>> -> memref<1x64x128xf32, #tpu.memory_space<vmem>>
      %dma_start3A_1533 = tpu.memref_squeeze %dma_start3A_1532 : memref<1x64x128xf32, #tpu.memory_space<vmem>> -> memref<64x128xf32, #tpu.memory_space<vmem>>
      tpu.enqueue_dma source(%dma_start3A_1533 : memref<64x128xf32, #tpu.memory_space<vmem>>) target(%dma_start3A_1529 : memref<64x128xf32, #tpu.memory_space<hbm>>) target_semaphore(%arg25 : memref<!tpu.dma_semaphore, #tpu.memory_space<semaphore_mem>>)
      %add3A_1534 = arith.constant 6 : i32
      %add3A_1535 = arith.addi %add3A_1506, %add3A_1534 : i32
      %sub3A_1536 = arith.constant 10 : i32
      %sub3A_1537 = arith.subi %add3A_1535, %sub3A_1536 : i32
      %mul3A_1538 = arith.constant 64 : i32
      %mul3A_1539 = arith.muli %sub3A_1537, %mul3A_1538 : i32
      %add3A_1540 = arith.addi %mul3A_2, %mul3A_1539 : i32
      %dma_wait3A_1541 = arith.constant 4 : i32
      %dma_wait3A_1542 = arith.constant 0 : i32
      %dma_wait3A_1543 = arith.constant 0 : i32
      %dma_wait3A_1544 = tpu.memref_slice %arg6[%dma_wait3A_1541, %dma_wait3A_1542, %dma_wait3A_1543] : memref<10x64x128xf32, #tpu.memory_space<vmem>> -> memref<1x64x128xf32, #tpu.memory_space<vmem>>
      %dma_wait3A_1545 = tpu.memref_squeeze %dma_wait3A_1544 : memref<1x64x128xf32, #tpu.memory_space<vmem>> -> memref<64x128xf32, #tpu.memory_space<vmem>>
      %dma_wait3A_1546 = arith.constant 0 : i32
      %dma_wait3A_1547 = tpu.memref_slice %arg4[%add3A_1540, %dma_wait3A_1546] : memref<819200x128xf32, #tpu.memory_space<hbm>> -> memref<64x128xf32, #tpu.memory_space<hbm>>
      %dma_wait3A_1548 = arith.constant 0 : i32
      %dma_wait3A_1549 = tpu.memref_slice %arg4[%add3A_1540, %dma_wait3A_1548] : memref<819200x128xf32, #tpu.memory_space<hbm>> -> memref<64x128xf32, #tpu.memory_space<hbm>>
      %dma_wait3A_1550 = arith.constant 0 : i32
      %dma_wait3A_1551 = arith.constant 0 : i32
      %dma_wait3A_1552 = tpu.memref_slice %arg6[%dma_wait3A_1541, %dma_wait3A_1550, %dma_wait3A_1551] : memref<10x64x128xf32, #tpu.memory_space<vmem>> -> memref<1x64x128xf32, #tpu.memory_space<vmem>>
      %dma_wait3A_1553 = tpu.memref_squeeze %dma_wait3A_1552 : memref<1x64x128xf32, #tpu.memory_space<vmem>> -> memref<64x128xf32, #tpu.memory_space<vmem>>
      tpu.wait_dma2 semaphore(%arg21 : memref<!tpu.dma_semaphore, #tpu.memory_space<semaphore_mem>>) src(%dma_wait3A_1553 : memref<64x128xf32, #tpu.memory_space<vmem>>) dst(%dma_wait3A_1549 : memref<64x128xf32, #tpu.memory_space<hbm>>)
      %add3A_1554 = arith.constant 6 : i32
      %add3A_1555 = arith.addi %add3A_1506, %add3A_1554 : i32
      %mul3A_1556 = arith.constant 64 : i32
      %mul3A_1557 = arith.muli %add3A_1555, %mul3A_1556 : i32
      %dma_start3A_1558 = arith.constant 4 : i32
      %dma_start3A_1559 = arith.constant 0 : i32
      %dma_start3A_1560 = arith.constant 0 : i32
      %dma_start3A_1561 = tpu.memref_slice %arg6[%dma_start3A_1558, %dma_start3A_1559, %dma_start3A_1560] : memref<10x64x128xf32, #tpu.memory_space<vmem>> -> memref<1x64x128xf32, #tpu.memory_space<vmem>>
      %dma_start3A_1562 = tpu.memref_squeeze %dma_start3A_1561 : memref<1x64x128xf32, #tpu.memory_space<vmem>> -> memref<64x128xf32, #tpu.memory_space<vmem>>
      %dma_start3A_1563 = tpu.memref_slice %arg5[%mul3A_1557] : memref<25600xi32, #tpu.memory_space<vmem>> -> memref<64xi32, #tpu.memory_space<vmem>>
      %dma_start3A_1564 = arith.constant 0 : i32
      %dma_start3A_1565 = arith.constant 0 : i32
      %dma_start3A_1566 = tpu.memref_slice %arg3[%dma_start3A_1564, %dma_start3A_1565] : memref<100000x128xf32, #tpu.memory_space<hbm>> -> memref<100000x128xf32, #tpu.memory_space<hbm>>
      tpu.enqueue_indirect_dma source(%dma_start3A_1566 : memref<100000x128xf32, #tpu.memory_space<hbm>>) target(%dma_start3A_1562 : memref<64x128xf32, #tpu.memory_space<vmem>>) offsets(%dma_start3A_1563 : memref<64xi32, #tpu.memory_space<vmem>>) semaphore(%arg11 : memref<!tpu.dma_semaphore, #tpu.memory_space<semaphore_mem>>)
      %add3A_1567 = arith.constant 9 : i32
      %add3A_1568 = arith.addi %add3A_1009, %add3A_1567 : i32
      %mul3A_1569 = arith.constant 64 : i32
      %mul3A_1570 = arith.muli %add3A_1568, %mul3A_1569 : i32
      %dma_wait3A_1571 = arith.constant 9 : i32
      %dma_wait3A_1572 = arith.constant 0 : i32
      %dma_wait3A_1573 = arith.constant 0 : i32
      %dma_wait3A_1574 = tpu.memref_slice %arg6[%dma_wait3A_1571, %dma_wait3A_1572, %dma_wait3A_1573] : memref<10x64x128xf32, #tpu.memory_space<vmem>> -> memref<1x64x128xf32, #tpu.memory_space<vmem>>
      %dma_wait3A_1575 = tpu.memref_squeeze %dma_wait3A_1574 : memref<1x64x128xf32, #tpu.memory_space<vmem>> -> memref<64x128xf32, #tpu.memory_space<vmem>>
      %dma_wait3A_1576 = tpu.memref_slice %arg5[%mul3A_1570] : memref<25600xi32, #tpu.memory_space<vmem>> -> memref<64xi32, #tpu.memory_space<vmem>>
      %dma_wait3A_1577 = arith.constant 0 : i32
      %dma_wait3A_1578 = arith.constant 0 : i32
      %dma_wait3A_1579 = tpu.memref_slice %arg3[%dma_wait3A_1577, %dma_wait3A_1578] : memref<100000x128xf32, #tpu.memory_space<hbm>> -> memref<100000x128xf32, #tpu.memory_space<hbm>>
      tpu.wait_indirect_dma semaphore(%arg16 : memref<!tpu.dma_semaphore, #tpu.memory_space<semaphore_mem>>) src(%dma_wait3A_1579 : memref<100000x128xf32, #tpu.memory_space<hbm>>) dst(%dma_wait3A_1575 : memref<64x128xf32, #tpu.memory_space<vmem>>)
      %mul3A_1580 = arith.constant 64 : i32
      %mul3A_1581 = arith.muli %add3A_1568, %mul3A_1580 : i32
      %add3A_1582 = arith.addi %mul3A_2, %mul3A_1581 : i32
      %dma_start3A_1583 = arith.constant 9 : i32
      %dma_start3A_1584 = arith.constant 0 : i32
      %dma_start3A_1585 = arith.constant 0 : i32
      %dma_start3A_1586 = tpu.memref_slice %arg6[%dma_start3A_1583, %dma_start3A_1584, %dma_start3A_1585] : memref<10x64x128xf32, #tpu.memory_space<vmem>> -> memref<1x64x128xf32, #tpu.memory_space<vmem>>
      %dma_start3A_1587 = tpu.memref_squeeze %dma_start3A_1586 : memref<1x64x128xf32, #tpu.memory_space<vmem>> -> memref<64x128xf32, #tpu.memory_space<vmem>>
      %dma_start3A_1588 = arith.constant 0 : i32
      %dma_start3A_1589 = tpu.memref_slice %arg4[%add3A_1582, %dma_start3A_1588] : memref<819200x128xf32, #tpu.memory_space<hbm>> -> memref<64x128xf32, #tpu.memory_space<hbm>>
      %dma_start3A_1590 = arith.constant 0 : i32
      %dma_start3A_1591 = tpu.memref_slice %arg4[%add3A_1582, %dma_start3A_1590] : memref<819200x128xf32, #tpu.memory_space<hbm>> -> memref<64x128xf32, #tpu.memory_space<hbm>>
      %dma_start3A_1592 = arith.constant 0 : i32
      %dma_start3A_1593 = arith.constant 0 : i32
      %dma_start3A_1594 = tpu.memref_slice %arg6[%dma_start3A_1583, %dma_start3A_1592, %dma_start3A_1593] : memref<10x64x128xf32, #tpu.memory_space<vmem>> -> memref<1x64x128xf32, #tpu.memory_space<vmem>>
      %dma_start3A_1595 = tpu.memref_squeeze %dma_start3A_1594 : memref<1x64x128xf32, #tpu.memory_space<vmem>> -> memref<64x128xf32, #tpu.memory_space<vmem>>
      tpu.enqueue_dma source(%dma_start3A_1595 : memref<64x128xf32, #tpu.memory_space<vmem>>) target(%dma_start3A_1591 : memref<64x128xf32, #tpu.memory_space<hbm>>) target_semaphore(%arg26 : memref<!tpu.dma_semaphore, #tpu.memory_space<semaphore_mem>>)
      %add3A_1596 = arith.constant 6 : i32
      %add3A_1597 = arith.addi %add3A_1568, %add3A_1596 : i32
      %sub3A_1598 = arith.constant 10 : i32
      %sub3A_1599 = arith.subi %add3A_1597, %sub3A_1598 : i32
      %mul3A_1600 = arith.constant 64 : i32
      %mul3A_1601 = arith.muli %sub3A_1599, %mul3A_1600 : i32
      %add3A_1602 = arith.addi %mul3A_2, %mul3A_1601 : i32
      %dma_wait3A_1603 = arith.constant 5 : i32
      %dma_wait3A_1604 = arith.constant 0 : i32
      %dma_wait3A_1605 = arith.constant 0 : i32
      %dma_wait3A_1606 = tpu.memref_slice %arg6[%dma_wait3A_1603, %dma_wait3A_1604, %dma_wait3A_1605] : memref<10x64x128xf32, #tpu.memory_space<vmem>> -> memref<1x64x128xf32, #tpu.memory_space<vmem>>
      %dma_wait3A_1607 = tpu.memref_squeeze %dma_wait3A_1606 : memref<1x64x128xf32, #tpu.memory_space<vmem>> -> memref<64x128xf32, #tpu.memory_space<vmem>>
      %dma_wait3A_1608 = arith.constant 0 : i32
      %dma_wait3A_1609 = tpu.memref_slice %arg4[%add3A_1602, %dma_wait3A_1608] : memref<819200x128xf32, #tpu.memory_space<hbm>> -> memref<64x128xf32, #tpu.memory_space<hbm>>
      %dma_wait3A_1610 = arith.constant 0 : i32
      %dma_wait3A_1611 = tpu.memref_slice %arg4[%add3A_1602, %dma_wait3A_1610] : memref<819200x128xf32, #tpu.memory_space<hbm>> -> memref<64x128xf32, #tpu.memory_space<hbm>>
      %dma_wait3A_1612 = arith.constant 0 : i32
      %dma_wait3A_1613 = arith.constant 0 : i32
      %dma_wait3A_1614 = tpu.memref_slice %arg6[%dma_wait3A_1603, %dma_wait3A_1612, %dma_wait3A_1613] : memref<10x64x128xf32, #tpu.memory_space<vmem>> -> memref<1x64x128xf32, #tpu.memory_space<vmem>>
      %dma_wait3A_1615 = tpu.memref_squeeze %dma_wait3A_1614 : memref<1x64x128xf32, #tpu.memory_space<vmem>> -> memref<64x128xf32, #tpu.memory_space<vmem>>
      tpu.wait_dma2 semaphore(%arg22 : memref<!tpu.dma_semaphore, #tpu.memory_space<semaphore_mem>>) src(%dma_wait3A_1615 : memref<64x128xf32, #tpu.memory_space<vmem>>) dst(%dma_wait3A_1611 : memref<64x128xf32, #tpu.memory_space<hbm>>)
      %add3A_1616 = arith.constant 6 : i32
      %add3A_1617 = arith.addi %add3A_1568, %add3A_1616 : i32
      %mul3A_1618 = arith.constant 64 : i32
      %mul3A_1619 = arith.muli %add3A_1617, %mul3A_1618 : i32
      %dma_start3A_1620 = arith.constant 5 : i32
      %dma_start3A_1621 = arith.constant 0 : i32
      %dma_start3A_1622 = arith.constant 0 : i32
      %dma_start3A_1623 = tpu.memref_slice %arg6[%dma_start3A_1620, %dma_start3A_1621, %dma_start3A_1622] : memref<10x64x128xf32, #tpu.memory_space<vmem>> -> memref<1x64x128xf32, #tpu.memory_space<vmem>>
      %dma_start3A_1624 = tpu.memref_squeeze %dma_start3A_1623 : memref<1x64x128xf32, #tpu.memory_space<vmem>> -> memref<64x128xf32, #tpu.memory_space<vmem>>
      %dma_start3A_1625 = tpu.memref_slice %arg5[%mul3A_1619] : memref<25600xi32, #tpu.memory_space<vmem>> -> memref<64xi32, #tpu.memory_space<vmem>>
      %dma_start3A_1626 = arith.constant 0 : i32
      %dma_start3A_1627 = arith.constant 0 : i32
      %dma_start3A_1628 = tpu.memref_slice %arg3[%dma_start3A_1626, %dma_start3A_1627] : memref<100000x128xf32, #tpu.memory_space<hbm>> -> memref<100000x128xf32, #tpu.memory_space<hbm>>
      tpu.enqueue_indirect_dma source(%dma_start3A_1628 : memref<100000x128xf32, #tpu.memory_space<hbm>>) target(%dma_start3A_1624 : memref<64x128xf32, #tpu.memory_space<vmem>>) offsets(%dma_start3A_1625 : memref<64xi32, #tpu.memory_space<vmem>>) semaphore(%arg12 : memref<!tpu.dma_semaphore, #tpu.memory_space<semaphore_mem>>)
    }
    %scan3A_504 = arith.constant 38 : i32
    %dma_wait3A_505 = arith.constant 0 : i32
    %dma_wait3A_506 = arith.constant 0 : i32
    %dma_wait3A_507 = arith.constant 0 : i32
    %dma_wait3A_508 = tpu.memref_slice %arg6[%dma_wait3A_505, %dma_wait3A_506, %dma_wait3A_507] : memref<10x64x128xf32, #tpu.memory_space<vmem>> -> memref<1x64x128xf32, #tpu.memory_space<vmem>>
    %dma_wait3A_509 = tpu.memref_squeeze %dma_wait3A_508 : memref<1x64x128xf32, #tpu.memory_space<vmem>> -> memref<64x128xf32, #tpu.memory_space<vmem>>
    %dma_wait3A_510 = arith.constant 24960 : i32
    %dma_wait3A_511 = tpu.memref_slice %arg5[%dma_wait3A_510] : memref<25600xi32, #tpu.memory_space<vmem>> -> memref<64xi32, #tpu.memory_space<vmem>>
    %dma_wait3A_512 = arith.constant 0 : i32
    %dma_wait3A_513 = arith.constant 0 : i32
    %dma_wait3A_514 = tpu.memref_slice %arg3[%dma_wait3A_512, %dma_wait3A_513] : memref<100000x128xf32, #tpu.memory_space<hbm>> -> memref<100000x128xf32, #tpu.memory_space<hbm>>
    tpu.wait_indirect_dma semaphore(%arg7 : memref<!tpu.dma_semaphore, #tpu.memory_space<semaphore_mem>>) src(%dma_wait3A_514 : memref<100000x128xf32, #tpu.memory_space<hbm>>) dst(%dma_wait3A_509 : memref<64x128xf32, #tpu.memory_space<vmem>>)
    %add3A_515 = arith.constant 24960 : i32
    %add3A_516 = arith.addi %mul3A_2, %add3A_515 : i32
    %dma_start3A_517 = arith.constant 0 : i32
    %dma_start3A_518 = arith.constant 0 : i32
    %dma_start3A_519 = arith.constant 0 : i32
    %dma_start3A_520 = tpu.memref_slice %arg6[%dma_start3A_517, %dma_start3A_518, %dma_start3A_519] : memref<10x64x128xf32, #tpu.memory_space<vmem>> -> memref<1x64x128xf32, #tpu.memory_space<vmem>>
    %dma_start3A_521 = tpu.memref_squeeze %dma_start3A_520 : memref<1x64x128xf32, #tpu.memory_space<vmem>> -> memref<64x128xf32, #tpu.memory_space<vmem>>
    %dma_start3A_522 = arith.constant 0 : i32
    %dma_start3A_523 = tpu.memref_slice %arg4[%add3A_516, %dma_start3A_522] : memref<819200x128xf32, #tpu.memory_space<hbm>> -> memref<64x128xf32, #tpu.memory_space<hbm>>
    %dma_start3A_524 = arith.constant 0 : i32
    %dma_start3A_525 = tpu.memref_slice %arg4[%add3A_516, %dma_start3A_524] : memref<819200x128xf32, #tpu.memory_space<hbm>> -> memref<64x128xf32, #tpu.memory_space<hbm>>
    %dma_start3A_526 = arith.constant 0 : i32
    %dma_start3A_527 = arith.constant 0 : i32
    %dma_start3A_528 = tpu.memref_slice %arg6[%dma_start3A_517, %dma_start3A_526, %dma_start3A_527] : memref<10x64x128xf32, #tpu.memory_space<vmem>> -> memref<1x64x128xf32, #tpu.memory_space<vmem>>
    %dma_start3A_529 = tpu.memref_squeeze %dma_start3A_528 : memref<1x64x128xf32, #tpu.memory_space<vmem>> -> memref<64x128xf32, #tpu.memory_space<vmem>>
    tpu.enqueue_dma source(%dma_start3A_529 : memref<64x128xf32, #tpu.memory_space<vmem>>) target(%dma_start3A_525 : memref<64x128xf32, #tpu.memory_space<hbm>>) target_semaphore(%arg17 : memref<!tpu.dma_semaphore, #tpu.memory_space<semaphore_mem>>)
    %add3A_530 = arith.constant 24704 : i32
    %add3A_531 = arith.addi %mul3A_2, %add3A_530 : i32
    %dma_wait3A_532 = arith.constant 6 : i32
    %dma_wait3A_533 = arith.constant 0 : i32
    %dma_wait3A_534 = arith.constant 0 : i32
    %dma_wait3A_535 = tpu.memref_slice %arg6[%dma_wait3A_532, %dma_wait3A_533, %dma_wait3A_534] : memref<10x64x128xf32, #tpu.memory_space<vmem>> -> memref<1x64x128xf32, #tpu.memory_space<vmem>>
    %dma_wait3A_536 = tpu.memref_squeeze %dma_wait3A_535 : memref<1x64x128xf32, #tpu.memory_space<vmem>> -> memref<64x128xf32, #tpu.memory_space<vmem>>
    %dma_wait3A_537 = arith.constant 0 : i32
    %dma_wait3A_538 = tpu.memref_slice %arg4[%add3A_531, %dma_wait3A_537] : memref<819200x128xf32, #tpu.memory_space<hbm>> -> memref<64x128xf32, #tpu.memory_space<hbm>>
    %dma_wait3A_539 = arith.constant 0 : i32
    %dma_wait3A_540 = tpu.memref_slice %arg4[%add3A_531, %dma_wait3A_539] : memref<819200x128xf32, #tpu.memory_space<hbm>> -> memref<64x128xf32, #tpu.memory_space<hbm>>
    %dma_wait3A_541 = arith.constant 0 : i32
    %dma_wait3A_542 = arith.constant 0 : i32
    %dma_wait3A_543 = tpu.memref_slice %arg6[%dma_wait3A_532, %dma_wait3A_541, %dma_wait3A_542] : memref<10x64x128xf32, #tpu.memory_space<vmem>> -> memref<1x64x128xf32, #tpu.memory_space<vmem>>
    %dma_wait3A_544 = tpu.memref_squeeze %dma_wait3A_543 : memref<1x64x128xf32, #tpu.memory_space<vmem>> -> memref<64x128xf32, #tpu.memory_space<vmem>>
    tpu.wait_dma2 semaphore(%arg23 : memref<!tpu.dma_semaphore, #tpu.memory_space<semaphore_mem>>) src(%dma_wait3A_544 : memref<64x128xf32, #tpu.memory_space<vmem>>) dst(%dma_wait3A_540 : memref<64x128xf32, #tpu.memory_space<hbm>>)
    %dma_start3A_545 = arith.constant 6 : i32
    %dma_start3A_546 = arith.constant 0 : i32
    %dma_start3A_547 = arith.constant 0 : i32
    %dma_start3A_548 = tpu.memref_slice %arg6[%dma_start3A_545, %dma_start3A_546, %dma_start3A_547] : memref<10x64x128xf32, #tpu.memory_space<vmem>> -> memref<1x64x128xf32, #tpu.memory_space<vmem>>
    %dma_start3A_549 = tpu.memref_squeeze %dma_start3A_548 : memref<1x64x128xf32, #tpu.memory_space<vmem>> -> memref<64x128xf32, #tpu.memory_space<vmem>>
    %dma_start3A_550 = arith.constant 25344 : i32
    %dma_start3A_551 = tpu.memref_slice %arg5[%dma_start3A_550] : memref<25600xi32, #tpu.memory_space<vmem>> -> memref<64xi32, #tpu.memory_space<vmem>>
    %dma_start3A_552 = arith.constant 0 : i32
    %dma_start3A_553 = arith.constant 0 : i32
    %dma_start3A_554 = tpu.memref_slice %arg3[%dma_start3A_552, %dma_start3A_553] : memref<100000x128xf32, #tpu.memory_space<hbm>> -> memref<100000x128xf32, #tpu.memory_space<hbm>>
    tpu.enqueue_indirect_dma source(%dma_start3A_554 : memref<100000x128xf32, #tpu.memory_space<hbm>>) target(%dma_start3A_549 : memref<64x128xf32, #tpu.memory_space<vmem>>) offsets(%dma_start3A_551 : memref<64xi32, #tpu.memory_space<vmem>>) semaphore(%arg13 : memref<!tpu.dma_semaphore, #tpu.memory_space<semaphore_mem>>)
    %dma_wait3A_555 = arith.constant 1 : i32
    %dma_wait3A_556 = arith.constant 0 : i32
    %dma_wait3A_557 = arith.constant 0 : i32
    %dma_wait3A_558 = tpu.memref_slice %arg6[%dma_wait3A_555, %dma_wait3A_556, %dma_wait3A_557] : memref<10x64x128xf32, #tpu.memory_space<vmem>> -> memref<1x64x128xf32, #tpu.memory_space<vmem>>
    %dma_wait3A_559 = tpu.memref_squeeze %dma_wait3A_558 : memref<1x64x128xf32, #tpu.memory_space<vmem>> -> memref<64x128xf32, #tpu.memory_space<vmem>>
    %dma_wait3A_560 = arith.constant 25024 : i32
    %dma_wait3A_561 = tpu.memref_slice %arg5[%dma_wait3A_560] : memref<25600xi32, #tpu.memory_space<vmem>> -> memref<64xi32, #tpu.memory_space<vmem>>
    %dma_wait3A_562 = arith.constant 0 : i32
    %dma_wait3A_563 = arith.constant 0 : i32
    %dma_wait3A_564 = tpu.memref_slice %arg3[%dma_wait3A_562, %dma_wait3A_563] : memref<100000x128xf32, #tpu.memory_space<hbm>> -> memref<100000x128xf32, #tpu.memory_space<hbm>>
    tpu.wait_indirect_dma semaphore(%arg8 : memref<!tpu.dma_semaphore, #tpu.memory_space<semaphore_mem>>) src(%dma_wait3A_564 : memref<100000x128xf32, #tpu.memory_space<hbm>>) dst(%dma_wait3A_559 : memref<64x128xf32, #tpu.memory_space<vmem>>)
    %add3A_565 = arith.constant 25024 : i32
    %add3A_566 = arith.addi %mul3A_2, %add3A_565 : i32
    %dma_start3A_567 = arith.constant 1 : i32
    %dma_start3A_568 = arith.constant 0 : i32
    %dma_start3A_569 = arith.constant 0 : i32
    %dma_start3A_570 = tpu.memref_slice %arg6[%dma_start3A_567, %dma_start3A_568, %dma_start3A_569] : memref<10x64x128xf32, #tpu.memory_space<vmem>> -> memref<1x64x128xf32, #tpu.memory_space<vmem>>
    %dma_start3A_571 = tpu.memref_squeeze %dma_start3A_570 : memref<1x64x128xf32, #tpu.memory_space<vmem>> -> memref<64x128xf32, #tpu.memory_space<vmem>>
    %dma_start3A_572 = arith.constant 0 : i32
    %dma_start3A_573 = tpu.memref_slice %arg4[%add3A_566, %dma_start3A_572] : memref<819200x128xf32, #tpu.memory_space<hbm>> -> memref<64x128xf32, #tpu.memory_space<hbm>>
    %dma_start3A_574 = arith.constant 0 : i32
    %dma_start3A_575 = tpu.memref_slice %arg4[%add3A_566, %dma_start3A_574] : memref<819200x128xf32, #tpu.memory_space<hbm>> -> memref<64x128xf32, #tpu.memory_space<hbm>>
    %dma_start3A_576 = arith.constant 0 : i32
    %dma_start3A_577 = arith.constant 0 : i32
    %dma_start3A_578 = tpu.memref_slice %arg6[%dma_start3A_567, %dma_start3A_576, %dma_start3A_577] : memref<10x64x128xf32, #tpu.memory_space<vmem>> -> memref<1x64x128xf32, #tpu.memory_space<vmem>>
    %dma_start3A_579 = tpu.memref_squeeze %dma_start3A_578 : memref<1x64x128xf32, #tpu.memory_space<vmem>> -> memref<64x128xf32, #tpu.memory_space<vmem>>
    tpu.enqueue_dma source(%dma_start3A_579 : memref<64x128xf32, #tpu.memory_space<vmem>>) target(%dma_start3A_575 : memref<64x128xf32, #tpu.memory_space<hbm>>) target_semaphore(%arg18 : memref<!tpu.dma_semaphore, #tpu.memory_space<semaphore_mem>>)
    %add3A_580 = arith.constant 24768 : i32
    %add3A_581 = arith.addi %mul3A_2, %add3A_580 : i32
    %dma_wait3A_582 = arith.constant 7 : i32
    %dma_wait3A_583 = arith.constant 0 : i32
    %dma_wait3A_584 = arith.constant 0 : i32
    %dma_wait3A_585 = tpu.memref_slice %arg6[%dma_wait3A_582, %dma_wait3A_583, %dma_wait3A_584] : memref<10x64x128xf32, #tpu.memory_space<vmem>> -> memref<1x64x128xf32, #tpu.memory_space<vmem>>
    %dma_wait3A_586 = tpu.memref_squeeze %dma_wait3A_585 : memref<1x64x128xf32, #tpu.memory_space<vmem>> -> memref<64x128xf32, #tpu.memory_space<vmem>>
    %dma_wait3A_587 = arith.constant 0 : i32
    %dma_wait3A_588 = tpu.memref_slice %arg4[%add3A_581, %dma_wait3A_587] : memref<819200x128xf32, #tpu.memory_space<hbm>> -> memref<64x128xf32, #tpu.memory_space<hbm>>
    %dma_wait3A_589 = arith.constant 0 : i32
    %dma_wait3A_590 = tpu.memref_slice %arg4[%add3A_581, %dma_wait3A_589] : memref<819200x128xf32, #tpu.memory_space<hbm>> -> memref<64x128xf32, #tpu.memory_space<hbm>>
    %dma_wait3A_591 = arith.constant 0 : i32
    %dma_wait3A_592 = arith.constant 0 : i32
    %dma_wait3A_593 = tpu.memref_slice %arg6[%dma_wait3A_582, %dma_wait3A_591, %dma_wait3A_592] : memref<10x64x128xf32, #tpu.memory_space<vmem>> -> memref<1x64x128xf32, #tpu.memory_space<vmem>>
    %dma_wait3A_594 = tpu.memref_squeeze %dma_wait3A_593 : memref<1x64x128xf32, #tpu.memory_space<vmem>> -> memref<64x128xf32, #tpu.memory_space<vmem>>
    tpu.wait_dma2 semaphore(%arg24 : memref<!tpu.dma_semaphore, #tpu.memory_space<semaphore_mem>>) src(%dma_wait3A_594 : memref<64x128xf32, #tpu.memory_space<vmem>>) dst(%dma_wait3A_590 : memref<64x128xf32, #tpu.memory_space<hbm>>)
    %dma_start3A_595 = arith.constant 7 : i32
    %dma_start3A_596 = arith.constant 0 : i32
    %dma_start3A_597 = arith.constant 0 : i32
    %dma_start3A_598 = tpu.memref_slice %arg6[%dma_start3A_595, %dma_start3A_596, %dma_start3A_597] : memref<10x64x128xf32, #tpu.memory_space<vmem>> -> memref<1x64x128xf32, #tpu.memory_space<vmem>>
    %dma_start3A_599 = tpu.memref_squeeze %dma_start3A_598 : memref<1x64x128xf32, #tpu.memory_space<vmem>> -> memref<64x128xf32, #tpu.memory_space<vmem>>
    %dma_start3A_600 = arith.constant 25408 : i32
    %dma_start3A_601 = tpu.memref_slice %arg5[%dma_start3A_600] : memref<25600xi32, #tpu.memory_space<vmem>> -> memref<64xi32, #tpu.memory_space<vmem>>
    %dma_start3A_602 = arith.constant 0 : i32
    %dma_start3A_603 = arith.constant 0 : i32
    %dma_start3A_604 = tpu.memref_slice %arg3[%dma_start3A_602, %dma_start3A_603] : memref<100000x128xf32, #tpu.memory_space<hbm>> -> memref<100000x128xf32, #tpu.memory_space<hbm>>
    tpu.enqueue_indirect_dma source(%dma_start3A_604 : memref<100000x128xf32, #tpu.memory_space<hbm>>) target(%dma_start3A_599 : memref<64x128xf32, #tpu.memory_space<vmem>>) offsets(%dma_start3A_601 : memref<64xi32, #tpu.memory_space<vmem>>) semaphore(%arg14 : memref<!tpu.dma_semaphore, #tpu.memory_space<semaphore_mem>>)
    %dma_wait3A_605 = arith.constant 2 : i32
    %dma_wait3A_606 = arith.constant 0 : i32
    %dma_wait3A_607 = arith.constant 0 : i32
    %dma_wait3A_608 = tpu.memref_slice %arg6[%dma_wait3A_605, %dma_wait3A_606, %dma_wait3A_607] : memref<10x64x128xf32, #tpu.memory_space<vmem>> -> memref<1x64x128xf32, #tpu.memory_space<vmem>>
    %dma_wait3A_609 = tpu.memref_squeeze %dma_wait3A_608 : memref<1x64x128xf32, #tpu.memory_space<vmem>> -> memref<64x128xf32, #tpu.memory_space<vmem>>
    %dma_wait3A_610 = arith.constant 25088 : i32
    %dma_wait3A_611 = tpu.memref_slice %arg5[%dma_wait3A_610] : memref<25600xi32, #tpu.memory_space<vmem>> -> memref<64xi32, #tpu.memory_space<vmem>>
    %dma_wait3A_612 = arith.constant 0 : i32
    %dma_wait3A_613 = arith.constant 0 : i32
    %dma_wait3A_614 = tpu.memref_slice %arg3[%dma_wait3A_612, %dma_wait3A_613] : memref<100000x128xf32, #tpu.memory_space<hbm>> -> memref<100000x128xf32, #tpu.memory_space<hbm>>
    tpu.wait_indirect_dma semaphore(%arg9 : memref<!tpu.dma_semaphore, #tpu.memory_space<semaphore_mem>>) src(%dma_wait3A_614 : memref<100000x128xf32, #tpu.memory_space<hbm>>) dst(%dma_wait3A_609 : memref<64x128xf32, #tpu.memory_space<vmem>>)
    %add3A_615 = arith.constant 25088 : i32
    %add3A_616 = arith.addi %mul3A_2, %add3A_615 : i32
    %dma_start3A_617 = arith.constant 2 : i32
    %dma_start3A_618 = arith.constant 0 : i32
    %dma_start3A_619 = arith.constant 0 : i32
    %dma_start3A_620 = tpu.memref_slice %arg6[%dma_start3A_617, %dma_start3A_618, %dma_start3A_619] : memref<10x64x128xf32, #tpu.memory_space<vmem>> -> memref<1x64x128xf32, #tpu.memory_space<vmem>>
    %dma_start3A_621 = tpu.memref_squeeze %dma_start3A_620 : memref<1x64x128xf32, #tpu.memory_space<vmem>> -> memref<64x128xf32, #tpu.memory_space<vmem>>
    %dma_start3A_622 = arith.constant 0 : i32
    %dma_start3A_623 = tpu.memref_slice %arg4[%add3A_616, %dma_start3A_622] : memref<819200x128xf32, #tpu.memory_space<hbm>> -> memref<64x128xf32, #tpu.memory_space<hbm>>
    %dma_start3A_624 = arith.constant 0 : i32
    %dma_start3A_625 = tpu.memref_slice %arg4[%add3A_616, %dma_start3A_624] : memref<819200x128xf32, #tpu.memory_space<hbm>> -> memref<64x128xf32, #tpu.memory_space<hbm>>
    %dma_start3A_626 = arith.constant 0 : i32
    %dma_start3A_627 = arith.constant 0 : i32
    %dma_start3A_628 = tpu.memref_slice %arg6[%dma_start3A_617, %dma_start3A_626, %dma_start3A_627] : memref<10x64x128xf32, #tpu.memory_space<vmem>> -> memref<1x64x128xf32, #tpu.memory_space<vmem>>
    %dma_start3A_629 = tpu.memref_squeeze %dma_start3A_628 : memref<1x64x128xf32, #tpu.memory_space<vmem>> -> memref<64x128xf32, #tpu.memory_space<vmem>>
    tpu.enqueue_dma source(%dma_start3A_629 : memref<64x128xf32, #tpu.memory_space<vmem>>) target(%dma_start3A_625 : memref<64x128xf32, #tpu.memory_space<hbm>>) target_semaphore(%arg19 : memref<!tpu.dma_semaphore, #tpu.memory_space<semaphore_mem>>)
    %add3A_630 = arith.constant 24832 : i32
    %add3A_631 = arith.addi %mul3A_2, %add3A_630 : i32
    %dma_wait3A_632 = arith.constant 8 : i32
    %dma_wait3A_633 = arith.constant 0 : i32
    %dma_wait3A_634 = arith.constant 0 : i32
    %dma_wait3A_635 = tpu.memref_slice %arg6[%dma_wait3A_632, %dma_wait3A_633, %dma_wait3A_634] : memref<10x64x128xf32, #tpu.memory_space<vmem>> -> memref<1x64x128xf32, #tpu.memory_space<vmem>>
    %dma_wait3A_636 = tpu.memref_squeeze %dma_wait3A_635 : memref<1x64x128xf32, #tpu.memory_space<vmem>> -> memref<64x128xf32, #tpu.memory_space<vmem>>
    %dma_wait3A_637 = arith.constant 0 : i32
    %dma_wait3A_638 = tpu.memref_slice %arg4[%add3A_631, %dma_wait3A_637] : memref<819200x128xf32, #tpu.memory_space<hbm>> -> memref<64x128xf32, #tpu.memory_space<hbm>>
    %dma_wait3A_639 = arith.constant 0 : i32
    %dma_wait3A_640 = tpu.memref_slice %arg4[%add3A_631, %dma_wait3A_639] : memref<819200x128xf32, #tpu.memory_space<hbm>> -> memref<64x128xf32, #tpu.memory_space<hbm>>
    %dma_wait3A_641 = arith.constant 0 : i32
    %dma_wait3A_642 = arith.constant 0 : i32
    %dma_wait3A_643 = tpu.memref_slice %arg6[%dma_wait3A_632, %dma_wait3A_641, %dma_wait3A_642] : memref<10x64x128xf32, #tpu.memory_space<vmem>> -> memref<1x64x128xf32, #tpu.memory_space<vmem>>
    %dma_wait3A_644 = tpu.memref_squeeze %dma_wait3A_643 : memref<1x64x128xf32, #tpu.memory_space<vmem>> -> memref<64x128xf32, #tpu.memory_space<vmem>>
    tpu.wait_dma2 semaphore(%arg25 : memref<!tpu.dma_semaphore, #tpu.memory_space<semaphore_mem>>) src(%dma_wait3A_644 : memref<64x128xf32, #tpu.memory_space<vmem>>) dst(%dma_wait3A_640 : memref<64x128xf32, #tpu.memory_space<hbm>>)
    %dma_start3A_645 = arith.constant 8 : i32
    %dma_start3A_646 = arith.constant 0 : i32
    %dma_start3A_647 = arith.constant 0 : i32
    %dma_start3A_648 = tpu.memref_slice %arg6[%dma_start3A_645, %dma_start3A_646, %dma_start3A_647] : memref<10x64x128xf32, #tpu.memory_space<vmem>> -> memref<1x64x128xf32, #tpu.memory_space<vmem>>
    %dma_start3A_649 = tpu.memref_squeeze %dma_start3A_648 : memref<1x64x128xf32, #tpu.memory_space<vmem>> -> memref<64x128xf32, #tpu.memory_space<vmem>>
    %dma_start3A_650 = arith.constant 25472 : i32
    %dma_start3A_651 = tpu.memref_slice %arg5[%dma_start3A_650] : memref<25600xi32, #tpu.memory_space<vmem>> -> memref<64xi32, #tpu.memory_space<vmem>>
    %dma_start3A_652 = arith.constant 0 : i32
    %dma_start3A_653 = arith.constant 0 : i32
    %dma_start3A_654 = tpu.memref_slice %arg3[%dma_start3A_652, %dma_start3A_653] : memref<100000x128xf32, #tpu.memory_space<hbm>> -> memref<100000x128xf32, #tpu.memory_space<hbm>>
    tpu.enqueue_indirect_dma source(%dma_start3A_654 : memref<100000x128xf32, #tpu.memory_space<hbm>>) target(%dma_start3A_649 : memref<64x128xf32, #tpu.memory_space<vmem>>) offsets(%dma_start3A_651 : memref<64xi32, #tpu.memory_space<vmem>>) semaphore(%arg15 : memref<!tpu.dma_semaphore, #tpu.memory_space<semaphore_mem>>)
    %dma_wait3A_655 = arith.constant 3 : i32
    %dma_wait3A_656 = arith.constant 0 : i32
    %dma_wait3A_657 = arith.constant 0 : i32
    %dma_wait3A_658 = tpu.memref_slice %arg6[%dma_wait3A_655, %dma_wait3A_656, %dma_wait3A_657] : memref<10x64x128xf32, #tpu.memory_space<vmem>> -> memref<1x64x128xf32, #tpu.memory_space<vmem>>
    %dma_wait3A_659 = tpu.memref_squeeze %dma_wait3A_658 : memref<1x64x128xf32, #tpu.memory_space<vmem>> -> memref<64x128xf32, #tpu.memory_space<vmem>>
    %dma_wait3A_660 = arith.constant 25152 : i32
    %dma_wait3A_661 = tpu.memref_slice %arg5[%dma_wait3A_660] : memref<25600xi32, #tpu.memory_space<vmem>> -> memref<64xi32, #tpu.memory_space<vmem>>
    %dma_wait3A_662 = arith.constant 0 : i32
    %dma_wait3A_663 = arith.constant 0 : i32
    %dma_wait3A_664 = tpu.memref_slice %arg3[%dma_wait3A_662, %dma_wait3A_663] : memref<100000x128xf32, #tpu.memory_space<hbm>> -> memref<100000x128xf32, #tpu.memory_space<hbm>>
    tpu.wait_indirect_dma semaphore(%arg10 : memref<!tpu.dma_semaphore, #tpu.memory_space<semaphore_mem>>) src(%dma_wait3A_664 : memref<100000x128xf32, #tpu.memory_space<hbm>>) dst(%dma_wait3A_659 : memref<64x128xf32, #tpu.memory_space<vmem>>)
    %add3A_665 = arith.constant 25152 : i32
    %add3A_666 = arith.addi %mul3A_2, %add3A_665 : i32
    %dma_start3A_667 = arith.constant 3 : i32
    %dma_start3A_668 = arith.constant 0 : i32
    %dma_start3A_669 = arith.constant 0 : i32
    %dma_start3A_670 = tpu.memref_slice %arg6[%dma_start3A_667, %dma_start3A_668, %dma_start3A_669] : memref<10x64x128xf32, #tpu.memory_space<vmem>> -> memref<1x64x128xf32, #tpu.memory_space<vmem>>
    %dma_start3A_671 = tpu.memref_squeeze %dma_start3A_670 : memref<1x64x128xf32, #tpu.memory_space<vmem>> -> memref<64x128xf32, #tpu.memory_space<vmem>>
    %dma_start3A_672 = arith.constant 0 : i32
    %dma_start3A_673 = tpu.memref_slice %arg4[%add3A_666, %dma_start3A_672] : memref<819200x128xf32, #tpu.memory_space<hbm>> -> memref<64x128xf32, #tpu.memory_space<hbm>>
    %dma_start3A_674 = arith.constant 0 : i32
    %dma_start3A_675 = tpu.memref_slice %arg4[%add3A_666, %dma_start3A_674] : memref<819200x128xf32, #tpu.memory_space<hbm>> -> memref<64x128xf32, #tpu.memory_space<hbm>>
    %dma_start3A_676 = arith.constant 0 : i32
    %dma_start3A_677 = arith.constant 0 : i32
    %dma_start3A_678 = tpu.memref_slice %arg6[%dma_start3A_667, %dma_start3A_676, %dma_start3A_677] : memref<10x64x128xf32, #tpu.memory_space<vmem>> -> memref<1x64x128xf32, #tpu.memory_space<vmem>>
    %dma_start3A_679 = tpu.memref_squeeze %dma_start3A_678 : memref<1x64x128xf32, #tpu.memory_space<vmem>> -> memref<64x128xf32, #tpu.memory_space<vmem>>
    tpu.enqueue_dma source(%dma_start3A_679 : memref<64x128xf32, #tpu.memory_space<vmem>>) target(%dma_start3A_675 : memref<64x128xf32, #tpu.memory_space<hbm>>) target_semaphore(%arg20 : memref<!tpu.dma_semaphore, #tpu.memory_space<semaphore_mem>>)
    %add3A_680 = arith.constant 24896 : i32
    %add3A_681 = arith.addi %mul3A_2, %add3A_680 : i32
    %dma_wait3A_682 = arith.constant 9 : i32
    %dma_wait3A_683 = arith.constant 0 : i32
    %dma_wait3A_684 = arith.constant 0 : i32
    %dma_wait3A_685 = tpu.memref_slice %arg6[%dma_wait3A_682, %dma_wait3A_683, %dma_wait3A_684] : memref<10x64x128xf32, #tpu.memory_space<vmem>> -> memref<1x64x128xf32, #tpu.memory_space<vmem>>
    %dma_wait3A_686 = tpu.memref_squeeze %dma_wait3A_685 : memref<1x64x128xf32, #tpu.memory_space<vmem>> -> memref<64x128xf32, #tpu.memory_space<vmem>>
    %dma_wait3A_687 = arith.constant 0 : i32
    %dma_wait3A_688 = tpu.memref_slice %arg4[%add3A_681, %dma_wait3A_687] : memref<819200x128xf32, #tpu.memory_space<hbm>> -> memref<64x128xf32, #tpu.memory_space<hbm>>
    %dma_wait3A_689 = arith.constant 0 : i32
    %dma_wait3A_690 = tpu.memref_slice %arg4[%add3A_681, %dma_wait3A_689] : memref<819200x128xf32, #tpu.memory_space<hbm>> -> memref<64x128xf32, #tpu.memory_space<hbm>>
    %dma_wait3A_691 = arith.constant 0 : i32
    %dma_wait3A_692 = arith.constant 0 : i32
    %dma_wait3A_693 = tpu.memref_slice %arg6[%dma_wait3A_682, %dma_wait3A_691, %dma_wait3A_692] : memref<10x64x128xf32, #tpu.memory_space<vmem>> -> memref<1x64x128xf32, #tpu.memory_space<vmem>>
    %dma_wait3A_694 = tpu.memref_squeeze %dma_wait3A_693 : memref<1x64x128xf32, #tpu.memory_space<vmem>> -> memref<64x128xf32, #tpu.memory_space<vmem>>
    tpu.wait_dma2 semaphore(%arg26 : memref<!tpu.dma_semaphore, #tpu.memory_space<semaphore_mem>>) src(%dma_wait3A_694 : memref<64x128xf32, #tpu.memory_space<vmem>>) dst(%dma_wait3A_690 : memref<64x128xf32, #tpu.memory_space<hbm>>)
    %dma_start3A_695 = arith.constant 9 : i32
    %dma_start3A_696 = arith.constant 0 : i32
    %dma_start3A_697 = arith.constant 0 : i32
    %dma_start3A_698 = tpu.memref_slice %arg6[%dma_start3A_695, %dma_start3A_696, %dma_start3A_697] : memref<10x64x128xf32, #tpu.memory_space<vmem>> -> memref<1x64x128xf32, #tpu.memory_space<vmem>>
    %dma_start3A_699 = tpu.memref_squeeze %dma_start3A_698 : memref<1x64x128xf32, #tpu.memory_space<vmem>> -> memref<64x128xf32, #tpu.memory_space<vmem>>
    %dma_start3A_700 = arith.constant 25536 : i32
    %dma_start3A_701 = tpu.memref_slice %arg5[%dma_start3A_700] : memref<25600xi32, #tpu.memory_space<vmem>> -> memref<64xi32, #tpu.memory_space<vmem>>
    %dma_start3A_702 = arith.constant 0 : i32
    %dma_start3A_703 = arith.constant 0 : i32
    %dma_start3A_704 = tpu.memref_slice %arg3[%dma_start3A_702, %dma_start3A_703] : memref<100000x128xf32, #tpu.memory_space<hbm>> -> memref<100000x128xf32, #tpu.memory_space<hbm>>
    tpu.enqueue_indirect_dma source(%dma_start3A_704 : memref<100000x128xf32, #tpu.memory_space<hbm>>) target(%dma_start3A_699 : memref<64x128xf32, #tpu.memory_space<vmem>>) offsets(%dma_start3A_701 : memref<64xi32, #tpu.memory_space<vmem>>) semaphore(%arg16 : memref<!tpu.dma_semaphore, #tpu.memory_space<semaphore_mem>>)
    %dma_wait3A_705 = arith.constant 4 : i32
    %dma_wait3A_706 = arith.constant 0 : i32
    %dma_wait3A_707 = arith.constant 0 : i32
    %dma_wait3A_708 = tpu.memref_slice %arg6[%dma_wait3A_705, %dma_wait3A_706, %dma_wait3A_707] : memref<10x64x128xf32, #tpu.memory_space<vmem>> -> memref<1x64x128xf32, #tpu.memory_space<vmem>>
    %dma_wait3A_709 = tpu.memref_squeeze %dma_wait3A_708 : memref<1x64x128xf32, #tpu.memory_space<vmem>> -> memref<64x128xf32, #tpu.memory_space<vmem>>
    %dma_wait3A_710 = arith.constant 25216 : i32
    %dma_wait3A_711 = tpu.memref_slice %arg5[%dma_wait3A_710] : memref<25600xi32, #tpu.memory_space<vmem>> -> memref<64xi32, #tpu.memory_space<vmem>>
    %dma_wait3A_712 = arith.constant 0 : i32
    %dma_wait3A_713 = arith.constant 0 : i32
    %dma_wait3A_714 = tpu.memref_slice %arg3[%dma_wait3A_712, %dma_wait3A_713] : memref<100000x128xf32, #tpu.memory_space<hbm>> -> memref<100000x128xf32, #tpu.memory_space<hbm>>
    tpu.wait_indirect_dma semaphore(%arg11 : memref<!tpu.dma_semaphore, #tpu.memory_space<semaphore_mem>>) src(%dma_wait3A_714 : memref<100000x128xf32, #tpu.memory_space<hbm>>) dst(%dma_wait3A_709 : memref<64x128xf32, #tpu.memory_space<vmem>>)
    %add3A_715 = arith.constant 25216 : i32
    %add3A_716 = arith.addi %mul3A_2, %add3A_715 : i32
    %dma_start3A_717 = arith.constant 4 : i32
    %dma_start3A_718 = arith.constant 0 : i32
    %dma_start3A_719 = arith.constant 0 : i32
    %dma_start3A_720 = tpu.memref_slice %arg6[%dma_start3A_717, %dma_start3A_718, %dma_start3A_719] : memref<10x64x128xf32, #tpu.memory_space<vmem>> -> memref<1x64x128xf32, #tpu.memory_space<vmem>>
    %dma_start3A_721 = tpu.memref_squeeze %dma_start3A_720 : memref<1x64x128xf32, #tpu.memory_space<vmem>> -> memref<64x128xf32, #tpu.memory_space<vmem>>
    %dma_start3A_722 = arith.constant 0 : i32
    %dma_start3A_723 = tpu.memref_slice %arg4[%add3A_716, %dma_start3A_722] : memref<819200x128xf32, #tpu.memory_space<hbm>> -> memref<64x128xf32, #tpu.memory_space<hbm>>
    %dma_start3A_724 = arith.constant 0 : i32
    %dma_start3A_725 = tpu.memref_slice %arg4[%add3A_716, %dma_start3A_724] : memref<819200x128xf32, #tpu.memory_space<hbm>> -> memref<64x128xf32, #tpu.memory_space<hbm>>
    %dma_start3A_726 = arith.constant 0 : i32
    %dma_start3A_727 = arith.constant 0 : i32
    %dma_start3A_728 = tpu.memref_slice %arg6[%dma_start3A_717, %dma_start3A_726, %dma_start3A_727] : memref<10x64x128xf32, #tpu.memory_space<vmem>> -> memref<1x64x128xf32, #tpu.memory_space<vmem>>
    %dma_start3A_729 = tpu.memref_squeeze %dma_start3A_728 : memref<1x64x128xf32, #tpu.memory_space<vmem>> -> memref<64x128xf32, #tpu.memory_space<vmem>>
    tpu.enqueue_dma source(%dma_start3A_729 : memref<64x128xf32, #tpu.memory_space<vmem>>) target(%dma_start3A_725 : memref<64x128xf32, #tpu.memory_space<hbm>>) target_semaphore(%arg21 : memref<!tpu.dma_semaphore, #tpu.memory_space<semaphore_mem>>)
    %dma_wait3A_730 = arith.constant 5 : i32
    %dma_wait3A_731 = arith.constant 0 : i32
    %dma_wait3A_732 = arith.constant 0 : i32
    %dma_wait3A_733 = tpu.memref_slice %arg6[%dma_wait3A_730, %dma_wait3A_731, %dma_wait3A_732] : memref<10x64x128xf32, #tpu.memory_space<vmem>> -> memref<1x64x128xf32, #tpu.memory_space<vmem>>
    %dma_wait3A_734 = tpu.memref_squeeze %dma_wait3A_733 : memref<1x64x128xf32, #tpu.memory_space<vmem>> -> memref<64x128xf32, #tpu.memory_space<vmem>>
    %dma_wait3A_735 = arith.constant 25280 : i32
    %dma_wait3A_736 = tpu.memref_slice %arg5[%dma_wait3A_735] : memref<25600xi32, #tpu.memory_space<vmem>> -> memref<64xi32, #tpu.memory_space<vmem>>
    %dma_wait3A_737 = arith.constant 0 : i32
    %dma_wait3A_738 = arith.constant 0 : i32
    %dma_wait3A_739 = tpu.memref_slice %arg3[%dma_wait3A_737, %dma_wait3A_738] : memref<100000x128xf32, #tpu.memory_space<hbm>> -> memref<100000x128xf32, #tpu.memory_space<hbm>>
    tpu.wait_indirect_dma semaphore(%arg12 : memref<!tpu.dma_semaphore, #tpu.memory_space<semaphore_mem>>) src(%dma_wait3A_739 : memref<100000x128xf32, #tpu.memory_space<hbm>>) dst(%dma_wait3A_734 : memref<64x128xf32, #tpu.memory_space<vmem>>)
    %add3A_740 = arith.constant 25280 : i32
    %add3A_741 = arith.addi %mul3A_2, %add3A_740 : i32
    %dma_start3A_742 = arith.constant 5 : i32
    %dma_start3A_743 = arith.constant 0 : i32
    %dma_start3A_744 = arith.constant 0 : i32
    %dma_start3A_745 = tpu.memref_slice %arg6[%dma_start3A_742, %dma_start3A_743, %dma_start3A_744] : memref<10x64x128xf32, #tpu.memory_space<vmem>> -> memref<1x64x128xf32, #tpu.memory_space<vmem>>
    %dma_start3A_746 = tpu.memref_squeeze %dma_start3A_745 : memref<1x64x128xf32, #tpu.memory_space<vmem>> -> memref<64x128xf32, #tpu.memory_space<vmem>>
    %dma_start3A_747 = arith.constant 0 : i32
    %dma_start3A_748 = tpu.memref_slice %arg4[%add3A_741, %dma_start3A_747] : memref<819200x128xf32, #tpu.memory_space<hbm>> -> memref<64x128xf32, #tpu.memory_space<hbm>>
    %dma_start3A_749 = arith.constant 0 : i32
    %dma_start3A_750 = tpu.memref_slice %arg4[%add3A_741, %dma_start3A_749] : memref<819200x128xf32, #tpu.memory_space<hbm>> -> memref<64x128xf32, #tpu.memory_space<hbm>>
    %dma_start3A_751 = arith.constant 0 : i32
    %dma_start3A_752 = arith.constant 0 : i32
    %dma_start3A_753 = tpu.memref_slice %arg6[%dma_start3A_742, %dma_start3A_751, %dma_start3A_752] : memref<10x64x128xf32, #tpu.memory_space<vmem>> -> memref<1x64x128xf32, #tpu.memory_space<vmem>>
    %dma_start3A_754 = tpu.memref_squeeze %dma_start3A_753 : memref<1x64x128xf32, #tpu.memory_space<vmem>> -> memref<64x128xf32, #tpu.memory_space<vmem>>
    tpu.enqueue_dma source(%dma_start3A_754 : memref<64x128xf32, #tpu.memory_space<vmem>>) target(%dma_start3A_750 : memref<64x128xf32, #tpu.memory_space<hbm>>) target_semaphore(%arg22 : memref<!tpu.dma_semaphore, #tpu.memory_space<semaphore_mem>>)
    %dma_wait3A_755 = arith.constant 6 : i32
    %dma_wait3A_756 = arith.constant 0 : i32
    %dma_wait3A_757 = arith.constant 0 : i32
    %dma_wait3A_758 = tpu.memref_slice %arg6[%dma_wait3A_755, %dma_wait3A_756, %dma_wait3A_757] : memref<10x64x128xf32, #tpu.memory_space<vmem>> -> memref<1x64x128xf32, #tpu.memory_space<vmem>>
    %dma_wait3A_759 = tpu.memref_squeeze %dma_wait3A_758 : memref<1x64x128xf32, #tpu.memory_space<vmem>> -> memref<64x128xf32, #tpu.memory_space<vmem>>
    %dma_wait3A_760 = arith.constant 25344 : i32
    %dma_wait3A_761 = tpu.memref_slice %arg5[%dma_wait3A_760] : memref<25600xi32, #tpu.memory_space<vmem>> -> memref<64xi32, #tpu.memory_space<vmem>>
    %dma_wait3A_762 = arith.constant 0 : i32
    %dma_wait3A_763 = arith.constant 0 : i32
    %dma_wait3A_764 = tpu.memref_slice %arg3[%dma_wait3A_762, %dma_wait3A_763] : memref<100000x128xf32, #tpu.memory_space<hbm>> -> memref<100000x128xf32, #tpu.memory_space<hbm>>
    tpu.wait_indirect_dma semaphore(%arg13 : memref<!tpu.dma_semaphore, #tpu.memory_space<semaphore_mem>>) src(%dma_wait3A_764 : memref<100000x128xf32, #tpu.memory_space<hbm>>) dst(%dma_wait3A_759 : memref<64x128xf32, #tpu.memory_space<vmem>>)
    %add3A_765 = arith.constant 25344 : i32
    %add3A_766 = arith.addi %mul3A_2, %add3A_765 : i32
    %dma_start3A_767 = arith.constant 6 : i32
    %dma_start3A_768 = arith.constant 0 : i32
    %dma_start3A_769 = arith.constant 0 : i32
    %dma_start3A_770 = tpu.memref_slice %arg6[%dma_start3A_767, %dma_start3A_768, %dma_start3A_769] : memref<10x64x128xf32, #tpu.memory_space<vmem>> -> memref<1x64x128xf32, #tpu.memory_space<vmem>>
    %dma_start3A_771 = tpu.memref_squeeze %dma_start3A_770 : memref<1x64x128xf32, #tpu.memory_space<vmem>> -> memref<64x128xf32, #tpu.memory_space<vmem>>
    %dma_start3A_772 = arith.constant 0 : i32
    %dma_start3A_773 = tpu.memref_slice %arg4[%add3A_766, %dma_start3A_772] : memref<819200x128xf32, #tpu.memory_space<hbm>> -> memref<64x128xf32, #tpu.memory_space<hbm>>
    %dma_start3A_774 = arith.constant 0 : i32
    %dma_start3A_775 = tpu.memref_slice %arg4[%add3A_766, %dma_start3A_774] : memref<819200x128xf32, #tpu.memory_space<hbm>> -> memref<64x128xf32, #tpu.memory_space<hbm>>
    %dma_start3A_776 = arith.constant 0 : i32
    %dma_start3A_777 = arith.constant 0 : i32
    %dma_start3A_778 = tpu.memref_slice %arg6[%dma_start3A_767, %dma_start3A_776, %dma_start3A_777] : memref<10x64x128xf32, #tpu.memory_space<vmem>> -> memref<1x64x128xf32, #tpu.memory_space<vmem>>
    %dma_start3A_779 = tpu.memref_squeeze %dma_start3A_778 : memref<1x64x128xf32, #tpu.memory_space<vmem>> -> memref<64x128xf32, #tpu.memory_space<vmem>>
    tpu.enqueue_dma source(%dma_start3A_779 : memref<64x128xf32, #tpu.memory_space<vmem>>) target(%dma_start3A_775 : memref<64x128xf32, #tpu.memory_space<hbm>>) target_semaphore(%arg23 : memref<!tpu.dma_semaphore, #tpu.memory_space<semaphore_mem>>)
    %dma_wait3A_780 = arith.constant 7 : i32
    %dma_wait3A_781 = arith.constant 0 : i32
    %dma_wait3A_782 = arith.constant 0 : i32
    %dma_wait3A_783 = tpu.memref_slice %arg6[%dma_wait3A_780, %dma_wait3A_781, %dma_wait3A_782] : memref<10x64x128xf32, #tpu.memory_space<vmem>> -> memref<1x64x128xf32, #tpu.memory_space<vmem>>
    %dma_wait3A_784 = tpu.memref_squeeze %dma_wait3A_783 : memref<1x64x128xf32, #tpu.memory_space<vmem>> -> memref<64x128xf32, #tpu.memory_space<vmem>>
    %dma_wait3A_785 = arith.constant 25408 : i32
    %dma_wait3A_786 = tpu.memref_slice %arg5[%dma_wait3A_785] : memref<25600xi32, #tpu.memory_space<vmem>> -> memref<64xi32, #tpu.memory_space<vmem>>
    %dma_wait3A_787 = arith.constant 0 : i32
    %dma_wait3A_788 = arith.constant 0 : i32
    %dma_wait3A_789 = tpu.memref_slice %arg3[%dma_wait3A_787, %dma_wait3A_788] : memref<100000x128xf32, #tpu.memory_space<hbm>> -> memref<100000x128xf32, #tpu.memory_space<hbm>>
    tpu.wait_indirect_dma semaphore(%arg14 : memref<!tpu.dma_semaphore, #tpu.memory_space<semaphore_mem>>) src(%dma_wait3A_789 : memref<100000x128xf32, #tpu.memory_space<hbm>>) dst(%dma_wait3A_784 : memref<64x128xf32, #tpu.memory_space<vmem>>)
    %add3A_790 = arith.constant 25408 : i32
    %add3A_791 = arith.addi %mul3A_2, %add3A_790 : i32
    %dma_start3A_792 = arith.constant 7 : i32
    %dma_start3A_793 = arith.constant 0 : i32
    %dma_start3A_794 = arith.constant 0 : i32
    %dma_start3A_795 = tpu.memref_slice %arg6[%dma_start3A_792, %dma_start3A_793, %dma_start3A_794] : memref<10x64x128xf32, #tpu.memory_space<vmem>> -> memref<1x64x128xf32, #tpu.memory_space<vmem>>
    %dma_start3A_796 = tpu.memref_squeeze %dma_start3A_795 : memref<1x64x128xf32, #tpu.memory_space<vmem>> -> memref<64x128xf32, #tpu.memory_space<vmem>>
    %dma_start3A_797 = arith.constant 0 : i32
    %dma_start3A_798 = tpu.memref_slice %arg4[%add3A_791, %dma_start3A_797] : memref<819200x128xf32, #tpu.memory_space<hbm>> -> memref<64x128xf32, #tpu.memory_space<hbm>>
    %dma_start3A_799 = arith.constant 0 : i32
    %dma_start3A_800 = tpu.memref_slice %arg4[%add3A_791, %dma_start3A_799] : memref<819200x128xf32, #tpu.memory_space<hbm>> -> memref<64x128xf32, #tpu.memory_space<hbm>>
    %dma_start3A_801 = arith.constant 0 : i32
    %dma_start3A_802 = arith.constant 0 : i32
    %dma_start3A_803 = tpu.memref_slice %arg6[%dma_start3A_792, %dma_start3A_801, %dma_start3A_802] : memref<10x64x128xf32, #tpu.memory_space<vmem>> -> memref<1x64x128xf32, #tpu.memory_space<vmem>>
    %dma_start3A_804 = tpu.memref_squeeze %dma_start3A_803 : memref<1x64x128xf32, #tpu.memory_space<vmem>> -> memref<64x128xf32, #tpu.memory_space<vmem>>
    tpu.enqueue_dma source(%dma_start3A_804 : memref<64x128xf32, #tpu.memory_space<vmem>>) target(%dma_start3A_800 : memref<64x128xf32, #tpu.memory_space<hbm>>) target_semaphore(%arg24 : memref<!tpu.dma_semaphore, #tpu.memory_space<semaphore_mem>>)
    %dma_wait3A_805 = arith.constant 8 : i32
    %dma_wait3A_806 = arith.constant 0 : i32
    %dma_wait3A_807 = arith.constant 0 : i32
    %dma_wait3A_808 = tpu.memref_slice %arg6[%dma_wait3A_805, %dma_wait3A_806, %dma_wait3A_807] : memref<10x64x128xf32, #tpu.memory_space<vmem>> -> memref<1x64x128xf32, #tpu.memory_space<vmem>>
    %dma_wait3A_809 = tpu.memref_squeeze %dma_wait3A_808 : memref<1x64x128xf32, #tpu.memory_space<vmem>> -> memref<64x128xf32, #tpu.memory_space<vmem>>
    %dma_wait3A_810 = arith.constant 25472 : i32
    %dma_wait3A_811 = tpu.memref_slice %arg5[%dma_wait3A_810] : memref<25600xi32, #tpu.memory_space<vmem>> -> memref<64xi32, #tpu.memory_space<vmem>>
    %dma_wait3A_812 = arith.constant 0 : i32
    %dma_wait3A_813 = arith.constant 0 : i32
    %dma_wait3A_814 = tpu.memref_slice %arg3[%dma_wait3A_812, %dma_wait3A_813] : memref<100000x128xf32, #tpu.memory_space<hbm>> -> memref<100000x128xf32, #tpu.memory_space<hbm>>
    tpu.wait_indirect_dma semaphore(%arg15 : memref<!tpu.dma_semaphore, #tpu.memory_space<semaphore_mem>>) src(%dma_wait3A_814 : memref<100000x128xf32, #tpu.memory_space<hbm>>) dst(%dma_wait3A_809 : memref<64x128xf32, #tpu.memory_space<vmem>>)
    %add3A_815 = arith.constant 25472 : i32
    %add3A_816 = arith.addi %mul3A_2, %add3A_815 : i32
    %dma_start3A_817 = arith.constant 8 : i32
    %dma_start3A_818 = arith.constant 0 : i32
    %dma_start3A_819 = arith.constant 0 : i32
    %dma_start3A_820 = tpu.memref_slice %arg6[%dma_start3A_817, %dma_start3A_818, %dma_start3A_819] : memref<10x64x128xf32, #tpu.memory_space<vmem>> -> memref<1x64x128xf32, #tpu.memory_space<vmem>>
    %dma_start3A_821 = tpu.memref_squeeze %dma_start3A_820 : memref<1x64x128xf32, #tpu.memory_space<vmem>> -> memref<64x128xf32, #tpu.memory_space<vmem>>
    %dma_start3A_822 = arith.constant 0 : i32
    %dma_start3A_823 = tpu.memref_slice %arg4[%add3A_816, %dma_start3A_822] : memref<819200x128xf32, #tpu.memory_space<hbm>> -> memref<64x128xf32, #tpu.memory_space<hbm>>
    %dma_start3A_824 = arith.constant 0 : i32
    %dma_start3A_825 = tpu.memref_slice %arg4[%add3A_816, %dma_start3A_824] : memref<819200x128xf32, #tpu.memory_space<hbm>> -> memref<64x128xf32, #tpu.memory_space<hbm>>
    %dma_start3A_826 = arith.constant 0 : i32
    %dma_start3A_827 = arith.constant 0 : i32
    %dma_start3A_828 = tpu.memref_slice %arg6[%dma_start3A_817, %dma_start3A_826, %dma_start3A_827] : memref<10x64x128xf32, #tpu.memory_space<vmem>> -> memref<1x64x128xf32, #tpu.memory_space<vmem>>
    %dma_start3A_829 = tpu.memref_squeeze %dma_start3A_828 : memref<1x64x128xf32, #tpu.memory_space<vmem>> -> memref<64x128xf32, #tpu.memory_space<vmem>>
    tpu.enqueue_dma source(%dma_start3A_829 : memref<64x128xf32, #tpu.memory_space<vmem>>) target(%dma_start3A_825 : memref<64x128xf32, #tpu.memory_space<hbm>>) target_semaphore(%arg25 : memref<!tpu.dma_semaphore, #tpu.memory_space<semaphore_mem>>)
    %dma_wait3A_830 = arith.constant 9 : i32
    %dma_wait3A_831 = arith.constant 0 : i32
    %dma_wait3A_832 = arith.constant 0 : i32
    %dma_wait3A_833 = tpu.memref_slice %arg6[%dma_wait3A_830, %dma_wait3A_831, %dma_wait3A_832] : memref<10x64x128xf32, #tpu.memory_space<vmem>> -> memref<1x64x128xf32, #tpu.memory_space<vmem>>
    %dma_wait3A_834 = tpu.memref_squeeze %dma_wait3A_833 : memref<1x64x128xf32, #tpu.memory_space<vmem>> -> memref<64x128xf32, #tpu.memory_space<vmem>>
    %dma_wait3A_835 = arith.constant 25536 : i32
    %dma_wait3A_836 = tpu.memref_slice %arg5[%dma_wait3A_835] : memref<25600xi32, #tpu.memory_space<vmem>> -> memref<64xi32, #tpu.memory_space<vmem>>
    %dma_wait3A_837 = arith.constant 0 : i32
    %dma_wait3A_838 = arith.constant 0 : i32
    %dma_wait3A_839 = tpu.memref_slice %arg3[%dma_wait3A_837, %dma_wait3A_838] : memref<100000x128xf32, #tpu.memory_space<hbm>> -> memref<100000x128xf32, #tpu.memory_space<hbm>>
    tpu.wait_indirect_dma semaphore(%arg16 : memref<!tpu.dma_semaphore, #tpu.memory_space<semaphore_mem>>) src(%dma_wait3A_839 : memref<100000x128xf32, #tpu.memory_space<hbm>>) dst(%dma_wait3A_834 : memref<64x128xf32, #tpu.memory_space<vmem>>)
    %add3A_840 = arith.constant 25536 : i32
    %add3A_841 = arith.addi %mul3A_2, %add3A_840 : i32
    %dma_start3A_842 = arith.constant 9 : i32
    %dma_start3A_843 = arith.constant 0 : i32
    %dma_start3A_844 = arith.constant 0 : i32
    %dma_start3A_845 = tpu.memref_slice %arg6[%dma_start3A_842, %dma_start3A_843, %dma_start3A_844] : memref<10x64x128xf32, #tpu.memory_space<vmem>> -> memref<1x64x128xf32, #tpu.memory_space<vmem>>
    %dma_start3A_846 = tpu.memref_squeeze %dma_start3A_845 : memref<1x64x128xf32, #tpu.memory_space<vmem>> -> memref<64x128xf32, #tpu.memory_space<vmem>>
    %dma_start3A_847 = arith.constant 0 : i32
    %dma_start3A_848 = tpu.memref_slice %arg4[%add3A_841, %dma_start3A_847] : memref<819200x128xf32, #tpu.memory_space<hbm>> -> memref<64x128xf32, #tpu.memory_space<hbm>>
    %dma_start3A_849 = arith.constant 0 : i32
    %dma_start3A_850 = tpu.memref_slice %arg4[%add3A_841, %dma_start3A_849] : memref<819200x128xf32, #tpu.memory_space<hbm>> -> memref<64x128xf32, #tpu.memory_space<hbm>>
    %dma_start3A_851 = arith.constant 0 : i32
    %dma_start3A_852 = arith.constant 0 : i32
    %dma_start3A_853 = tpu.memref_slice %arg6[%dma_start3A_842, %dma_start3A_851, %dma_start3A_852] : memref<10x64x128xf32, #tpu.memory_space<vmem>> -> memref<1x64x128xf32, #tpu.memory_space<vmem>>
    %dma_start3A_854 = tpu.memref_squeeze %dma_start3A_853 : memref<1x64x128xf32, #tpu.memory_space<vmem>> -> memref<64x128xf32, #tpu.memory_space<vmem>>
    tpu.enqueue_dma source(%dma_start3A_854 : memref<64x128xf32, #tpu.memory_space<vmem>>) target(%dma_start3A_850 : memref<64x128xf32, #tpu.memory_space<hbm>>) target_semaphore(%arg26 : memref<!tpu.dma_semaphore, #tpu.memory_space<semaphore_mem>>)
    %add3A_855 = arith.constant 24960 : i32
    %add3A_856 = arith.addi %mul3A_2, %add3A_855 : i32
    %dma_wait3A_857 = arith.constant 0 : i32
    %dma_wait3A_858 = arith.constant 0 : i32
    %dma_wait3A_859 = arith.constant 0 : i32
    %dma_wait3A_860 = tpu.memref_slice %arg6[%dma_wait3A_857, %dma_wait3A_858, %dma_wait3A_859] : memref<10x64x128xf32, #tpu.memory_space<vmem>> -> memref<1x64x128xf32, #tpu.memory_space<vmem>>
    %dma_wait3A_861 = tpu.memref_squeeze %dma_wait3A_860 : memref<1x64x128xf32, #tpu.memory_space<vmem>> -> memref<64x128xf32, #tpu.memory_space<vmem>>
    %dma_wait3A_862 = arith.constant 0 : i32
    %dma_wait3A_863 = tpu.memref_slice %arg4[%add3A_856, %dma_wait3A_862] : memref<819200x128xf32, #tpu.memory_space<hbm>> -> memref<64x128xf32, #tpu.memory_space<hbm>>
    %dma_wait3A_864 = arith.constant 0 : i32
    %dma_wait3A_865 = tpu.memref_slice %arg4[%add3A_856, %dma_wait3A_864] : memref<819200x128xf32, #tpu.memory_space<hbm>> -> memref<64x128xf32, #tpu.memory_space<hbm>>
    %dma_wait3A_866 = arith.constant 0 : i32
    %dma_wait3A_867 = arith.constant 0 : i32
    %dma_wait3A_868 = tpu.memref_slice %arg6[%dma_wait3A_857, %dma_wait3A_866, %dma_wait3A_867] : memref<10x64x128xf32, #tpu.memory_space<vmem>> -> memref<1x64x128xf32, #tpu.memory_space<vmem>>
    %dma_wait3A_869 = tpu.memref_squeeze %dma_wait3A_868 : memref<1x64x128xf32, #tpu.memory_space<vmem>> -> memref<64x128xf32, #tpu.memory_space<vmem>>
    tpu.wait_dma2 semaphore(%arg17 : memref<!tpu.dma_semaphore, #tpu.memory_space<semaphore_mem>>) src(%dma_wait3A_869 : memref<64x128xf32, #tpu.memory_space<vmem>>) dst(%dma_wait3A_865 : memref<64x128xf32, #tpu.memory_space<hbm>>)
    %add3A_870 = arith.constant 25024 : i32
    %add3A_871 = arith.addi %mul3A_2, %add3A_870 : i32
    %dma_wait3A_872 = arith.constant 1 : i32
    %dma_wait3A_873 = arith.constant 0 : i32
    %dma_wait3A_874 = arith.constant 0 : i32
    %dma_wait3A_875 = tpu.memref_slice %arg6[%dma_wait3A_872, %dma_wait3A_873, %dma_wait3A_874] : memref<10x64x128xf32, #tpu.memory_space<vmem>> -> memref<1x64x128xf32, #tpu.memory_space<vmem>>
    %dma_wait3A_876 = tpu.memref_squeeze %dma_wait3A_875 : memref<1x64x128xf32, #tpu.memory_space<vmem>> -> memref<64x128xf32, #tpu.memory_space<vmem>>
    %dma_wait3A_877 = arith.constant 0 : i32
    %dma_wait3A_878 = tpu.memref_slice %arg4[%add3A_871, %dma_wait3A_877] : memref<819200x128xf32, #tpu.memory_space<hbm>> -> memref<64x128xf32, #tpu.memory_space<hbm>>
    %dma_wait3A_879 = arith.constant 0 : i32
    %dma_wait3A_880 = tpu.memref_slice %arg4[%add3A_871, %dma_wait3A_879] : memref<819200x128xf32, #tpu.memory_space<hbm>> -> memref<64x128xf32, #tpu.memory_space<hbm>>
    %dma_wait3A_881 = arith.constant 0 : i32
    %dma_wait3A_882 = arith.constant 0 : i32
    %dma_wait3A_883 = tpu.memref_slice %arg6[%dma_wait3A_872, %dma_wait3A_881, %dma_wait3A_882] : memref<10x64x128xf32, #tpu.memory_space<vmem>> -> memref<1x64x128xf32, #tpu.memory_space<vmem>>
    %dma_wait3A_884 = tpu.memref_squeeze %dma_wait3A_883 : memref<1x64x128xf32, #tpu.memory_space<vmem>> -> memref<64x128xf32, #tpu.memory_space<vmem>>
    tpu.wait_dma2 semaphore(%arg18 : memref<!tpu.dma_semaphore, #tpu.memory_space<semaphore_mem>>) src(%dma_wait3A_884 : memref<64x128xf32, #tpu.memory_space<vmem>>) dst(%dma_wait3A_880 : memref<64x128xf32, #tpu.memory_space<hbm>>)
    %add3A_885 = arith.constant 25088 : i32
    %add3A_886 = arith.addi %mul3A_2, %add3A_885 : i32
    %dma_wait3A_887 = arith.constant 2 : i32
    %dma_wait3A_888 = arith.constant 0 : i32
    %dma_wait3A_889 = arith.constant 0 : i32
    %dma_wait3A_890 = tpu.memref_slice %arg6[%dma_wait3A_887, %dma_wait3A_888, %dma_wait3A_889] : memref<10x64x128xf32, #tpu.memory_space<vmem>> -> memref<1x64x128xf32, #tpu.memory_space<vmem>>
    %dma_wait3A_891 = tpu.memref_squeeze %dma_wait3A_890 : memref<1x64x128xf32, #tpu.memory_space<vmem>> -> memref<64x128xf32, #tpu.memory_space<vmem>>
    %dma_wait3A_892 = arith.constant 0 : i32
    %dma_wait3A_893 = tpu.memref_slice %arg4[%add3A_886, %dma_wait3A_892] : memref<819200x128xf32, #tpu.memory_space<hbm>> -> memref<64x128xf32, #tpu.memory_space<hbm>>
    %dma_wait3A_894 = arith.constant 0 : i32
    %dma_wait3A_895 = tpu.memref_slice %arg4[%add3A_886, %dma_wait3A_894] : memref<819200x128xf32, #tpu.memory_space<hbm>> -> memref<64x128xf32, #tpu.memory_space<hbm>>
    %dma_wait3A_896 = arith.constant 0 : i32
    %dma_wait3A_897 = arith.constant 0 : i32
    %dma_wait3A_898 = tpu.memref_slice %arg6[%dma_wait3A_887, %dma_wait3A_896, %dma_wait3A_897] : memref<10x64x128xf32, #tpu.memory_space<vmem>> -> memref<1x64x128xf32, #tpu.memory_space<vmem>>
    %dma_wait3A_899 = tpu.memref_squeeze %dma_wait3A_898 : memref<1x64x128xf32, #tpu.memory_space<vmem>> -> memref<64x128xf32, #tpu.memory_space<vmem>>
    tpu.wait_dma2 semaphore(%arg19 : memref<!tpu.dma_semaphore, #tpu.memory_space<semaphore_mem>>) src(%dma_wait3A_899 : memref<64x128xf32, #tpu.memory_space<vmem>>) dst(%dma_wait3A_895 : memref<64x128xf32, #tpu.memory_space<hbm>>)
    %add3A_900 = arith.constant 25152 : i32
    %add3A_901 = arith.addi %mul3A_2, %add3A_900 : i32
    %dma_wait3A_902 = arith.constant 3 : i32
    %dma_wait3A_903 = arith.constant 0 : i32
    %dma_wait3A_904 = arith.constant 0 : i32
    %dma_wait3A_905 = tpu.memref_slice %arg6[%dma_wait3A_902, %dma_wait3A_903, %dma_wait3A_904] : memref<10x64x128xf32, #tpu.memory_space<vmem>> -> memref<1x64x128xf32, #tpu.memory_space<vmem>>
    %dma_wait3A_906 = tpu.memref_squeeze %dma_wait3A_905 : memref<1x64x128xf32, #tpu.memory_space<vmem>> -> memref<64x128xf32, #tpu.memory_space<vmem>>
    %dma_wait3A_907 = arith.constant 0 : i32
    %dma_wait3A_908 = tpu.memref_slice %arg4[%add3A_901, %dma_wait3A_907] : memref<819200x128xf32, #tpu.memory_space<hbm>> -> memref<64x128xf32, #tpu.memory_space<hbm>>
    %dma_wait3A_909 = arith.constant 0 : i32
    %dma_wait3A_910 = tpu.memref_slice %arg4[%add3A_901, %dma_wait3A_909] : memref<819200x128xf32, #tpu.memory_space<hbm>> -> memref<64x128xf32, #tpu.memory_space<hbm>>
    %dma_wait3A_911 = arith.constant 0 : i32
    %dma_wait3A_912 = arith.constant 0 : i32
    %dma_wait3A_913 = tpu.memref_slice %arg6[%dma_wait3A_902, %dma_wait3A_911, %dma_wait3A_912] : memref<10x64x128xf32, #tpu.memory_space<vmem>> -> memref<1x64x128xf32, #tpu.memory_space<vmem>>
    %dma_wait3A_914 = tpu.memref_squeeze %dma_wait3A_913 : memref<1x64x128xf32, #tpu.memory_space<vmem>> -> memref<64x128xf32, #tpu.memory_space<vmem>>
    tpu.wait_dma2 semaphore(%arg20 : memref<!tpu.dma_semaphore, #tpu.memory_space<semaphore_mem>>) src(%dma_wait3A_914 : memref<64x128xf32, #tpu.memory_space<vmem>>) dst(%dma_wait3A_910 : memref<64x128xf32, #tpu.memory_space<hbm>>)
    %add3A_915 = arith.constant 25216 : i32
    %add3A_916 = arith.addi %mul3A_2, %add3A_915 : i32
    %dma_wait3A_917 = arith.constant 4 : i32
    %dma_wait3A_918 = arith.constant 0 : i32
    %dma_wait3A_919 = arith.constant 0 : i32
    %dma_wait3A_920 = tpu.memref_slice %arg6[%dma_wait3A_917, %dma_wait3A_918, %dma_wait3A_919] : memref<10x64x128xf32, #tpu.memory_space<vmem>> -> memref<1x64x128xf32, #tpu.memory_space<vmem>>
    %dma_wait3A_921 = tpu.memref_squeeze %dma_wait3A_920 : memref<1x64x128xf32, #tpu.memory_space<vmem>> -> memref<64x128xf32, #tpu.memory_space<vmem>>
    %dma_wait3A_922 = arith.constant 0 : i32
    %dma_wait3A_923 = tpu.memref_slice %arg4[%add3A_916, %dma_wait3A_922] : memref<819200x128xf32, #tpu.memory_space<hbm>> -> memref<64x128xf32, #tpu.memory_space<hbm>>
    %dma_wait3A_924 = arith.constant 0 : i32
    %dma_wait3A_925 = tpu.memref_slice %arg4[%add3A_916, %dma_wait3A_924] : memref<819200x128xf32, #tpu.memory_space<hbm>> -> memref<64x128xf32, #tpu.memory_space<hbm>>
    %dma_wait3A_926 = arith.constant 0 : i32
    %dma_wait3A_927 = arith.constant 0 : i32
    %dma_wait3A_928 = tpu.memref_slice %arg6[%dma_wait3A_917, %dma_wait3A_926, %dma_wait3A_927] : memref<10x64x128xf32, #tpu.memory_space<vmem>> -> memref<1x64x128xf32, #tpu.memory_space<vmem>>
    %dma_wait3A_929 = tpu.memref_squeeze %dma_wait3A_928 : memref<1x64x128xf32, #tpu.memory_space<vmem>> -> memref<64x128xf32, #tpu.memory_space<vmem>>
    tpu.wait_dma2 semaphore(%arg21 : memref<!tpu.dma_semaphore, #tpu.memory_space<semaphore_mem>>) src(%dma_wait3A_929 : memref<64x128xf32, #tpu.memory_space<vmem>>) dst(%dma_wait3A_925 : memref<64x128xf32, #tpu.memory_space<hbm>>)
    %add3A_930 = arith.constant 25280 : i32
    %add3A_931 = arith.addi %mul3A_2, %add3A_930 : i32
    %dma_wait3A_932 = arith.constant 5 : i32
    %dma_wait3A_933 = arith.constant 0 : i32
    %dma_wait3A_934 = arith.constant 0 : i32
    %dma_wait3A_935 = tpu.memref_slice %arg6[%dma_wait3A_932, %dma_wait3A_933, %dma_wait3A_934] : memref<10x64x128xf32, #tpu.memory_space<vmem>> -> memref<1x64x128xf32, #tpu.memory_space<vmem>>
    %dma_wait3A_936 = tpu.memref_squeeze %dma_wait3A_935 : memref<1x64x128xf32, #tpu.memory_space<vmem>> -> memref<64x128xf32, #tpu.memory_space<vmem>>
    %dma_wait3A_937 = arith.constant 0 : i32
    %dma_wait3A_938 = tpu.memref_slice %arg4[%add3A_931, %dma_wait3A_937] : memref<819200x128xf32, #tpu.memory_space<hbm>> -> memref<64x128xf32, #tpu.memory_space<hbm>>
    %dma_wait3A_939 = arith.constant 0 : i32
    %dma_wait3A_940 = tpu.memref_slice %arg4[%add3A_931, %dma_wait3A_939] : memref<819200x128xf32, #tpu.memory_space<hbm>> -> memref<64x128xf32, #tpu.memory_space<hbm>>
    %dma_wait3A_941 = arith.constant 0 : i32
    %dma_wait3A_942 = arith.constant 0 : i32
    %dma_wait3A_943 = tpu.memref_slice %arg6[%dma_wait3A_932, %dma_wait3A_941, %dma_wait3A_942] : memref<10x64x128xf32, #tpu.memory_space<vmem>> -> memref<1x64x128xf32, #tpu.memory_space<vmem>>
    %dma_wait3A_944 = tpu.memref_squeeze %dma_wait3A_943 : memref<1x64x128xf32, #tpu.memory_space<vmem>> -> memref<64x128xf32, #tpu.memory_space<vmem>>
    tpu.wait_dma2 semaphore(%arg22 : memref<!tpu.dma_semaphore, #tpu.memory_space<semaphore_mem>>) src(%dma_wait3A_944 : memref<64x128xf32, #tpu.memory_space<vmem>>) dst(%dma_wait3A_940 : memref<64x128xf32, #tpu.memory_space<hbm>>)
    %add3A_945 = arith.constant 25344 : i32
    %add3A_946 = arith.addi %mul3A_2, %add3A_945 : i32
    %dma_wait3A_947 = arith.constant 6 : i32
    %dma_wait3A_948 = arith.constant 0 : i32
    %dma_wait3A_949 = arith.constant 0 : i32
    %dma_wait3A_950 = tpu.memref_slice %arg6[%dma_wait3A_947, %dma_wait3A_948, %dma_wait3A_949] : memref<10x64x128xf32, #tpu.memory_space<vmem>> -> memref<1x64x128xf32, #tpu.memory_space<vmem>>
    %dma_wait3A_951 = tpu.memref_squeeze %dma_wait3A_950 : memref<1x64x128xf32, #tpu.memory_space<vmem>> -> memref<64x128xf32, #tpu.memory_space<vmem>>
    %dma_wait3A_952 = arith.constant 0 : i32
    %dma_wait3A_953 = tpu.memref_slice %arg4[%add3A_946, %dma_wait3A_952] : memref<819200x128xf32, #tpu.memory_space<hbm>> -> memref<64x128xf32, #tpu.memory_space<hbm>>
    %dma_wait3A_954 = arith.constant 0 : i32
    %dma_wait3A_955 = tpu.memref_slice %arg4[%add3A_946, %dma_wait3A_954] : memref<819200x128xf32, #tpu.memory_space<hbm>> -> memref<64x128xf32, #tpu.memory_space<hbm>>
    %dma_wait3A_956 = arith.constant 0 : i32
    %dma_wait3A_957 = arith.constant 0 : i32
    %dma_wait3A_958 = tpu.memref_slice %arg6[%dma_wait3A_947, %dma_wait3A_956, %dma_wait3A_957] : memref<10x64x128xf32, #tpu.memory_space<vmem>> -> memref<1x64x128xf32, #tpu.memory_space<vmem>>
    %dma_wait3A_959 = tpu.memref_squeeze %dma_wait3A_958 : memref<1x64x128xf32, #tpu.memory_space<vmem>> -> memref<64x128xf32, #tpu.memory_space<vmem>>
    tpu.wait_dma2 semaphore(%arg23 : memref<!tpu.dma_semaphore, #tpu.memory_space<semaphore_mem>>) src(%dma_wait3A_959 : memref<64x128xf32, #tpu.memory_space<vmem>>) dst(%dma_wait3A_955 : memref<64x128xf32, #tpu.memory_space<hbm>>)
    %add3A_960 = arith.constant 25408 : i32
    %add3A_961 = arith.addi %mul3A_2, %add3A_960 : i32
    %dma_wait3A_962 = arith.constant 7 : i32
    %dma_wait3A_963 = arith.constant 0 : i32
    %dma_wait3A_964 = arith.constant 0 : i32
    %dma_wait3A_965 = tpu.memref_slice %arg6[%dma_wait3A_962, %dma_wait3A_963, %dma_wait3A_964] : memref<10x64x128xf32, #tpu.memory_space<vmem>> -> memref<1x64x128xf32, #tpu.memory_space<vmem>>
    %dma_wait3A_966 = tpu.memref_squeeze %dma_wait3A_965 : memref<1x64x128xf32, #tpu.memory_space<vmem>> -> memref<64x128xf32, #tpu.memory_space<vmem>>
    %dma_wait3A_967 = arith.constant 0 : i32
    %dma_wait3A_968 = tpu.memref_slice %arg4[%add3A_961, %dma_wait3A_967] : memref<819200x128xf32, #tpu.memory_space<hbm>> -> memref<64x128xf32, #tpu.memory_space<hbm>>
    %dma_wait3A_969 = arith.constant 0 : i32
    %dma_wait3A_970 = tpu.memref_slice %arg4[%add3A_961, %dma_wait3A_969] : memref<819200x128xf32, #tpu.memory_space<hbm>> -> memref<64x128xf32, #tpu.memory_space<hbm>>
    %dma_wait3A_971 = arith.constant 0 : i32
    %dma_wait3A_972 = arith.constant 0 : i32
    %dma_wait3A_973 = tpu.memref_slice %arg6[%dma_wait3A_962, %dma_wait3A_971, %dma_wait3A_972] : memref<10x64x128xf32, #tpu.memory_space<vmem>> -> memref<1x64x128xf32, #tpu.memory_space<vmem>>
    %dma_wait3A_974 = tpu.memref_squeeze %dma_wait3A_973 : memref<1x64x128xf32, #tpu.memory_space<vmem>> -> memref<64x128xf32, #tpu.memory_space<vmem>>
    tpu.wait_dma2 semaphore(%arg24 : memref<!tpu.dma_semaphore, #tpu.memory_space<semaphore_mem>>) src(%dma_wait3A_974 : memref<64x128xf32, #tpu.memory_space<vmem>>) dst(%dma_wait3A_970 : memref<64x128xf32, #tpu.memory_space<hbm>>)
    %add3A_975 = arith.constant 25472 : i32
    %add3A_976 = arith.addi %mul3A_2, %add3A_975 : i32
    %dma_wait3A_977 = arith.constant 8 : i32
    %dma_wait3A_978 = arith.constant 0 : i32
    %dma_wait3A_979 = arith.constant 0 : i32
    %dma_wait3A_980 = tpu.memref_slice %arg6[%dma_wait3A_977, %dma_wait3A_978, %dma_wait3A_979] : memref<10x64x128xf32, #tpu.memory_space<vmem>> -> memref<1x64x128xf32, #tpu.memory_space<vmem>>
    %dma_wait3A_981 = tpu.memref_squeeze %dma_wait3A_980 : memref<1x64x128xf32, #tpu.memory_space<vmem>> -> memref<64x128xf32, #tpu.memory_space<vmem>>
    %dma_wait3A_982 = arith.constant 0 : i32
    %dma_wait3A_983 = tpu.memref_slice %arg4[%add3A_976, %dma_wait3A_982] : memref<819200x128xf32, #tpu.memory_space<hbm>> -> memref<64x128xf32, #tpu.memory_space<hbm>>
    %dma_wait3A_984 = arith.constant 0 : i32
    %dma_wait3A_985 = tpu.memref_slice %arg4[%add3A_976, %dma_wait3A_984] : memref<819200x128xf32, #tpu.memory_space<hbm>> -> memref<64x128xf32, #tpu.memory_space<hbm>>
    %dma_wait3A_986 = arith.constant 0 : i32
    %dma_wait3A_987 = arith.constant 0 : i32
    %dma_wait3A_988 = tpu.memref_slice %arg6[%dma_wait3A_977, %dma_wait3A_986, %dma_wait3A_987] : memref<10x64x128xf32, #tpu.memory_space<vmem>> -> memref<1x64x128xf32, #tpu.memory_space<vmem>>
    %dma_wait3A_989 = tpu.memref_squeeze %dma_wait3A_988 : memref<1x64x128xf32, #tpu.memory_space<vmem>> -> memref<64x128xf32, #tpu.memory_space<vmem>>
    tpu.wait_dma2 semaphore(%arg25 : memref<!tpu.dma_semaphore, #tpu.memory_space<semaphore_mem>>) src(%dma_wait3A_989 : memref<64x128xf32, #tpu.memory_space<vmem>>) dst(%dma_wait3A_985 : memref<64x128xf32, #tpu.memory_space<hbm>>)
    %add3A_990 = arith.constant 25536 : i32
    %add3A_991 = arith.addi %mul3A_2, %add3A_990 : i32
    %dma_wait3A_992 = arith.constant 9 : i32
    %dma_wait3A_993 = arith.constant 0 : i32
    %dma_wait3A_994 = arith.constant 0 : i32
    %dma_wait3A_995 = tpu.memref_slice %arg6[%dma_wait3A_992, %dma_wait3A_993, %dma_wait3A_994] : memref<10x64x128xf32, #tpu.memory_space<vmem>> -> memref<1x64x128xf32, #tpu.memory_space<vmem>>
    %dma_wait3A_996 = tpu.memref_squeeze %dma_wait3A_995 : memref<1x64x128xf32, #tpu.memory_space<vmem>> -> memref<64x128xf32, #tpu.memory_space<vmem>>
    %dma_wait3A_997 = arith.constant 0 : i32
    %dma_wait3A_998 = tpu.memref_slice %arg4[%add3A_991, %dma_wait3A_997] : memref<819200x128xf32, #tpu.memory_space<hbm>> -> memref<64x128xf32, #tpu.memory_space<hbm>>
    %dma_wait3A_999 = arith.constant 0 : i32
    %dma_wait3A_1000 = tpu.memref_slice %arg4[%add3A_991, %dma_wait3A_999] : memref<819200x128xf32, #tpu.memory_space<hbm>> -> memref<64x128xf32, #tpu.memory_space<hbm>>
    %dma_wait3A_1001 = arith.constant 0 : i32
    %dma_wait3A_1002 = arith.constant 0 : i32
    %dma_wait3A_1003 = tpu.memref_slice %arg6[%dma_wait3A_992, %dma_wait3A_1001, %dma_wait3A_1002] : memref<10x64x128xf32, #tpu.memory_space<vmem>> -> memref<1x64x128xf32, #tpu.memory_space<vmem>>
    %dma_wait3A_1004 = tpu.memref_squeeze %dma_wait3A_1003 : memref<1x64x128xf32, #tpu.memory_space<vmem>> -> memref<64x128xf32, #tpu.memory_space<vmem>>
    tpu.wait_dma2 semaphore(%arg26 : memref<!tpu.dma_semaphore, #tpu.memory_space<semaphore_mem>>) src(%dma_wait3A_1004 : memref<64x128xf32, #tpu.memory_space<vmem>>) dst(%dma_wait3A_1000 : memref<64x128xf32, #tpu.memory_space<hbm>>)
    return
  }
}

</mosaic_0001>

<sc_bundles>
// kernel: _embed.3.cloned.1.call-start
scs
__scs_entry_jumppad:
0x0: {  	(pc) =	sbr.rel $0x88, $3  }
0x1: {  	(tag) =	ssettag $0x0;
	lr =	simm.s32 $0x1  }
0x2: {  	[smem:$0x3F9F] =	sst lr;
	_ =	strace $0xD0000000  }
0x3: {  	_ = 	snop  }
0x4: {  	_ = 	snop  }
0x5: {  	_ = 	snop  }
0x6: {  	_ = 	snop  }
0x7: {  	_ = 	snop  }
__scs_overlays_trampoline_lowered:
0x8: {  	[smem:$0x3FAE] =	sst s0  }
0x9: {  	[smem:$0x3FAF] =	sst s1  }
0xa: {  	[smem:$0x3FB0] =	sst s2  }
0xb: {  	[smem:$0x3FB1] =	sst s3  }
0xc: {  	[smem:$0x3FB2] =	sst s4  }
0xd: {  	[smem:$0x3FB3] =	sst s5  }
0xe: {  	[smem:$0x3FB4] =	sst s6  }
0xf: {  	[smem:$0x3FB5] =	sst s7  }
0x10: {  	[smem:$0x3FB6] =	sst s8  }
0x11: {  	[smem:$0x3FB7] =	sst s9;
	s0 =	simm.s32 @!p0 $0x0  }
0x12: {  	s1 =	sld [smem:$0x3F9D];
	s0 =	simm.s32 @p0 $0x1  }
0x13: {  	[smem:$0x3FB8] =	sst s0;
	s0 =	simm.s32 @!p1 $0x0  }
0x14: {  	s2 =	sld [smem:$0x3F9C];
	s0 =	simm.s32 @p1 $0x1  }
0x15: {  	[smem:$0x3FB9] =	sst s0;
	s0 =	simm.s32 @!p2 $0x0  }
0x16: {  	s3 =	sld [smem:$0x3FDB];
	s0 =	simm.s32 @p2 $0x1  }
0x17: {  	s4 =	simm.s32 $0x1BF5;
	[smem:$0x3FBB] =	sst s0  }
0x18: {  	s0 =	sld [smem:$0x3F9E];
	_ =	swait.ge [sflag:s4], $0x0  }
0x19: {  	s7 =	sld [smem:$0x3F9F]  }
0x1a: {  	s8 =	sadd.s32 $0xFFFFE003, lr  }
0x1b: {  	s9 =	sadd.s32 $0xFFFFFEF7, lr;
	s5 =	simm.s32 $0xFFFFFFFF;
	p2 =	slt.u32 s8, $0xFFFFF086  }
0x1c: {  	p1 =	slt.u32 s9, $0xF7A;
	s5 =	simm.s32 @!p2 $0x0  }
0x1d: {  	s5 =	simm.s32 @p1 $0x1;
	p0 =	seq.s32 s7, s2  }
0x1e: {  	s7 =	smul.u32 @!p0 $0xF7A, s2;
	p2 =	seq.s32 @!p0 s5, $0x0  }
0x1f: {  	s9 =	smul.u32 $0xF7A, s1;
	s8 =	simm.s32 @!p0 $0x1BF5;
	p2 =	por !p2, p0  }
0x20: {  	[sflag:s8] =	ssyncset.s32 @!p0 $0xFFFFF086;
	s6 =	sadd.s32 @!p0 s3, s7;
	s7 =	simm.s32 @!p0 $0x108  }
0x21: {  	s3 =	sadd.s32 s3, s9;
	s6 =	sadd.s32 @!p0 $0x88, s6;
	s7 =	simm.s32 @p2 $0x1082  }
0x22: {  	[simem:s7], [sflag:s8] =	dma.local @!p0 [hbm:s6], $0xF7A  }
0x23: {  	s9 =	sor.u32 $0xD0000000, s2;
	s6 =	simm.s32 $0x108;
	_ =	swait.ge @!p0 [sflag:s8], $0x0  }
0x24: {  	s3 =	sadd.s32 $0x88, s3;
	s6 =	simm.s32 @!p1 $0x1082;
	[sflag:s4] =	ssyncset.s32 $0xFFFFF086  }
0x25: {  	[simem:s6], [sflag:s4] =	dma.local [hbm:s3], $0xF7A  }
0x26: {  	[smem:$0x3F9F] =	sst s1;
	(tag) =	ssettag s2;
	_ =	strace s9  }
0x27: {  	s1 =	sld [smem:$0x3FAF]  }
0x28: {  	s2 =	sld [smem:$0x3FB0]  }
0x29: {  	s4 =	sld [smem:$0x3FB2]  }
0x2a: {  	p0 =	seq.s32 s5, $0x0;
	s5 =	sld [smem:$0x3FB3]  }
0x2b: {  	s6 =	sld [smem:$0x3FB4]  }
0x2c: {  	s7 =	sld [smem:$0x3FB5]  }
0x2d: {  	s3 =	simm.s32 $0x108;
	s8 =	sld [smem:$0x3FB6]  }
0x2e: {  	s3 =	simm.s32 @!p0 $0x1082;
	s9 =	sld [smem:$0x3FB7]  }
0x2f: {  	lr =	sadd.s32 s0, s3;
	s0 =	sld [smem:$0x3FAE]  }
0x30: {  	s3 =	sld [smem:$0x3FB1]  }
0x31: {  	[smem:$0x3FBA] =	sst s10  }
0x32: {  	s10 =	sld [smem:$0x3FB8];
	_ =	sdelay $0x3  }
0x33: {  	p0 =	seq.s32 s10, $0x1;
	s10 =	sld [smem:$0x3FBA];
	_ =	sdelay $0x3  }
0x34: {  	[smem:$0x3FBA] =	sst s10  }
0x35: {  	s10 =	sld [smem:$0x3FB9];
	_ =	sdelay $0x3  }
0x36: {  	p1 =	seq.s32 s10, $0x1;
	s10 =	sld [smem:$0x3FBA];
	_ =	sdelay $0x3  }
0x37: {  	[smem:$0x3FBA] =	sst s10  }
0x38: {  	s10 =	sld [smem:$0x3FBB]  }
0x39: {  	_ = 	snop;
	(pc) =	sbr.ind lr, $3  }
0x3a: {  	_ = 	snop  }
0x3b: {  	_ = 	snop  }
0x3c: {  	p2 =	seq.s32 s10, $0x1;
	s10 =	sld [smem:$0x3FBA]  }
0x3d: {  	_ =	shalt  }
0x3e: {  	_ =	shalt  }
0x3f: {  	_ =	shalt  }
0x40: {  	_ =	shalt  }
0x41: {  	_ =	shalt  }
0x42: {  	_ =	shalt  }
0x43: {  	_ =	shalt  }
0x44: {  	_ =	shalt  }
0x45: {  	_ =	shalt  }
0x46: {  	_ =	shalt  }
0x47: {  	_ =	shalt  }
0x48: {  	_ =	shalt  }
0x49: {  	_ =	shalt  }
0x4a: {  	_ =	shalt  }
0x4b: {  	_ =	shalt  }
0x4c: {  	_ =	shalt  }
0x4d: {  	_ =	shalt  }
0x4e: {  	_ =	shalt  }
0x4f: {  	_ =	shalt  }
0x50: {  	_ =	shalt  }
0x51: {  	_ =	shalt  }
0x52: {  	_ =	shalt  }
0x53: {  	_ =	shalt  }
0x54: {  	_ =	shalt  }
0x55: {  	_ =	shalt  }
0x56: {  	_ =	shalt  }
0x57: {  	_ =	shalt  }
0x58: {  	_ =	shalt  }
0x59: {  	_ =	shalt  }
0x5a: {  	_ =	shalt  }
0x5b: {  	_ =	shalt  }
0x5c: {  	_ =	shalt  }
0x5d: {  	_ =	shalt  }
0x5e: {  	_ =	shalt  }
0x5f: {  	_ =	shalt  }
0x60: {  	_ =	shalt  }
0x61: {  	_ =	shalt  }
0x62: {  	_ =	shalt  }
0x63: {  	_ =	shalt  }
0x64: {  	_ =	shalt  }
0x65: {  	_ =	shalt  }
0x66: {  	_ =	shalt  }
0x67: {  	_ =	shalt  }
0x68: {  	_ =	shalt  }
0x69: {  	_ =	shalt  }
0x6a: {  	_ =	shalt  }
0x6b: {  	_ =	shalt  }
0x6c: {  	_ =	shalt  }
0x6d: {  	_ =	shalt  }
0x6e: {  	_ =	shalt  }
0x6f: {  	_ =	shalt  }
0x70: {  	_ =	shalt  }
0x71: {  	_ =	shalt  }
0x72: {  	_ =	shalt  }
0x73: {  	_ =	shalt  }
0x74: {  	_ =	shalt  }
0x75: {  	_ =	shalt  }
0x76: {  	_ =	shalt  }
0x77: {  	_ =	shalt  }
0x78: {  	_ =	shalt  }
0x79: {  	_ =	shalt  }
0x7a: {  	_ =	shalt  }
0x7b: {  	_ =	shalt  }
0x7c: {  	_ =	shalt  }
0x7d: {  	_ =	shalt  }
0x7e: {  	_ =	shalt  }
0x7f: {  	_ =	shalt  }
0x80: {  	_ =	shalt  }
0x81: {  	_ =	shalt  }
0x82: {  	_ =	shalt  }
0x83: {  	_ =	shalt  }
0x84: {  	_ =	shalt  }
0x85: {  	_ =	shalt  }
0x86: {  	_ =	shalt  }
0x87: {  	_ =	shalt  }
.Lfunc_end0:
.L_simem_size_0:
called_computation_lowered:
.L_overlay_start_0:
0x88: {  	s2 =	sld [smem:$0x3FD9]  }
0x89: {  	s3 =	sld [smem:$0x3FFE];
	_ =	sdelay $0x1  }
0x8a: {  	s1 =	srdreg.scid  }
0x8b: {  	s0 =	sand.u32 $0x1, s1  }
0x8c: {  	s18 =	sshll.u32 s0, $0xA;
	s2 =	sadd.s32 s3, s2  }
0x8d: {  	s2 =	sadd.s32 s2, s18  }
0x8e: {  	[smem:$0x3FC6] =	sst s2  }
0x8f: {  	_ = 	snop  }
0x90: {  	s2 =	sld [smem:$0x3FC9]  }
0x91: {  	s19 =	sld [smem:$0x3FC8]  }
0x92: {  	s4 =	sld [smem:$0x3FD0];
	(tm) =	ssettm $0x1  }
0x93: {  	s5 =	sld [smem:$0x3FFB];
	_ =	sdelay $0x3  }
0x94: {  	_ =	strace s5  }
0x95: {  	s5 =	sld [smem:$0x3FFC];
	_ =	sdelay $0x3  }
0x96: {  	_ =	strace s5  }
0x97: {  	s5 =	sld [smem:$0x3FFD];
	_ =	sdelay $0x3  }
0x98: {  	_ =	strace s5  }
0x99: {  	_ =	strace $0x8FFFFFFF  }
0x9a: {  	s20 =	sld [smem:$0x3FDB];
	_ =	sdelay $0x1  }
0x9b: {  	s6 =	simm.s32 $_scs_section_size  }
0x9c: {  	s7 =	simm.s32 $_size__tile_overlayer_lowered;
	s8 =	simm.s32 $_tile_overlayer_lowered  }
0x9d: {  	s23 =	simm.s32 $0x1BFF;
	s22 =	sshll.u32 s8, $0x1;
	s5 =	sadd.s32 s6, s20  }
0x9e: {  	s9 =	simm.s32 $0x0;
	s21 =	sshll.u32 s7, $0x1;
	s7 =	sadd.s32 s22, s5  }
0x9f: {  	[timem:s9], [sflag:s23] =	dma.local [hbm:s7], s21  }
0xa0: {  	_ =	swait.ge [sflag:s23], s21  }
0xa1: {  	s6 =	ssub.s32 $0x0, s21;
	[sflag:s23] =	ssyncset.done $0x0  }
0xa2: {  	[sflag:s23] =	ssyncadd.s32 s6;
	_ =	sdelay $0x1  }
0xa3: {  	s24 =	simm.s32 $0x1B8B  }
0xa4: {  	_ =	swait.ge [sflag:s24], $0x1  }
0xa5: {  	[sflag:s24] =	ssyncset.done $0x0  }
0xa6: {  	s25 =	simm.s32 $0x1B8E;
	[sflag:s24] =	ssyncadd.s32 $0xFFFFFFFF  }
0xa7: {  	s26 =	simm.s32 $execute0_lowered;
	[smem:$0x3FD2] =	sst s25  }
0xa8: {  	s6 =	sshll.u32 s26, $0x1;
	_ =	strace $0x80000046;
	[dreg:$0x1] =	wrdreg $0xFFFFFFFF  }
0xa9: {  	s28 =	simm.s32 $_size_execute0_lowered;
	s5 =	sadd.s32 s5, s6;
	[dreg:$0x0] =	wrdreg $0x0  }
0xaa: {  	s6 =	sshll.u32 s28, $0x1;
	[dreg:$0x2] =	wrdreg s5  }
0xab: {  	[dreg:$0x3] =	wrdreg s6  }
0xac: {  	[dreg:$0x4] =	wrdreg $0xC0  }
0xad: {  	_ =	task [dreg:s9], $0x5FFFF  }
0xae: {  	[dreg:$0x1] =	wrdreg $0xFFFFFFFF  }
0xaf: {  	[dreg:$0x0] =	wrdreg $0x60  }
0xb0: {  	[dreg:$0x2] =	wrdreg s2  }
0xb1: {  	[dreg:$0x3] =	wrdreg s19  }
0xb2: {  	[dreg:$0x4] =	wrdreg s4  }
0xb3: {  	[dreg:$0x5] =	wrdreg $0x9  }
0xb4: {  	_ =	task.clear_ibuf [dreg:s9], $0x6FFFF;
	_ =	strace $0x90000046  }
0xb5: {  	s29 =	simm.s32 $0x9;
	_ =	strace $0x80000048  }
0xb6: {  	_ =	swait.ge [sflag:s29], $0x1  }
0xb7: {  	[sflag:s29] =	ssyncadd.s32 $0xFFFFFFFF  }
0xb8: {  	_ =	strace $0x90000048  }
0xb9: {  	_ =	sfence  }
0xba: {  	s30 =	sld [smem:$0x0];
	_ =	sdelay $0x2  }
0xbb: {  	s31 =	sshll.u32 s1, $0xD;
	s1 =	sshrl.u32 s1, $0x2  }
0xbc: {  	s3 =	sand.u32 $0x4000, s31;
	s1 =	sadd.s32 s1, s30  }
0xbd: {  	s0 =	sor.u32 s3, s0;
	s1 =	sshll.u32 s1, $0x11  }
0xbe: {  	s0 =	sor.u32 s1, s0  }
0xbf: {  	s0 =	sadd.s32 $0x8F2B, s0  }
0xc0: {  	[sflag:s0] =	ssyncadd.remote.s32 $0x1  }
0xc1: {  	_ =	sfence.sel $0xFFFF  }
0xc2: {  	[dreg:$0x0] =	wrdreg $0xFFFFFFFF;
	(pc) =	sbr.abs _section_cstart, $3  }
0xc3: {  	[dreg:$0x1] =	wrdreg $0xFFFFFFFF  }
0xc4: {  	_ =	task.clear_ibuf [dreg:s9], $0x2FFFF;
	_ =	strace $0x9FFFFFFF  }
0xc5: {  	(tm) =	ssettm $0x7FFFFFFF  }
tec
execute0_lowered:
.L_overlay_start_1:
0x0: {  	(tag) =	ssettag $0x1  }
0x1: {  	s1 =	srdreg.scid;
	s10 =	stileid.u32  }
0x2: {  	s1 =	sand.u32 $0x1, s1;
	s3 =	sshll.u32 s10, $0x1  }
0x3: {  	s0 =	rddreg [dreg:$0x0];
	s5 =	sor.u32 s1, s3  }
0x4: {  	s2 =	rddreg [dreg:$0x1];
	s7 =	smul.u32 $0x6400, s5  }
0x5: {  	s4 =	rddreg [dreg:$0x2]  }
0x6: {  	s3 =	simm.s32 $0x0;
	s9 =	smul.u32 $0x64000, s5;
	s7 =	sshrl.u32 s7, $0x3  }
0x7: {  	[smem:$0x7FF] =	sst s3;
	s0 =	sadd.s32 s0, s7  }
0x8: {  	_ =	strace $0x80000047;
	s7 =	sadd.s32 s4, s9;
	[dreg:$0x4] =	wrdreg s0  }
0x9: {  	s24 =	sadd.s32 $0x400, s7;
	[dreg:$0x5] =	wrdreg s7  }
0xa: {  	s6 =	ssub.s32 $0x2, s1;
	s25 =	sadd.s32 $0x800, s7;
	[dreg:$0x6] =	wrdreg s24  }
0xb: {  	s8 =	sshrl.u32 s6, $0x1;
	s26 =	sadd.s32 $0xC00, s7;
	[dreg:$0x7] =	wrdreg s25  }
0xc: {  	s6 =	ssub.s32 s6, s8;
	s8 =	sadd.s32 $0x1000, s7;
	[dreg:$0x8] =	wrdreg s26  }
0xd: {  	s9 =	sadd.s32 $0x1400, s7;
	[dreg:$0x9] =	wrdreg s8  }
0xe: {  	s11 =	sadd.s32 $0x1800, s7;
	[dreg:$0xa] =	wrdreg s9  }
0xf: {  	s23 =	smul.u32 $0x320000, s5;
	s12 =	sadd.s32 $0x1C00, s7;
	[dreg:$0xb] =	wrdreg s11  }
0x10: {  	s13 =	sadd.s32 $0x2000, s7;
	[dreg:$0xc] =	wrdreg s12  }
0x11: {  	s0 =	sshrl.u32 s23, $0x3;
	[dreg:$0xd] =	wrdreg s13;
	s24 =	smax.u32 s6, $0x1  }
0x12: {  	s0 =	sadd.s32 s4, s0;
	s26 =	sadd.s32 $0x2400, s7;
	[dreg:$0x18] =	wrdreg s24  }
0x13: {  	s29 =	simm.s32 $0x40;
	s14 =	sadd.s32 $0x61800, s0;
	[dreg:$0x1a] =	wrdreg s26  }
0x14: {  	s28 =	simm.s32 $0x11;
	s15 =	sadd.s32 $0x61C00, s0;
	[dreg:$0xe] =	wrdreg s14  }
0x15: {  	s30 =	simm.s32 $0x13;
	s16 =	sadd.s32 $0x62000, s0;
	[dreg:$0xf] =	wrdreg s15  }
0x16: {  	s31 =	simm.s32 $0x14;
	s17 =	sadd.s32 $0x62400, s0;
	[dreg:$0x10] =	wrdreg s16  }
0x17: {  	s18 =	smul.u32 $0xC8000, s10;
	s19 =	sadd.s32 $0x62800, s0;
	[dreg:$0x11] =	wrdreg s17  }
0x18: {  	s1 =	smul.u32 $0x64000, s1;
	s20 =	sadd.s32 $0x62C00, s0;
	[dreg:$0x12] =	wrdreg s19  }
0x19: {  	s5 =	simm.s32 $0x10;
	s21 =	sadd.s32 $0x63000, s0;
	[dreg:$0x13] =	wrdreg s20  }
0x1a: {  	s4 =	sadd.s32 s18, s4;
	s22 =	sadd.s32 $0x63400, s0;
	[dreg:$0x14] =	wrdreg s21  }
0x1b: {  	s18 =	simm.s32 $0xC;
	s23 =	sadd.s32 $0x63800, s0;
	[dreg:$0x15] =	wrdreg s22  }
0x1c: {  	s1 =	sadd.s32 s1, s4;
	s0 =	sadd.s32 $0x63C00, s0;
	[dreg:$0x16] =	wrdreg s23  }
0x1d: {  	s24 =	simm.s32 $0xF;
	s26 =	simm.s32 $0xA;
	[dreg:$0x17] =	wrdreg s0  }
0x1e: {  	s25 =	sadd.s32 $0x2800, s1;
	s19 =	simm.s32 $0x7;
	s20 =	simm.s32 $0xD  }
0x1f: {  	s21 =	simm.s32 $0x8;
	s22 =	simm.s32 $0xE;
	s23 =	simm.s32 $0x9  }
0x20: {  	s1 =	simm.s32 $0x0;
	[dreg:$0x19] =	wrdreg s25;
	s25 =	simm.s32 $0x12  }
.LBB2_1:
0x21: {  	[dreg:$0x1b] =	wrdreg s1  }
0x22: {  	s0 =	rddreg [dreg:$0x4];
	s9 =	simm.s32 $0x15  }
0x23: {  	[tilespmem:s3], [sflag:$0x15] =	stream.linear.gather [hbm4b:s0+s3], $0x6400, $0x38;
	[tilespmem:$0x1A400] =	vst v63  }
0x24: {  	_ =	swait.ge [sflag:s9], $0x6400  }
0x25: {  	[sflag:s9] =	ssyncset.done $0x0  }
0x26: {  	s7 =	simm.s32 $0x6400;
	[sflag:s9] =	ssyncadd.s32 $0xFFFF9C00  }
0x27: {  	[tilespmem:s7], [sflag:$0x1] =	stream.indirect.gather [hbm4b:s2+s29], $0x80, s3, s29, $0xb8;
	[tilespmem:$0x1A400] =	vst v63  }
0x28: {  	s8 =	simm.s32 $0x8400  }
0x29: {  	[tilespmem:s8], [sflag:$0x2] =	stream.indirect.gather [hbm4b:s2+s29], $0x80, s29, s29, $0xb8;
	[tilespmem:$0x1A400] =	vst v63  }
0x2a: {  	s10 =	simm.s32 $0x80;
	s9 =	simm.s32 $0xA400  }
0x2b: {  	[tilespmem:s9], [sflag:$0x3] =	stream.indirect.gather [hbm4b:s2+s29], $0x80, s10, s29, $0xb8;
	[tilespmem:$0x1A400] =	vst v63  }
0x2c: {  	s11 =	simm.s32 $0xC0;
	s10 =	simm.s32 $0xC400  }
0x2d: {  	[tilespmem:s10], [sflag:$0x4] =	stream.indirect.gather [hbm4b:s2+s29], $0x80, s11, s29, $0xb8;
	[tilespmem:$0x1A400] =	vst v63  }
0x2e: {  	s12 =	simm.s32 $0x100;
	s13 =	simm.s32 $0xE400  }
0x2f: {  	[tilespmem:s13], [sflag:$0x5] =	stream.indirect.gather [hbm4b:s2+s29], $0x80, s12, s29, $0xb8;
	[tilespmem:$0x1A400] =	vst v63  }
0x30: {  	s14 =	simm.s32 $0x140;
	s1 =	simm.s32 $0x1;
	s11 =	simm.s32 $0x10400  }
0x31: {  	[tilespmem:s11], [sflag:$0x6] =	stream.indirect.gather [hbm4b:s2+s29], $0x80, s14, s29, $0xb8;
	[tilespmem:$0x1A400] =	vst v63  }
0x32: {  	_ =	swait.ge [sflag:s1], $0x2000  }
0x33: {  	[sflag:s1] =	ssyncset.done $0x0  }
0x34: {  	s15 =	rddreg [dreg:$0x5];
	[sflag:s1] =	ssyncadd.s32 $0xFFFFE000  }
0x35: {  	[hbm4b:s15+s3] =	stream.linear.scatter [tilespmem:s7], [sflag:$0xB], $0x2000, $0x38;
	[tilespmem:$0x1A400] =	vst v63  }
0x36: {  	s16 =	simm.s32 $0x180;
	s4 =	simm.s32 $0x12400;
	s12 =	simm.s32 $0x2  }
0x37: {  	[tilespmem:s4], [sflag:$0x7] =	stream.indirect.gather [hbm4b:s2+s29], $0x80, s16, s29, $0xb8;
	[tilespmem:$0x1A400] =	vst v63  }
0x38: {  	_ =	swait.ge [sflag:s12], $0x2000  }
0x39: {  	[sflag:s12] =	ssyncset.done $0x0  }
0x3a: {  	s17 =	rddreg [dreg:$0x6];
	[sflag:s12] =	ssyncadd.s32 $0xFFFFE000  }
0x3b: {  	[hbm4b:s17+s3] =	stream.linear.scatter [tilespmem:s8], [sflag:$0xC], $0x2000, $0x38;
	[tilespmem:$0x1A400] =	vst v63  }
0x3c: {  	s14 =	simm.s32 $0x14400;
	s4 =	simm.s32 $0x1C0  }
0x3d: {  	[tilespmem:s14], [sflag:$0x8] =	stream.indirect.gather [hbm4b:s2+s29], $0x80, s4, s29, $0xb8;
	[tilespmem:$0x1A400] =	vst v63  }
0x3e: {  	s14 =	simm.s32 $0x3  }
0x3f: {  	_ =	swait.ge [sflag:s14], $0x2000  }
0x40: {  	[sflag:s14] =	ssyncset.done $0x0  }
0x41: {  	s15 =	rddreg [dreg:$0x7];
	[sflag:s14] =	ssyncadd.s32 $0xFFFFE000  }
0x42: {  	[hbm4b:s15+s3] =	stream.linear.scatter [tilespmem:s9], [sflag:$0xD], $0x2000, $0x38;
	[tilespmem:$0x1A400] =	vst v63  }
0x43: {  	s16 =	simm.s32 $0x200;
	s17 =	simm.s32 $0x16400  }
0x44: {  	[tilespmem:s17], [sflag:$0x9] =	stream.indirect.gather [hbm4b:s2+s29], $0x80, s16, s29, $0xb8;
	[tilespmem:$0x1A400] =	vst v63  }
0x45: {  	s16 =	simm.s32 $0x4  }
0x46: {  	_ =	swait.ge [sflag:s16], $0x2000  }
0x47: {  	[sflag:s16] =	ssyncset.done $0x0  }
0x48: {  	s4 =	rddreg [dreg:$0x8];
	[sflag:s16] =	ssyncadd.s32 $0xFFFFE000  }
0x49: {  	[hbm4b:s4+s3] =	stream.linear.scatter [tilespmem:s10], [sflag:$0xE], $0x2000, $0x38;
	[tilespmem:$0x1A400] =	vst v63  }
0x4a: {  	s15 =	simm.s32 $0x240;
	s17 =	simm.s32 $0x18400  }
0x4b: {  	[tilespmem:s17], [sflag:$0xA] =	stream.indirect.gather [hbm4b:s2+s29], $0x80, s15, s29, $0xb8;
	[tilespmem:$0x1A400] =	vst v63  }
0x4c: {  	s17 =	simm.s32 $0x5  }
0x4d: {  	_ =	swait.ge [sflag:s17], $0x2000  }
0x4e: {  	[sflag:s17] =	ssyncset.done $0x0  }
0x4f: {  	s6 =	simm.s32 $0xE400;
	s4 =	rddreg [dreg:$0x9];
	[sflag:s17] =	ssyncadd.s32 $0xFFFFE000  }
0x50: {  	[hbm4b:s4+s3] =	stream.linear.scatter [tilespmem:s6], [sflag:$0xF], $0x2000, $0x38;
	[tilespmem:$0x1A400] =	vst v63  }
0x51: {  	s4 =	simm.s32 $0xB  }
0x52: {  	_ =	swait.ge [sflag:s4], $0x2000  }
0x53: {  	[sflag:s4] =	ssyncset.done $0x0  }
0x54: {  	s6 =	simm.s32 $0x280;
	[sflag:s4] =	ssyncadd.s32 $0xFFFFE000  }
0x55: {  	[tilespmem:s7], [sflag:$0x1] =	stream.indirect.gather [hbm4b:s2+s29], $0x80, s6, s29, $0xb8;
	[tilespmem:$0x1A400] =	vst v63  }
0x56: {  	s6 =	simm.s32 $0x6  }
0x57: {  	_ =	swait.ge [sflag:s6], $0x2000  }
0x58: {  	[sflag:s6] =	ssyncset.done $0x0  }
0x59: {  	s0 =	rddreg [dreg:$0xa];
	[sflag:s6] =	ssyncadd.s32 $0xFFFFE000  }
0x5a: {  	[hbm4b:s0+s3] =	stream.linear.scatter [tilespmem:s11], [sflag:$0x10], $0x2000, $0x38;
	[tilespmem:$0x1A400] =	vst v63  }
0x5b: {  	_ =	swait.ge [sflag:s18], $0x2000  }
0x5c: {  	[sflag:s18] =	ssyncset.done $0x0  }
0x5d: {  	s0 =	simm.s32 $0x2C0;
	[sflag:s18] =	ssyncadd.s32 $0xFFFFE000  }
0x5e: {  	[tilespmem:s8], [sflag:$0x2] =	stream.indirect.gather [hbm4b:s2+s29], $0x80, s0, s29, $0xb8;
	[tilespmem:$0x1A400] =	vst v63  }
0x5f: {  	_ =	swait.ge [sflag:s19], $0x2000  }
0x60: {  	[sflag:s19] =	ssyncset.done $0x0  }
0x61: {  	s13 =	simm.s32 $0x12400;
	s0 =	rddreg [dreg:$0xb];
	[sflag:s19] =	ssyncadd.s32 $0xFFFFE000  }
0x62: {  	[hbm4b:s0+s3] =	stream.linear.scatter [tilespmem:s13], [sflag:$0x11], $0x2000, $0x38;
	[tilespmem:$0x1A400] =	vst v63  }
0x63: {  	_ =	swait.ge [sflag:s20], $0x2000  }
0x64: {  	[sflag:s20] =	ssyncset.done $0x0  }
0x65: {  	s13 =	simm.s32 $0x300;
	[sflag:s20] =	ssyncadd.s32 $0xFFFFE000  }
0x66: {  	[tilespmem:s9], [sflag:$0x3] =	stream.indirect.gather [hbm4b:s2+s29], $0x80, s13, s29, $0xb8;
	[tilespmem:$0x1A400] =	vst v63  }
0x67: {  	_ =	swait.ge [sflag:s21], $0x2000  }
0x68: {  	[sflag:s21] =	ssyncset.done $0x0  }
0x69: {  	s13 =	simm.s32 $0x14400;
	s0 =	rddreg [dreg:$0xc];
	[sflag:s21] =	ssyncadd.s32 $0xFFFFE000  }
0x6a: {  	[hbm4b:s0+s3] =	stream.linear.scatter [tilespmem:s13], [sflag:$0x12], $0x2000, $0x38;
	[tilespmem:$0x1A400] =	vst v63  }
0x6b: {  	_ =	swait.ge [sflag:s22], $0x2000  }
0x6c: {  	[sflag:s22] =	ssyncset.done $0x0  }
0x6d: {  	s13 =	simm.s32 $0x340;
	[sflag:s22] =	ssyncadd.s32 $0xFFFFE000  }
0x6e: {  	[tilespmem:s10], [sflag:$0x4] =	stream.indirect.gather [hbm4b:s2+s29], $0x80, s13, s29, $0xb8;
	[tilespmem:$0x1A400] =	vst v63  }
0x6f: {  	_ =	swait.ge [sflag:s23], $0x2000  }
0x70: {  	[sflag:s23] =	ssyncset.done $0x0  }
0x71: {  	s13 =	simm.s32 $0x16400;
	s0 =	rddreg [dreg:$0xd];
	[sflag:s23] =	ssyncadd.s32 $0xFFFFE000  }
0x72: {  	[hbm4b:s0+s3] =	stream.linear.scatter [tilespmem:s13], [sflag:$0x13], $0x2000, $0x38;
	[tilespmem:$0x1A400] =	vst v63  }
0x73: {  	_ =	swait.ge [sflag:s24], $0x2000  }
0x74: {  	[sflag:s24] =	ssyncset.done $0x0  }
0x75: {  	s15 =	simm.s32 $0xE400;
	s13 =	simm.s32 $0x380;
	[sflag:s24] =	ssyncadd.s32 $0xFFFFE000  }
0x76: {  	[tilespmem:s15], [sflag:$0x5] =	stream.indirect.gather [hbm4b:s2+s29], $0x80, s13, s29, $0xb8;
	[tilespmem:$0x1A400] =	vst v63  }
0x77: {  	_ =	swait.ge [sflag:s26], $0x2000  }
0x78: {  	[sflag:s26] =	ssyncset.done $0x0  }
0x79: {  	s13 =	simm.s32 $0x18400;
	s15 =	rddreg [dreg:$0x1a];
	[sflag:s26] =	ssyncadd.s32 $0xFFFFE000  }
0x7a: {  	[hbm4b:s15+s3] =	stream.linear.scatter [tilespmem:s13], [sflag:$0x14], $0x2000, $0x38;
	[tilespmem:$0x1A400] =	vst v63  }
0x7b: {  	_ =	swait.ge [sflag:s5], $0x2000  }
0x7c: {  	[sflag:s5] =	ssyncset.done $0x0  }
0x7d: {  	s13 =	simm.s32 $0x3C0;
	[sflag:s5] =	ssyncadd.s32 $0xFFFFE000  }
0x7e: {  	[tilespmem:s11], [sflag:$0x6] =	stream.indirect.gather [hbm4b:s2+s29], $0x80, s13, s29, $0xb8;
	[tilespmem:$0x1A400] =	vst v63  }
0x7f: {  	_ =	swait.ge [sflag:s1], $0x2000  }
0x80: {  	[sflag:s1] =	ssyncset.done $0x0  }
0x81: {  	[sflag:s1] =	ssyncadd.s32 $0xFFFFE000;
	s1 =	rddreg [dreg:$0x19]  }
0x82: {  	[hbm4b:s1+s3] =	stream.linear.scatter [tilespmem:s7], [sflag:$0xB], $0x2000, $0x38;
	[tilespmem:$0x1A400] =	vst v63  }
0x83: {  	_ =	swait.ge [sflag:s28], $0x2000  }
0x84: {  	[sflag:s28] =	ssyncset.done $0x0  }
0x85: {  	s15 =	simm.s32 $0x400;
	s13 =	simm.s32 $0x12400;
	[sflag:s28] =	ssyncadd.s32 $0xFFFFE000  }
0x86: {  	[tilespmem:s13], [sflag:$0x7] =	stream.indirect.gather [hbm4b:s2+s29], $0x80, s15, s29, $0xb8;
	[tilespmem:$0x1A400] =	vst v63  }
0x87: {  	_ =	swait.ge [sflag:s12], $0x2000  }
0x88: {  	[sflag:s12] =	ssyncset.done $0x0  }
0x89: {  	s15 =	sadd.s32 $0x400, s1;
	[sflag:s12] =	ssyncadd.s32 $0xFFFFE000  }
0x8a: {  	[hbm4b:s15+s3] =	stream.linear.scatter [tilespmem:s8], [sflag:$0xC], $0x2000, $0x38;
	[tilespmem:$0x1A400] =	vst v63  }
0x8b: {  	_ =	swait.ge [sflag:s25], $0x2000  }
0x8c: {  	[sflag:s25] =	ssyncset.done $0x0  }
0x8d: {  	s12 =	simm.s32 $0x440;
	s15 =	simm.s32 $0x14400;
	[sflag:s25] =	ssyncadd.s32 $0xFFFFE000  }
0x8e: {  	[tilespmem:s15], [sflag:$0x8] =	stream.indirect.gather [hbm4b:s2+s29], $0x80, s12, s29, $0xb8;
	[tilespmem:$0x1A400] =	vst v63  }
0x8f: {  	_ =	swait.ge [sflag:s14], $0x2000  }
0x90: {  	[sflag:s14] =	ssyncset.done $0x0  }
0x91: {  	s15 =	sadd.s32 $0x800, s1;
	[sflag:s14] =	ssyncadd.s32 $0xFFFFE000  }
0x92: {  	[hbm4b:s15+s3] =	stream.linear.scatter [tilespmem:s9], [sflag:$0xD], $0x2000, $0x38;
	[tilespmem:$0x1A400] =	vst v63  }
0x93: {  	_ =	swait.ge [sflag:s30], $0x2000  }
0x94: {  	[sflag:s30] =	ssyncset.done $0x0  }
0x95: {  	s12 =	simm.s32 $0x480;
	s14 =	simm.s32 $0x16400;
	[sflag:s30] =	ssyncadd.s32 $0xFFFFE000  }
0x96: {  	[tilespmem:s14], [sflag:$0x9] =	stream.indirect.gather [hbm4b:s2+s29], $0x80, s12, s29, $0xb8;
	[tilespmem:$0x1A400] =	vst v63  }
0x97: {  	_ =	swait.ge [sflag:s16], $0x2000  }
0x98: {  	[sflag:s16] =	ssyncset.done $0x0  }
0x99: {  	s15 =	sadd.s32 $0xC00, s1;
	[sflag:s16] =	ssyncadd.s32 $0xFFFFE000  }
0x9a: {  	[hbm4b:s15+s3] =	stream.linear.scatter [tilespmem:s10], [sflag:$0xE], $0x2000, $0x38;
	[tilespmem:$0x1A400] =	vst v63  }
0x9b: {  	_ =	swait.ge [sflag:s31], $0x2000  }
0x9c: {  	[sflag:s31] =	ssyncset.done $0x0  }
0x9d: {  	s12 =	simm.s32 $0x18400;
	s16 =	simm.s32 $0x4C0;
	[sflag:s31] =	ssyncadd.s32 $0xFFFFE000  }
0x9e: {  	[tilespmem:s12], [sflag:$0xA] =	stream.indirect.gather [hbm4b:s2+s29], $0x80, s16, s29, $0xb8;
	[tilespmem:$0x1A400] =	vst v63  }
0x9f: {  	_ =	swait.ge [sflag:s17], $0x2000  }
0xa0: {  	[sflag:s17] =	ssyncset.done $0x0  }
0xa1: {  	s15 =	simm.s32 $0xE400;
	[sflag:s17] =	ssyncadd.s32 $0xFFFFE000;
	s17 =	sadd.s32 $0x1000, s1  }
0xa2: {  	[hbm4b:s17+s3] =	stream.linear.scatter [tilespmem:s15], [sflag:$0xF], $0x2000, $0x38;
	[tilespmem:$0x1A400] =	vst v63  }
0xa3: {  	_ =	swait.ge [sflag:s4], $0x2000  }
0xa4: {  	[sflag:s4] =	ssyncset.done $0x0  }
0xa5: {  	s16 =	simm.s32 $0x500;
	[sflag:s4] =	ssyncadd.s32 $0xFFFFE000  }
0xa6: {  	[tilespmem:s7], [sflag:$0x1] =	stream.indirect.gather [hbm4b:s2+s29], $0x80, s16, s29, $0xb8;
	[tilespmem:$0x1A400] =	vst v63  }
0xa7: {  	_ =	swait.ge [sflag:s6], $0x2000  }
0xa8: {  	[sflag:s6] =	ssyncset.done $0x0  }
0xa9: {  	s17 =	sadd.s32 $0x1400, s1;
	[sflag:s6] =	ssyncadd.s32 $0xFFFFE000  }
0xaa: {  	[hbm4b:s17+s3] =	stream.linear.scatter [tilespmem:s11], [sflag:$0x10], $0x2000, $0x38;
	[tilespmem:$0x1A400] =	vst v63  }
0xab: {  	_ =	swait.ge [sflag:s18], $0x2000  }
0xac: {  	[sflag:s18] =	ssyncset.done $0x0  }
0xad: {  	s4 =	simm.s32 $0x540;
	[sflag:s18] =	ssyncadd.s32 $0xFFFFE000  }
0xae: {  	[tilespmem:s8], [sflag:$0x2] =	stream.indirect.gather [hbm4b:s2+s29], $0x80, s4, s29, $0xb8;
	[tilespmem:$0x1A400] =	vst v63  }
0xaf: {  	_ =	swait.ge [sflag:s19], $0x2000  }
0xb0: {  	[sflag:s19] =	ssyncset.done $0x0  }
0xb1: {  	s6 =	sadd.s32 $0x1800, s1;
	[sflag:s19] =	ssyncadd.s32 $0xFFFFE000  }
0xb2: {  	[hbm4b:s6+s3] =	stream.linear.scatter [tilespmem:s13], [sflag:$0x11], $0x2000, $0x38;
	[tilespmem:$0x1A400] =	vst v63  }
0xb3: {  	_ =	swait.ge [sflag:s20], $0x2000  }
0xb4: {  	[sflag:s20] =	ssyncset.done $0x0  }
0xb5: {  	s7 =	simm.s32 $0x580;
	[sflag:s20] =	ssyncadd.s32 $0xFFFFE000  }
0xb6: {  	[tilespmem:s9], [sflag:$0x3] =	stream.indirect.gather [hbm4b:s2+s29], $0x80, s7, s29, $0xb8;
	[tilespmem:$0x1A400] =	vst v63  }
0xb7: {  	_ =	swait.ge [sflag:s21], $0x2000  }
0xb8: {  	[sflag:s21] =	ssyncset.done $0x0  }
0xb9: {  	s8 =	sadd.s32 $0x1C00, s1;
	s9 =	simm.s32 $0x14400;
	[sflag:s21] =	ssyncadd.s32 $0xFFFFE000  }
0xba: {  	[hbm4b:s8+s3] =	stream.linear.scatter [tilespmem:s9], [sflag:$0x12], $0x2000, $0x38;
	[tilespmem:$0x1A400] =	vst v63  }
0xbb: {  	_ =	swait.ge [sflag:s22], $0x2000  }
0xbc: {  	[sflag:s22] =	ssyncset.done $0x0  }
0xbd: {  	s11 =	simm.s32 $0x5C0;
	[sflag:s22] =	ssyncadd.s32 $0xFFFFE000  }
0xbe: {  	[tilespmem:s10], [sflag:$0x4] =	stream.indirect.gather [hbm4b:s2+s29], $0x80, s11, s29, $0xb8;
	[tilespmem:$0x1A400] =	vst v63  }
0xbf: {  	_ =	swait.ge [sflag:s23], $0x2000  }
0xc0: {  	[sflag:s23] =	ssyncset.done $0x0  }
0xc1: {  	s14 =	simm.s32 $0x16400;
	s13 =	sadd.s32 $0x2000, s1;
	[sflag:s23] =	ssyncadd.s32 $0xFFFFE000  }
0xc2: {  	[hbm4b:s13+s3] =	stream.linear.scatter [tilespmem:s14], [sflag:$0x13], $0x2000, $0x38;
	[tilespmem:$0x1A400] =	vst v63  }
0xc3: {  	_ =	swait.ge [sflag:s24], $0x2000  }
0xc4: {  	[sflag:s24] =	ssyncset.done $0x0  }
0xc5: {  	s16 =	simm.s32 $0x600;
	[sflag:s24] =	ssyncadd.s32 $0xFFFFE000  }
0xc6: {  	[tilespmem:s15], [sflag:$0x5] =	stream.indirect.gather [hbm4b:s2+s29], $0x80, s16, s29, $0xb8;
	[tilespmem:$0x1A400] =	vst v63  }
0xc7: {  	_ =	swait.ge [sflag:s26], $0x2000  }
0xc8: {  	[sflag:s26] =	ssyncset.done $0x0  }
0xc9: {  	s17 =	sadd.s32 $0x2400, s1;
	[sflag:s26] =	ssyncadd.s32 $0xFFFFE000  }
0xca: {  	[hbm4b:s17+s3] =	stream.linear.scatter [tilespmem:s12], [sflag:$0x14], $0x2000, $0x38;
	[tilespmem:$0x1A400] =	vst v63  }
0xcb: {  	_ =	swait.ge [sflag:s5], $0x2000  }
0xcc: {  	s0 =	simm.s32 $0xA00;
	[sflag:s5] =	ssyncset.done $0x0  }
0xcd: {  	s4 =	simm.s32 $0x640;
	s1 =	sadd.s32 $0x2800, s1;
	[sflag:s5] =	ssyncadd.s32 $0xFFFFE000  }
.LBB2_2:
0xce: {  	s11 =	simm.s32 $0x10400  }
0xcf: {  	[tilespmem:s11], [sflag:$0x6] =	stream.indirect.gather [hbm4b:s2+s29], $0x80, s4, s29, $0xb8;
	[tilespmem:$0x1A400] =	vst v63  }
0xd0: {  	s6 =	simm.s32 $0x1;
	s4 =	smov.u32 s0  }
0xd1: {  	p0 =	sne.s32 s0, $0x17200;
	s0 =	sadd.s32 $0xA00, s0;
	_ =	swait.ge [sflag:s6], $0x2000  }
0xd2: {  	[sflag:s6] =	ssyncset.done $0x0  }
0xd3: {  	s10 =	simm.s32 $0x6400;
	[sflag:s6] =	ssyncadd.s32 $0xFFFFE000  }
0xd4: {  	[hbm4b:s1+s3] =	stream.linear.scatter [tilespmem:s10], [sflag:$0xB], $0x2000, $0x38;
	[tilespmem:$0x1A400] =	vst v63  }
0xd5: {  	_ =	swait.ge [sflag:s28], $0x2000  }
0xd6: {  	s4 =	sshra.s32 s4, $0x2;
	[sflag:s28] =	ssyncset.done $0x0  }
0xd7: {  	s13 =	simm.s32 $0x12400;
	s6 =	sadd.s32 $0x400, s4;
	[sflag:s28] =	ssyncadd.s32 $0xFFFFE000  }
0xd8: {  	[tilespmem:s13], [sflag:$0x7] =	stream.indirect.gather [hbm4b:s2+s29], $0x80, s6, s29, $0xb8;
	[tilespmem:$0x1A400] =	vst v63  }
0xd9: {  	s6 =	simm.s32 $0x2  }
0xda: {  	_ =	swait.ge [sflag:s6], $0x2000  }
0xdb: {  	[sflag:s6] =	ssyncset.done $0x0  }
0xdc: {  	s12 =	simm.s32 $0x8400;
	[sflag:s6] =	ssyncadd.s32 $0xFFFFE000;
	s6 =	sadd.s32 $0x400, s1  }
0xdd: {  	[hbm4b:s6+s3] =	stream.linear.scatter [tilespmem:s12], [sflag:$0xC], $0x2000, $0x38;
	[tilespmem:$0x1A400] =	vst v63  }
0xde: {  	_ =	swait.ge [sflag:s25], $0x2000  }
0xdf: {  	[sflag:s25] =	ssyncset.done $0x0  }
0xe0: {  	s15 =	simm.s32 $0x14400;
	s6 =	sadd.s32 $0x440, s4;
	[sflag:s25] =	ssyncadd.s32 $0xFFFFE000  }
0xe1: {  	[tilespmem:s15], [sflag:$0x8] =	stream.indirect.gather [hbm4b:s2+s29], $0x80, s6, s29, $0xb8;
	[tilespmem:$0x1A400] =	vst v63  }
0xe2: {  	s6 =	simm.s32 $0x3  }
0xe3: {  	_ =	swait.ge [sflag:s6], $0x2000  }
0xe4: {  	[sflag:s6] =	ssyncset.done $0x0  }
0xe5: {  	s14 =	simm.s32 $0xA400;
	[sflag:s6] =	ssyncadd.s32 $0xFFFFE000;
	s6 =	sadd.s32 $0x800, s1  }
0xe6: {  	[hbm4b:s6+s3] =	stream.linear.scatter [tilespmem:s14], [sflag:$0xD], $0x2000, $0x38;
	[tilespmem:$0x1A400] =	vst v63  }
0xe7: {  	_ =	swait.ge [sflag:s30], $0x2000  }
0xe8: {  	[sflag:s30] =	ssyncset.done $0x0  }
0xe9: {  	s16 =	simm.s32 $0x16400;
	s6 =	sadd.s32 $0x480, s4;
	[sflag:s30] =	ssyncadd.s32 $0xFFFFE000  }
0xea: {  	[tilespmem:s16], [sflag:$0x9] =	stream.indirect.gather [hbm4b:s2+s29], $0x80, s6, s29, $0xb8;
	[tilespmem:$0x1A400] =	vst v63  }
0xeb: {  	s6 =	simm.s32 $0x4  }
0xec: {  	_ =	swait.ge [sflag:s6], $0x2000  }
0xed: {  	[sflag:s6] =	ssyncset.done $0x0  }
0xee: {  	s7 =	simm.s32 $0xC400;
	[sflag:s6] =	ssyncadd.s32 $0xFFFFE000;
	s6 =	sadd.s32 $0xC00, s1  }
0xef: {  	[hbm4b:s6+s3] =	stream.linear.scatter [tilespmem:s7], [sflag:$0xE], $0x2000, $0x38;
	[tilespmem:$0x1A400] =	vst v63  }
0xf0: {  	_ =	swait.ge [sflag:s31], $0x2000  }
0xf1: {  	[sflag:s31] =	ssyncset.done $0x0  }
0xf2: {  	s17 =	simm.s32 $0x18400;
	s6 =	sadd.s32 $0x4C0, s4;
	[sflag:s31] =	ssyncadd.s32 $0xFFFFE000  }
0xf3: {  	[tilespmem:s17], [sflag:$0xA] =	stream.indirect.gather [hbm4b:s2+s29], $0x80, s6, s29, $0xb8;
	[tilespmem:$0x1A400] =	vst v63  }
0xf4: {  	s6 =	simm.s32 $0x5  }
0xf5: {  	_ =	swait.ge [sflag:s6], $0x2000  }
0xf6: {  	[sflag:s6] =	ssyncset.done $0x0  }
0xf7: {  	s9 =	simm.s32 $0xE400;
	[sflag:s6] =	ssyncadd.s32 $0xFFFFE000;
	s6 =	sadd.s32 $0x1000, s1  }
0xf8: {  	[hbm4b:s6+s3] =	stream.linear.scatter [tilespmem:s9], [sflag:$0xF], $0x2000, $0x38;
	[tilespmem:$0x1A400] =	vst v63  }
0xf9: {  	s6 =	simm.s32 $0xB  }
0xfa: {  	_ =	swait.ge [sflag:s6], $0x2000  }
0xfb: {  	[sflag:s6] =	ssyncset.done $0x0  }
0xfc: {  	[sflag:s6] =	ssyncadd.s32 $0xFFFFE000;
	s6 =	sadd.s32 $0x500, s4  }
0xfd: {  	[tilespmem:s10], [sflag:$0x1] =	stream.indirect.gather [hbm4b:s2+s29], $0x80, s6, s29, $0xb8;
	[tilespmem:$0x1A400] =	vst v63  }
0xfe: {  	s8 =	simm.s32 $0x6400;
	s6 =	simm.s32 $0x6  }
0xff: {  	_ =	swait.ge [sflag:s6], $0x2000  }
0x100: {  	[sflag:s6] =	ssyncset.done $0x0  }
0x101: {  	[sflag:s6] =	ssyncadd.s32 $0xFFFFE000;
	s6 =	sadd.s32 $0x1400, s1  }
0x102: {  	[hbm4b:s6+s3] =	stream.linear.scatter [tilespmem:s11], [sflag:$0x10], $0x2000, $0x38;
	[tilespmem:$0x1A400] =	vst v63  }
0x103: {  	_ =	swait.ge [sflag:s18], $0x2000  }
0x104: {  	[sflag:s18] =	ssyncset.done $0x0  }
0x105: {  	s10 =	simm.s32 $0x8400;
	s6 =	sadd.s32 $0x540, s4;
	[sflag:s18] =	ssyncadd.s32 $0xFFFFE000  }
0x106: {  	[tilespmem:s12], [sflag:$0x2] =	stream.indirect.gather [hbm4b:s2+s29], $0x80, s6, s29, $0xb8;
	[tilespmem:$0x1A400] =	vst v63  }
0x107: {  	_ =	swait.ge [sflag:s19], $0x2000  }
0x108: {  	[sflag:s19] =	ssyncset.done $0x0  }
0x109: {  	s6 =	sadd.s32 $0x1800, s1;
	[sflag:s19] =	ssyncadd.s32 $0xFFFFE000  }
0x10a: {  	[hbm4b:s6+s3] =	stream.linear.scatter [tilespmem:s13], [sflag:$0x11], $0x2000, $0x38;
	[tilespmem:$0x1A400] =	vst v63  }
0x10b: {  	_ =	swait.ge [sflag:s20], $0x2000  }
0x10c: {  	[sflag:s20] =	ssyncset.done $0x0  }
0x10d: {  	s12 =	simm.s32 $0xA400;
	s6 =	sadd.s32 $0x580, s4;
	[sflag:s20] =	ssyncadd.s32 $0xFFFFE000  }
0x10e: {  	[tilespmem:s14], [sflag:$0x3] =	stream.indirect.gather [hbm4b:s2+s29], $0x80, s6, s29, $0xb8;
	[tilespmem:$0x1A400] =	vst v63  }
0x10f: {  	_ =	swait.ge [sflag:s21], $0x2000  }
0x110: {  	[sflag:s21] =	ssyncset.done $0x0  }
0x111: {  	s6 =	sadd.s32 $0x1C00, s1;
	[sflag:s21] =	ssyncadd.s32 $0xFFFFE000  }
0x112: {  	[hbm4b:s6+s3] =	stream.linear.scatter [tilespmem:s15], [sflag:$0x12], $0x2000, $0x38;
	[tilespmem:$0x1A400] =	vst v63  }
0x113: {  	_ =	swait.ge [sflag:s22], $0x2000  }
0x114: {  	[sflag:s22] =	ssyncset.done $0x0  }
0x115: {  	s14 =	simm.s32 $0xC400;
	s6 =	sadd.s32 $0x5C0, s4;
	[sflag:s22] =	ssyncadd.s32 $0xFFFFE000  }
0x116: {  	[tilespmem:s7], [sflag:$0x4] =	stream.indirect.gather [hbm4b:s2+s29], $0x80, s6, s29, $0xb8;
	[tilespmem:$0x1A400] =	vst v63  }
0x117: {  	_ =	swait.ge [sflag:s23], $0x2000  }
0x118: {  	[sflag:s23] =	ssyncset.done $0x0  }
0x119: {  	s6 =	sadd.s32 $0x2000, s1;
	[sflag:s23] =	ssyncadd.s32 $0xFFFFE000  }
0x11a: {  	[hbm4b:s6+s3] =	stream.linear.scatter [tilespmem:s16], [sflag:$0x13], $0x2000, $0x38;
	[tilespmem:$0x1A400] =	vst v63  }
0x11b: {  	_ =	swait.ge [sflag:s24], $0x2000  }
0x11c: {  	[sflag:s24] =	ssyncset.done $0x0  }
0x11d: {  	s7 =	simm.s32 $0xE400;
	s6 =	sadd.s32 $0x600, s4;
	[sflag:s24] =	ssyncadd.s32 $0xFFFFE000  }
0x11e: {  	[tilespmem:s9], [sflag:$0x5] =	stream.indirect.gather [hbm4b:s2+s29], $0x80, s6, s29, $0xb8;
	[tilespmem:$0x1A400] =	vst v63  }
0x11f: {  	_ =	swait.ge [sflag:s26], $0x2000  }
0x120: {  	[sflag:s26] =	ssyncset.done $0x0  }
.Ltmp0:
0x121: {  	s6 =	sadd.s32 $0x2400, s1;
	[sflag:s26] =	ssyncadd.s32 $0xFFFFE000;
	(pc) =	sbr.rel @p0 .LBB2_2-.Ltmp0, $4  }
0x122: {  	[hbm4b:s6+s3] =	stream.linear.scatter [tilespmem:s17], [sflag:$0x14], $0x2000, $0x38;
	[tilespmem:$0x1A400] =	vst v63  }
0x123: {  	_ =	swait.ge [sflag:s5], $0x2000  }
0x124: {  	[sflag:s5] =	ssyncset.done $0x0  }
0x125: {  	s4 =	sadd.s32 $0x640, s4;
	s1 =	sadd.s32 $0x2800, s1;
	[sflag:s5] =	ssyncadd.s32 $0xFFFFE000  }
0x126: {  	s1 =	simm.s32 $0x10400;
	s0 =	simm.s32 $0x1  }
0x127: {  	[tilespmem:s1], [sflag:$0x6] =	stream.indirect.gather [hbm4b:s2+s29], $0x80, s4, s29, $0xb8;
	[tilespmem:$0x1A400] =	vst v63  }
0x128: {  	_ =	swait.ge [sflag:s0], $0x2000  }
0x129: {  	[sflag:s0] =	ssyncset.done $0x0  }
0x12a: {  	s15 =	rddreg [dreg:$0xe];
	[sflag:s0] =	ssyncadd.s32 $0xFFFFE000  }
0x12b: {  	[hbm4b:s15+s3] =	stream.linear.scatter [tilespmem:s8], [sflag:$0xB], $0x2000, $0x38;
	[tilespmem:$0x1A400] =	vst v63  }
0x12c: {  	_ =	swait.ge [sflag:s28], $0x2000  }
0x12d: {  	s16 =	simm.s32 $0x6300;
	[sflag:s28] =	ssyncset.done $0x0  }
0x12e: {  	s17 =	simm.s32 $0x2;
	s4 =	simm.s32 $0x12400;
	[sflag:s28] =	ssyncadd.s32 $0xFFFFE000  }
0x12f: {  	[tilespmem:s4], [sflag:$0x7] =	stream.indirect.gather [hbm4b:s2+s29], $0x80, s16, s29, $0xb8;
	[tilespmem:$0x1A400] =	vst v63  }
0x130: {  	_ =	swait.ge [sflag:s17], $0x2000  }
0x131: {  	[sflag:s17] =	ssyncset.done $0x0  }
0x132: {  	s6 =	rddreg [dreg:$0xf];
	[sflag:s17] =	ssyncadd.s32 $0xFFFFE000  }
0x133: {  	[hbm4b:s6+s3] =	stream.linear.scatter [tilespmem:s10], [sflag:$0xC], $0x2000, $0x38;
	[tilespmem:$0x1A400] =	vst v63  }
0x134: {  	_ =	swait.ge [sflag:s25], $0x2000  }
0x135: {  	s9 =	simm.s32 $0x3;
	[sflag:s25] =	ssyncset.done $0x0  }
0x136: {  	s8 =	simm.s32 $0x6340;
	s6 =	simm.s32 $0x14400;
	[sflag:s25] =	ssyncadd.s32 $0xFFFFE000  }
0x137: {  	[tilespmem:s6], [sflag:$0x8] =	stream.indirect.gather [hbm4b:s2+s29], $0x80, s8, s29, $0xb8;
	[tilespmem:$0x1A400] =	vst v63  }
0x138: {  	_ =	swait.ge [sflag:s9], $0x2000  }
0x139: {  	[sflag:s9] =	ssyncset.done $0x0  }
0x13a: {  	s10 =	rddreg [dreg:$0x10];
	[sflag:s9] =	ssyncadd.s32 $0xFFFFE000  }
0x13b: {  	[hbm4b:s10+s3] =	stream.linear.scatter [tilespmem:s12], [sflag:$0xD], $0x2000, $0x38;
	[tilespmem:$0x1A400] =	vst v63  }
0x13c: {  	_ =	swait.ge [sflag:s30], $0x2000  }
0x13d: {  	s11 =	simm.s32 $0x6380;
	[sflag:s30] =	ssyncset.done $0x0  }
0x13e: {  	s8 =	simm.s32 $0x16400;
	s12 =	simm.s32 $0x4;
	[sflag:s30] =	ssyncadd.s32 $0xFFFFE000  }
0x13f: {  	[tilespmem:s8], [sflag:$0x9] =	stream.indirect.gather [hbm4b:s2+s29], $0x80, s11, s29, $0xb8;
	[tilespmem:$0x1A400] =	vst v63  }
0x140: {  	_ =	swait.ge [sflag:s12], $0x2000  }
0x141: {  	[sflag:s12] =	ssyncset.done $0x0  }
0x142: {  	s13 =	rddreg [dreg:$0x11];
	[sflag:s12] =	ssyncadd.s32 $0xFFFFE000  }
0x143: {  	[hbm4b:s13+s3] =	stream.linear.scatter [tilespmem:s14], [sflag:$0xE], $0x2000, $0x38;
	[tilespmem:$0x1A400] =	vst v63  }
0x144: {  	_ =	swait.ge [sflag:s31], $0x2000  }
0x145: {  	s15 =	simm.s32 $0x63C0;
	[sflag:s31] =	ssyncset.done $0x0  }
0x146: {  	s16 =	simm.s32 $0x5;
	s9 =	simm.s32 $0x18400;
	[sflag:s31] =	ssyncadd.s32 $0xFFFFE000  }
0x147: {  	[tilespmem:s9], [sflag:$0xA] =	stream.indirect.gather [hbm4b:s2+s29], $0x80, s15, s29, $0xb8;
	[tilespmem:$0x1A400] =	vst v63  }
0x148: {  	_ =	swait.ge [sflag:s16], $0x2000  }
0x149: {  	[sflag:s16] =	ssyncset.done $0x0  }
0x14a: {  	s17 =	rddreg [dreg:$0x12];
	[sflag:s16] =	ssyncadd.s32 $0xFFFFE000  }
0x14b: {  	[hbm4b:s17+s3] =	stream.linear.scatter [tilespmem:s7], [sflag:$0xF], $0x2000, $0x38;
	[tilespmem:$0x1A400] =	vst v63  }
0x14c: {  	s7 =	simm.s32 $0x6  }
0x14d: {  	_ =	swait.ge [sflag:s7], $0x2000  }
0x14e: {  	[sflag:s7] =	ssyncset.done $0x0  }
0x14f: {  	s10 =	rddreg [dreg:$0x13];
	[sflag:s7] =	ssyncadd.s32 $0xFFFFE000  }
0x150: {  	[hbm4b:s10+s3] =	stream.linear.scatter [tilespmem:s1], [sflag:$0x10], $0x2000, $0x38;
	[tilespmem:$0x1A400] =	vst v63  }
0x151: {  	_ =	swait.ge [sflag:s19], $0x2000  }
0x152: {  	[sflag:s19] =	ssyncset.done $0x0  }
0x153: {  	s11 =	rddreg [dreg:$0x14];
	[sflag:s19] =	ssyncadd.s32 $0xFFFFE000  }
0x154: {  	[hbm4b:s11+s3] =	stream.linear.scatter [tilespmem:s4], [sflag:$0x11], $0x2000, $0x38;
	[tilespmem:$0x1A400] =	vst v63  }
0x155: {  	_ =	swait.ge [sflag:s21], $0x2000  }
0x156: {  	[sflag:s21] =	ssyncset.done $0x0  }
0x157: {  	s12 =	rddreg [dreg:$0x15];
	[sflag:s21] =	ssyncadd.s32 $0xFFFFE000  }
0x158: {  	[hbm4b:s12+s3] =	stream.linear.scatter [tilespmem:s6], [sflag:$0x12], $0x2000, $0x38;
	[tilespmem:$0x1A400] =	vst v63  }
0x159: {  	_ =	swait.ge [sflag:s23], $0x2000  }
0x15a: {  	[sflag:s23] =	ssyncset.done $0x0  }
0x15b: {  	s13 =	rddreg [dreg:$0x16];
	[sflag:s23] =	ssyncadd.s32 $0xFFFFE000  }
0x15c: {  	[hbm4b:s13+s3] =	stream.linear.scatter [tilespmem:s8], [sflag:$0x13], $0x2000, $0x38;
	[tilespmem:$0x1A400] =	vst v63  }
0x15d: {  	_ =	swait.ge [sflag:s26], $0x2000  }
0x15e: {  	[sflag:s26] =	ssyncset.done $0x0  }
0x15f: {  	s15 =	simm.s32 $0xB;
	s14 =	rddreg [dreg:$0x17];
	[sflag:s26] =	ssyncadd.s32 $0xFFFFE000  }
0x160: {  	[hbm4b:s14+s3] =	stream.linear.scatter [tilespmem:s9], [sflag:$0x14], $0x2000, $0x38;
	[tilespmem:$0x1A400] =	vst v63  }
0x161: {  	_ =	swait.ge [sflag:s15], $0x2000  }
0x162: {  	[sflag:s15] =	ssyncset.done $0x0  }
0x163: {  	[sflag:s15] =	ssyncadd.s32 $0xFFFFE000  }
0x164: {  	_ =	swait.ge [sflag:s18], $0x2000  }
0x165: {  	[sflag:s18] =	ssyncset.done $0x0  }
0x166: {  	[sflag:s18] =	ssyncadd.s32 $0xFFFFE000  }
0x167: {  	_ =	swait.ge [sflag:s20], $0x2000  }
0x168: {  	[sflag:s20] =	ssyncset.done $0x0  }
0x169: {  	[sflag:s20] =	ssyncadd.s32 $0xFFFFE000  }
0x16a: {  	_ =	swait.ge [sflag:s22], $0x2000  }
0x16b: {  	[sflag:s22] =	ssyncset.done $0x0  }
0x16c: {  	[sflag:s22] =	ssyncadd.s32 $0xFFFFE000  }
0x16d: {  	_ =	swait.ge [sflag:s24], $0x2000  }
0x16e: {  	[sflag:s24] =	ssyncset.done $0x0  }
0x16f: {  	[sflag:s24] =	ssyncadd.s32 $0xFFFFE000  }
0x170: {  	_ =	swait.ge [sflag:s5], $0x2000  }
0x171: {  	[sflag:s5] =	ssyncset.done $0x0  }
0x172: {  	[sflag:s5] =	ssyncadd.s32 $0xFFFFE000  }
0x173: {  	_ =	swait.ge [sflag:s28], $0x2000  }
0x174: {  	[sflag:s28] =	ssyncset.done $0x0  }
0x175: {  	[sflag:s28] =	ssyncadd.s32 $0xFFFFE000  }
0x176: {  	_ =	swait.ge [sflag:s25], $0x2000  }
0x177: {  	[sflag:s25] =	ssyncset.done $0x0  }
0x178: {  	[sflag:s25] =	ssyncadd.s32 $0xFFFFE000  }
0x179: {  	_ =	swait.ge [sflag:s30], $0x2000  }
0x17a: {  	[sflag:s30] =	ssyncset.done $0x0  }
0x17b: {  	[sflag:s30] =	ssyncadd.s32 $0xFFFFE000  }
0x17c: {  	_ =	swait.ge [sflag:s31], $0x2000  }
0x17d: {  	s16 =	rddreg [dreg:$0x1b]  }
0x17e: {  	s17 =	rddreg [dreg:$0x18];
	s1 =	sadd.s32 $0x1, s16  }
0x17f: {  	p0 =	sne.s32 s1, s17  }
.Ltmp1:
0x180: {  	_ = 	snop;
	(pc) =	sbr.rel @p0 .LBB2_1-.Ltmp1, $3  }
0x181: {  	_ =	sdelay $0x1  }
0x182: {  	[sflag:s31] =	ssyncset.done $0x0  }
0x183: {  	[sflag:s31] =	ssyncadd.s32 $0xFFFFE000  }
0x184: {  	_ =	sfence.sel $0x180000  }
0x185: {  	[bflag:$0x0] =	sbarrier.arrive $0xFFFF  }
0x186: {  	_ =	strace $0x90000047  }
0x187: {  	s0 =	stileid.u32;
	[bflag:$0x2] =	sbarrier.arrive $0xFFFF  }
0x188: {  	p0 =	sne.s32 s0, $0x0;
	s0 =	rddreg [dreg:$0x3]  }
0x189: {  	s0 =	sadd.s32 @!p0 $0x100000, s0  }
0x18a: {  	[sflag:s0] =	ssyncadd.tile.s32 @!p0 $0x1;
	_ =	shalt  }
.Lfunc_end2:
_tile_overlayer_lowered:
.L_overlay_start_2:
0x18b: {  	(tag) =	ssettag $0x2  }
0x18c: {  	s0 =	rddreg [dreg:$0x0];
	s2 =	stileid.u32  }
0x18d: {  	s1 =	rddreg [dreg:$0x1];
	p0 =	sne.s32 s2, $0x0  }
0x18e: {  	s3 =	rddreg [dreg:$0x2];
	[bflag:$0x3] =	sbarrier.arrive $0xFFFF;
	s2 =	simm.s32 @!p0 $0x1C15  }
0x18f: {  	[timem:s3], [sflag:s2] =	dma.local @!p0 [hbm:s0], s1  }
0x190: {  	s0 =	simm.s32 @!p0 $0x15  }
0x191: {  	_ =	swait.ge @!p0 [sflag:s0], s1  }
0x192: {  	s1 =	ssub.s32 @!p0 $0x0, s1;
	[sflag:s0] =	ssyncset.done @!p0 $0x0  }
0x193: {  	[sflag:s0] =	ssyncadd.s32 @!p0 s1  }
0x194: {  	[bflag:$0x3] =	sbarrier.arrive $0xFFFF  }
0x195: {  	_ =	shalt  }

</sc_bundles>
